<compile_context>
chip_gen: v7x
topology: tpu7x:2x2x1
jax: 0.10.2.dev20260603
libtpu: 0.0.44.dev20260713+nightly
codegen_flags: <defaults>
</compile_context>

<pallas_src>
import functools

import jax
import jax.numpy as jnp
from jax import lax
from jax.experimental import pallas as pl
from jax.experimental.pallas import tpu as pltpu
from jax.experimental.pallas import tpu_sc as plsc

LANES = 16
NUM_CORES = 2
NUM_SUBCORES = 16
NW = NUM_CORES * NUM_SUBCORES
R = 80
NBUF = 5
GA = NBUF - 2


def _encode(xf, pos_full, embedding, total, S, D):
    b_per_w = total // NW
    n_chunks = b_per_w // R
    n_groups = n_chunks // NBUF
    PB = S + R - (S % R if S % R else R)
    nvr = D // LANES

    mesh = plsc.VectorSubcoreMesh(core_axis_name="c", subcore_axis_name="s")

    @functools.partial(
        pl.kernel,
        out_type=jax.ShapeDtypeStruct((total, D), jnp.float32),
        mesh=mesh,
        scratch_types=[
            pltpu.VMEM((n_chunks, R), jnp.int32),
            pltpu.VMEM((PB, D), jnp.float32),
            pltpu.VMEM((NBUF, R, D), jnp.float32),
        ]
        + [pltpu.SemaphoreType.DMA] * (2 * NBUF),
    )
    def enc(x_hbm, pos_hbm, emb_hbm, out_hbm, idx_v, pos2_v, rows_v, *sems):
        gsem = sems[:NBUF]
        ssem = sems[NBUF:]
        wid = lax.axis_index("s") * NUM_CORES + lax.axis_index("c")
        row0 = wid * b_per_w

        pltpu.sync_copy(x_hbm.at[pl.ds(wid * n_chunks, n_chunks)], idx_v)
        pltpu.sync_copy(pos_hbm.at[pl.ds(0, S)], pos2_v.at[pl.ds(0, S)])
        pltpu.sync_copy(pos_hbm.at[pl.ds(0, PB - S)], pos2_v.at[pl.ds(S, PB - S)])

        H = R // 2
        for k in range(GA):
            for h in range(2):
                pltpu.async_copy(
                    emb_hbm.at[idx_v.at[k, pl.ds(h * H, H)]],
                    rows_v.at[k, pl.ds(h * H, H)],
                    gsem[k],
                )

        def group(g, carry):
            for u in range(NBUF):
                c = g * NBUF + u
                rb = rows_v.at[u]
                pltpu.make_async_copy(
                    emb_hbm.at[idx_v.at[c]], rb, gsem[u]
                ).wait()

                b2 = (u + GA) % NBUF
                ob2 = out_hbm.at[pl.ds(row0 + (c - 2) * R, R)]

                @pl.when(c >= 2)
                def _(b2=b2, ob2=ob2):
                    pltpu.make_async_copy(rows_v.at[b2], ob2, ssem[b2]).wait()

                @pl.when(c + GA < n_chunks)
                def _(c=c, b2=b2):
                    for h in range(2):
                        pltpu.async_copy(
                            emb_hbm.at[idx_v.at[c + GA, pl.ds(h * H, H)]],
                            rows_v.at[b2, pl.ds(h * H, H)],
                            gsem[b2],
                        )

                p = lax.rem(c * R, S)

                def addrow(r, carry2, rb=rb, p=p):
                    pvals = [
                        pos2_v[p + r, pl.ds(j * LANES, LANES)]
                        for j in range(nvr)
                    ]
                    for j in range(nvr):
                        plsc.addupdate(
                            rb.at[r, pl.ds(j * LANES, LANES)], pvals[j]
                        )
                    return carry2

                lax.fori_loop(0, R, addrow, 0, unroll=2)

                pltpu.async_copy(
                    rb, out_hbm.at[pl.ds(row0 + c * R, R)], ssem[u]
                )

            return carry

        lax.fori_loop(0, n_groups, group, 0)

        for c in (n_chunks - 2, n_chunks - 1):
            b = c % NBUF
            pltpu.make_async_copy(
                rows_v.at[b], out_hbm.at[pl.ds(row0 + c * R, R)], ssem[b]
            ).wait()

    return enc(xf, pos_full, embedding)


def kernel(x, embedding, positional_encoding):
    B, S = x.shape
    V, D = embedding.shape
    total = B * S
    xf = x.reshape(total // R, R).astype(jnp.int32)
    out = _encode(xf, positional_encoding, embedding, total, S, D)
    return out.reshape(B, S, D)

# --- scband reference (transcript-rebuilt; emitter-appended) ---
"""Pipeline reference for scband-text-encoder-71356586655996 (READ-ONLY COPY).

The authoritative reference and input builder live on the scoring server;
editing this copy changes nothing except your own understanding.
"""

import jax, jax.numpy as jnp
import numpy as np

VOCAB = 100000
D_MODEL = 128
BATCH = 4096
SEQ = 200
POS_LEN = 1024

def setup_inputs(seed: int = 0) -> dict:
    key = jax.random.key(seed)
    k1, k2, k3 = jax.random.split(key, 3)
    x = jax.random.randint(k1, (BATCH, SEQ), 0, VOCAB, dtype=jnp.int64) if jax.config.read('jax_enable_x64') else jax.random.randint(k1, (BATCH, SEQ), 0, VOCAB, dtype=jnp.int32)
    embedding = jax.random.normal(k2, (VOCAB, D_MODEL), dtype=jnp.float32)
    positional_encoding = jax.random.normal(k3, (POS_LEN, D_MODEL), dtype=jnp.float32)
    return {"x": x, "embedding": embedding, "positional_encoding": positional_encoding}

def reference(x, embedding, positional_encoding):
    seq_len = x.shape[1]
    embedded = jnp.take(embedding, x, axis=0)  # gather: [B, S, D]
    if seq_len <= positional_encoding.shape[0]:
        pos_enc = positional_encoding[:seq_len][None, :, :]
        embedded = embedded + pos_enc
    return embedded

if __name__ == "__main__":
    import jax
    _d = setup_inputs()
    print(jax.jit(kernel)(*tuple(_d.values())))

</pallas_src>

<mosaic_0001>
#map = affine_map<(d0, d1) -> (0, 0)>
module attributes {stable_mosaic.version = 14 : i64} {
  func.func @enc(%arg0: i32, %arg1: i32, %arg2: memref<10240x80xi32, #tpu.memory_space<hbm>>, %arg3: memref<1024x128xf32, #tpu.memory_space<hbm>>, %arg4: memref<100000x128xf32, #tpu.memory_space<hbm>>, %arg5: memref<819200x128xf32, #tpu.memory_space<hbm>>, %arg6: memref<320x80xi32, #tpu.memory_space<vmem>>, %arg7: memref<240x128xf32, #tpu.memory_space<vmem>>, %arg8: memref<5x80x128xf32, #tpu.memory_space<vmem>>, %arg9: memref<!tpu.dma_semaphore, #tpu.memory_space<semaphore_mem>>, %arg10: memref<!tpu.dma_semaphore, #tpu.memory_space<semaphore_mem>>, %arg11: memref<!tpu.dma_semaphore, #tpu.memory_space<semaphore_mem>>, %arg12: memref<!tpu.dma_semaphore, #tpu.memory_space<semaphore_mem>>, %arg13: memref<!tpu.dma_semaphore, #tpu.memory_space<semaphore_mem>>, %arg14: memref<!tpu.dma_semaphore, #tpu.memory_space<semaphore_mem>>, %arg15: memref<!tpu.dma_semaphore, #tpu.memory_space<semaphore_mem>>, %arg16: memref<!tpu.dma_semaphore, #tpu.memory_space<semaphore_mem>>, %arg17: memref<!tpu.dma_semaphore, #tpu.memory_space<semaphore_mem>>, %arg18: memref<!tpu.dma_semaphore, #tpu.memory_space<semaphore_mem>>) attributes {dimension_semantics = [#tpu.dimension_semantics<core_parallel>, #tpu.dimension_semantics<subcore_parallel>], iteration_bounds = array<i64: 2, 16>, scalar_prefetch = 0 : i64, scratch_operands = 13 : i64, tpu.core_type = #tpu.core_type<sc_vector_subcore>, window_params = [{transform_indices = #map}, {transform_indices = #map}, {transform_indices = #map}, {transform_indices = #map}]} {
    %mul3A = arith.constant 2 : i32
    %mul3A_0 = arith.muli %arg1, %mul3A : i32
    %add3A = arith.addi %mul3A_0, %arg0 : i32
    %mul3A_1 = arith.constant 25600 : i32
    %mul3A_2 = arith.muli %add3A, %mul3A_1 : i32
    %mul3A_3 = arith.constant 320 : i32
    %mul3A_4 = arith.muli %add3A, %mul3A_3 : i32
    "tpu.region"() ({
      %run_scoped3A = tpu.sem_alloc : memref<!tpu.dma_semaphore, #tpu.memory_space<semaphore_mem>>
      %dma_start3A_110 = arith.constant 0 : i32
      %dma_start3A_111 = tpu.memref_slice %arg2[%mul3A_4, %dma_start3A_110] : memref<10240x80xi32, #tpu.memory_space<hbm>> -> memref<320x80xi32, #tpu.memory_space<hbm>>
      %dma_start3A_112 = arith.constant 0 : i32
      %dma_start3A_113 = tpu.memref_slice %arg2[%mul3A_4, %dma_start3A_112] : memref<10240x80xi32, #tpu.memory_space<hbm>> -> memref<320x80xi32, #tpu.memory_space<hbm>>
      tpu.enqueue_dma source(%dma_start3A_113 : memref<320x80xi32, #tpu.memory_space<hbm>>) target(%arg6 : memref<320x80xi32, #tpu.memory_space<vmem>>) target_semaphore(%run_scoped3A : memref<!tpu.dma_semaphore, #tpu.memory_space<semaphore_mem>>)
      %dma_wait3A_114 = arith.constant 0 : i32
      %dma_wait3A_115 = tpu.memref_slice %arg2[%mul3A_4, %dma_wait3A_114] : memref<10240x80xi32, #tpu.memory_space<hbm>> -> memref<320x80xi32, #tpu.memory_space<hbm>>
      %dma_wait3A_116 = arith.constant 0 : i32
      %dma_wait3A_117 = tpu.memref_slice %arg2[%mul3A_4, %dma_wait3A_116] : memref<10240x80xi32, #tpu.memory_space<hbm>> -> memref<320x80xi32, #tpu.memory_space<hbm>>
      tpu.wait_dma2 semaphore(%run_scoped3A : memref<!tpu.dma_semaphore, #tpu.memory_space<semaphore_mem>>) src(%dma_wait3A_117 : memref<320x80xi32, #tpu.memory_space<hbm>>) dst(%arg6 : memref<320x80xi32, #tpu.memory_space<vmem>>)
      tpu.yield
    }) : () -> ()
    "tpu.region"() ({
      %run_scoped3A = tpu.sem_alloc : memref<!tpu.dma_semaphore, #tpu.memory_space<semaphore_mem>>
      %dma_start3A_110 = arith.constant 0 : i32
      %dma_start3A_111 = arith.constant 0 : i32
      %dma_start3A_112 = tpu.memref_slice %arg7[%dma_start3A_110, %dma_start3A_111] : memref<240x128xf32, #tpu.memory_space<vmem>> -> memref<200x128xf32, #tpu.memory_space<vmem>>
      %dma_start3A_113 = arith.constant 0 : i32
      %dma_start3A_114 = arith.constant 0 : i32
      %dma_start3A_115 = tpu.memref_slice %arg3[%dma_start3A_113, %dma_start3A_114] : memref<1024x128xf32, #tpu.memory_space<hbm>> -> memref<200x128xf32, #tpu.memory_space<hbm>>
      %dma_start3A_116 = arith.constant 0 : i32
      %dma_start3A_117 = arith.constant 0 : i32
      %dma_start3A_118 = tpu.memref_slice %arg7[%dma_start3A_116, %dma_start3A_117] : memref<240x128xf32, #tpu.memory_space<vmem>> -> memref<200x128xf32, #tpu.memory_space<vmem>>
      %dma_start3A_119 = arith.constant 0 : i32
      %dma_start3A_120 = arith.constant 0 : i32
      %dma_start3A_121 = tpu.memref_slice %arg3[%dma_start3A_119, %dma_start3A_120] : memref<1024x128xf32, #tpu.memory_space<hbm>> -> memref<200x128xf32, #tpu.memory_space<hbm>>
      tpu.enqueue_dma source(%dma_start3A_121 : memref<200x128xf32, #tpu.memory_space<hbm>>) target(%dma_start3A_118 : memref<200x128xf32, #tpu.memory_space<vmem>>) target_semaphore(%run_scoped3A : memref<!tpu.dma_semaphore, #tpu.memory_space<semaphore_mem>>)
      %dma_wait3A_122 = arith.constant 0 : i32
      %dma_wait3A_123 = arith.constant 0 : i32
      %dma_wait3A_124 = tpu.memref_slice %arg7[%dma_wait3A_122, %dma_wait3A_123] : memref<240x128xf32, #tpu.memory_space<vmem>> -> memref<200x128xf32, #tpu.memory_space<vmem>>
      %dma_wait3A_125 = arith.constant 0 : i32
      %dma_wait3A_126 = arith.constant 0 : i32
      %dma_wait3A_127 = tpu.memref_slice %arg3[%dma_wait3A_125, %dma_wait3A_126] : memref<1024x128xf32, #tpu.memory_space<hbm>> -> memref<200x128xf32, #tpu.memory_space<hbm>>
      %dma_wait3A_128 = arith.constant 0 : i32
      %dma_wait3A_129 = arith.constant 0 : i32
      %dma_wait3A_130 = tpu.memref_slice %arg7[%dma_wait3A_128, %dma_wait3A_129] : memref<240x128xf32, #tpu.memory_space<vmem>> -> memref<200x128xf32, #tpu.memory_space<vmem>>
      %dma_wait3A_131 = arith.constant 0 : i32
      %dma_wait3A_132 = arith.constant 0 : i32
      %dma_wait3A_133 = tpu.memref_slice %arg3[%dma_wait3A_131, %dma_wait3A_132] : memref<1024x128xf32, #tpu.memory_space<hbm>> -> memref<200x128xf32, #tpu.memory_space<hbm>>
      tpu.wait_dma2 semaphore(%run_scoped3A : memref<!tpu.dma_semaphore, #tpu.memory_space<semaphore_mem>>) src(%dma_wait3A_133 : memref<200x128xf32, #tpu.memory_space<hbm>>) dst(%dma_wait3A_130 : memref<200x128xf32, #tpu.memory_space<vmem>>)
      tpu.yield
    }) : () -> ()
    "tpu.region"() ({
      %run_scoped3A = tpu.sem_alloc : memref<!tpu.dma_semaphore, #tpu.memory_space<semaphore_mem>>
      %dma_start3A_110 = arith.constant 200 : i32
      %dma_start3A_111 = arith.constant 0 : i32
      %dma_start3A_112 = tpu.memref_slice %arg7[%dma_start3A_110, %dma_start3A_111] : memref<240x128xf32, #tpu.memory_space<vmem>> -> memref<40x128xf32, #tpu.memory_space<vmem>>
      %dma_start3A_113 = arith.constant 0 : i32
      %dma_start3A_114 = arith.constant 0 : i32
      %dma_start3A_115 = tpu.memref_slice %arg3[%dma_start3A_113, %dma_start3A_114] : memref<1024x128xf32, #tpu.memory_space<hbm>> -> memref<40x128xf32, #tpu.memory_space<hbm>>
      %dma_start3A_116 = arith.constant 200 : i32
      %dma_start3A_117 = arith.constant 0 : i32
      %dma_start3A_118 = tpu.memref_slice %arg7[%dma_start3A_116, %dma_start3A_117] : memref<240x128xf32, #tpu.memory_space<vmem>> -> memref<40x128xf32, #tpu.memory_space<vmem>>
      %dma_start3A_119 = arith.constant 0 : i32
      %dma_start3A_120 = arith.constant 0 : i32
      %dma_start3A_121 = tpu.memref_slice %arg3[%dma_start3A_119, %dma_start3A_120] : memref<1024x128xf32, #tpu.memory_space<hbm>> -> memref<40x128xf32, #tpu.memory_space<hbm>>
      tpu.enqueue_dma source(%dma_start3A_121 : memref<40x128xf32, #tpu.memory_space<hbm>>) target(%dma_start3A_118 : memref<40x128xf32, #tpu.memory_space<vmem>>) target_semaphore(%run_scoped3A : memref<!tpu.dma_semaphore, #tpu.memory_space<semaphore_mem>>)
      %dma_wait3A_122 = arith.constant 200 : i32
      %dma_wait3A_123 = arith.constant 0 : i32
      %dma_wait3A_124 = tpu.memref_slice %arg7[%dma_wait3A_122, %dma_wait3A_123] : memref<240x128xf32, #tpu.memory_space<vmem>> -> memref<40x128xf32, #tpu.memory_space<vmem>>
      %dma_wait3A_125 = arith.constant 0 : i32
      %dma_wait3A_126 = arith.constant 0 : i32
      %dma_wait3A_127 = tpu.memref_slice %arg3[%dma_wait3A_125, %dma_wait3A_126] : memref<1024x128xf32, #tpu.memory_space<hbm>> -> memref<40x128xf32, #tpu.memory_space<hbm>>
      %dma_wait3A_128 = arith.constant 200 : i32
      %dma_wait3A_129 = arith.constant 0 : i32
      %dma_wait3A_130 = tpu.memref_slice %arg7[%dma_wait3A_128, %dma_wait3A_129] : memref<240x128xf32, #tpu.memory_space<vmem>> -> memref<40x128xf32, #tpu.memory_space<vmem>>
      %dma_wait3A_131 = arith.constant 0 : i32
      %dma_wait3A_132 = arith.constant 0 : i32
      %dma_wait3A_133 = tpu.memref_slice %arg3[%dma_wait3A_131, %dma_wait3A_132] : memref<1024x128xf32, #tpu.memory_space<hbm>> -> memref<40x128xf32, #tpu.memory_space<hbm>>
      tpu.wait_dma2 semaphore(%run_scoped3A : memref<!tpu.dma_semaphore, #tpu.memory_space<semaphore_mem>>) src(%dma_wait3A_133 : memref<40x128xf32, #tpu.memory_space<hbm>>) dst(%dma_wait3A_130 : memref<40x128xf32, #tpu.memory_space<vmem>>)
      tpu.yield
    }) : () -> ()
    %dma_start3A = arith.constant 0 : i32
    %dma_start3A_5 = arith.constant 0 : i32
    %dma_start3A_6 = arith.constant 0 : i32
    %dma_start3A_7 = arith.constant 0 : i32
    %dma_start3A_8 = tpu.memref_slice %arg8[%dma_start3A_5, %dma_start3A_6, %dma_start3A_7] : memref<5x80x128xf32, #tpu.memory_space<vmem>> -> memref<1x40x128xf32, #tpu.memory_space<vmem>>
    %dma_start3A_9 = tpu.memref_squeeze %dma_start3A_8 : memref<1x40x128xf32, #tpu.memory_space<vmem>> -> memref<40x128xf32, #tpu.memory_space<vmem>>
    %dma_start3A_10 = arith.constant 0 : i32
    %dma_start3A_11 = tpu.memref_slice %arg6[%dma_start3A, %dma_start3A_10] : memref<320x80xi32, #tpu.memory_space<vmem>> -> memref<1x40xi32, #tpu.memory_space<vmem>>
    %dma_start3A_12 = tpu.memref_squeeze %dma_start3A_11 : memref<1x40xi32, #tpu.memory_space<vmem>> -> memref<40xi32, #tpu.memory_space<vmem>>
    %dma_start3A_13 = arith.constant 0 : i32
    %dma_start3A_14 = arith.constant 0 : i32
    %dma_start3A_15 = tpu.memref_slice %arg4[%dma_start3A_13, %dma_start3A_14] : memref<100000x128xf32, #tpu.memory_space<hbm>> -> memref<100000x128xf32, #tpu.memory_space<hbm>>
    tpu.enqueue_indirect_dma source(%dma_start3A_15 : memref<100000x128xf32, #tpu.memory_space<hbm>>) target(%dma_start3A_9 : memref<40x128xf32, #tpu.memory_space<vmem>>) offsets(%dma_start3A_12 : memref<40xi32, #tpu.memory_space<vmem>>) semaphore(%arg9 : memref<!tpu.dma_semaphore, #tpu.memory_space<semaphore_mem>>)
    %dma_start3A_16 = arith.constant 0 : i32
    %dma_start3A_17 = arith.constant 0 : i32
    %dma_start3A_18 = arith.constant 40 : i32
    %dma_start3A_19 = arith.constant 0 : i32
    %dma_start3A_20 = tpu.memref_slice %arg8[%dma_start3A_17, %dma_start3A_18, %dma_start3A_19] : memref<5x80x128xf32, #tpu.memory_space<vmem>> -> memref<1x40x128xf32, #tpu.memory_space<vmem>>
    %dma_start3A_21 = tpu.memref_squeeze %dma_start3A_20 : memref<1x40x128xf32, #tpu.memory_space<vmem>> -> memref<40x128xf32, #tpu.memory_space<vmem>>
    %dma_start3A_22 = arith.constant 40 : i32
    %dma_start3A_23 = tpu.memref_slice %arg6[%dma_start3A_16, %dma_start3A_22] : memref<320x80xi32, #tpu.memory_space<vmem>> -> memref<1x40xi32, #tpu.memory_space<vmem>>
    %dma_start3A_24 = tpu.memref_squeeze %dma_start3A_23 : memref<1x40xi32, #tpu.memory_space<vmem>> -> memref<40xi32, #tpu.memory_space<vmem>>
    %dma_start3A_25 = arith.constant 0 : i32
    %dma_start3A_26 = arith.constant 0 : i32
    %dma_start3A_27 = tpu.memref_slice %arg4[%dma_start3A_25, %dma_start3A_26] : memref<100000x128xf32, #tpu.memory_space<hbm>> -> memref<100000x128xf32, #tpu.memory_space<hbm>>
    tpu.enqueue_indirect_dma source(%dma_start3A_27 : memref<100000x128xf32, #tpu.memory_space<hbm>>) target(%dma_start3A_21 : memref<40x128xf32, #tpu.memory_space<vmem>>) offsets(%dma_start3A_24 : memref<40xi32, #tpu.memory_space<vmem>>) semaphore(%arg9 : memref<!tpu.dma_semaphore, #tpu.memory_space<semaphore_mem>>)
    %dma_start3A_28 = arith.constant 1 : i32
    %dma_start3A_29 = arith.constant 1 : i32
    %dma_start3A_30 = arith.constant 0 : i32
    %dma_start3A_31 = arith.constant 0 : i32
    %dma_start3A_32 = tpu.memref_slice %arg8[%dma_start3A_29, %dma_start3A_30, %dma_start3A_31] : memref<5x80x128xf32, #tpu.memory_space<vmem>> -> memref<1x40x128xf32, #tpu.memory_space<vmem>>
    %dma_start3A_33 = tpu.memref_squeeze %dma_start3A_32 : memref<1x40x128xf32, #tpu.memory_space<vmem>> -> memref<40x128xf32, #tpu.memory_space<vmem>>
    %dma_start3A_34 = arith.constant 0 : i32
    %dma_start3A_35 = tpu.memref_slice %arg6[%dma_start3A_28, %dma_start3A_34] : memref<320x80xi32, #tpu.memory_space<vmem>> -> memref<1x40xi32, #tpu.memory_space<vmem>>
    %dma_start3A_36 = tpu.memref_squeeze %dma_start3A_35 : memref<1x40xi32, #tpu.memory_space<vmem>> -> memref<40xi32, #tpu.memory_space<vmem>>
    %dma_start3A_37 = arith.constant 0 : i32
    %dma_start3A_38 = arith.constant 0 : i32
    %dma_start3A_39 = tpu.memref_slice %arg4[%dma_start3A_37, %dma_start3A_38] : memref<100000x128xf32, #tpu.memory_space<hbm>> -> memref<100000x128xf32, #tpu.memory_space<hbm>>
    tpu.enqueue_indirect_dma source(%dma_start3A_39 : memref<100000x128xf32, #tpu.memory_space<hbm>>) target(%dma_start3A_33 : memref<40x128xf32, #tpu.memory_space<vmem>>) offsets(%dma_start3A_36 : memref<40xi32, #tpu.memory_space<vmem>>) semaphore(%arg10 : memref<!tpu.dma_semaphore, #tpu.memory_space<semaphore_mem>>)
    %dma_start3A_40 = arith.constant 1 : i32
    %dma_start3A_41 = arith.constant 1 : i32
    %dma_start3A_42 = arith.constant 40 : i32
    %dma_start3A_43 = arith.constant 0 : i32
    %dma_start3A_44 = tpu.memref_slice %arg8[%dma_start3A_41, %dma_start3A_42, %dma_start3A_43] : memref<5x80x128xf32, #tpu.memory_space<vmem>> -> memref<1x40x128xf32, #tpu.memory_space<vmem>>
    %dma_start3A_45 = tpu.memref_squeeze %dma_start3A_44 : memref<1x40x128xf32, #tpu.memory_space<vmem>> -> memref<40x128xf32, #tpu.memory_space<vmem>>
    %dma_start3A_46 = arith.constant 40 : i32
    %dma_start3A_47 = tpu.memref_slice %arg6[%dma_start3A_40, %dma_start3A_46] : memref<320x80xi32, #tpu.memory_space<vmem>> -> memref<1x40xi32, #tpu.memory_space<vmem>>
    %dma_start3A_48 = tpu.memref_squeeze %dma_start3A_47 : memref<1x40xi32, #tpu.memory_space<vmem>> -> memref<40xi32, #tpu.memory_space<vmem>>
    %dma_start3A_49 = arith.constant 0 : i32
    %dma_start3A_50 = arith.constant 0 : i32
    %dma_start3A_51 = tpu.memref_slice %arg4[%dma_start3A_49, %dma_start3A_50] : memref<100000x128xf32, #tpu.memory_space<hbm>> -> memref<100000x128xf32, #tpu.memory_space<hbm>>
    tpu.enqueue_indirect_dma source(%dma_start3A_51 : memref<100000x128xf32, #tpu.memory_space<hbm>>) target(%dma_start3A_45 : memref<40x128xf32, #tpu.memory_space<vmem>>) offsets(%dma_start3A_48 : memref<40xi32, #tpu.memory_space<vmem>>) semaphore(%arg10 : memref<!tpu.dma_semaphore, #tpu.memory_space<semaphore_mem>>)
    %dma_start3A_52 = arith.constant 2 : i32
    %dma_start3A_53 = arith.constant 2 : i32
    %dma_start3A_54 = arith.constant 0 : i32
    %dma_start3A_55 = arith.constant 0 : i32
    %dma_start3A_56 = tpu.memref_slice %arg8[%dma_start3A_53, %dma_start3A_54, %dma_start3A_55] : memref<5x80x128xf32, #tpu.memory_space<vmem>> -> memref<1x40x128xf32, #tpu.memory_space<vmem>>
    %dma_start3A_57 = tpu.memref_squeeze %dma_start3A_56 : memref<1x40x128xf32, #tpu.memory_space<vmem>> -> memref<40x128xf32, #tpu.memory_space<vmem>>
    %dma_start3A_58 = arith.constant 0 : i32
    %dma_start3A_59 = tpu.memref_slice %arg6[%dma_start3A_52, %dma_start3A_58] : memref<320x80xi32, #tpu.memory_space<vmem>> -> memref<1x40xi32, #tpu.memory_space<vmem>>
    %dma_start3A_60 = tpu.memref_squeeze %dma_start3A_59 : memref<1x40xi32, #tpu.memory_space<vmem>> -> memref<40xi32, #tpu.memory_space<vmem>>
    %dma_start3A_61 = arith.constant 0 : i32
    %dma_start3A_62 = arith.constant 0 : i32
    %dma_start3A_63 = tpu.memref_slice %arg4[%dma_start3A_61, %dma_start3A_62] : memref<100000x128xf32, #tpu.memory_space<hbm>> -> memref<100000x128xf32, #tpu.memory_space<hbm>>
    tpu.enqueue_indirect_dma source(%dma_start3A_63 : memref<100000x128xf32, #tpu.memory_space<hbm>>) target(%dma_start3A_57 : memref<40x128xf32, #tpu.memory_space<vmem>>) offsets(%dma_start3A_60 : memref<40xi32, #tpu.memory_space<vmem>>) semaphore(%arg11 : memref<!tpu.dma_semaphore, #tpu.memory_space<semaphore_mem>>)
    %dma_start3A_64 = arith.constant 2 : i32
    %dma_start3A_65 = arith.constant 2 : i32
    %dma_start3A_66 = arith.constant 40 : i32
    %dma_start3A_67 = arith.constant 0 : i32
    %dma_start3A_68 = tpu.memref_slice %arg8[%dma_start3A_65, %dma_start3A_66, %dma_start3A_67] : memref<5x80x128xf32, #tpu.memory_space<vmem>> -> memref<1x40x128xf32, #tpu.memory_space<vmem>>
    %dma_start3A_69 = tpu.memref_squeeze %dma_start3A_68 : memref<1x40x128xf32, #tpu.memory_space<vmem>> -> memref<40x128xf32, #tpu.memory_space<vmem>>
    %dma_start3A_70 = arith.constant 40 : i32
    %dma_start3A_71 = tpu.memref_slice %arg6[%dma_start3A_64, %dma_start3A_70] : memref<320x80xi32, #tpu.memory_space<vmem>> -> memref<1x40xi32, #tpu.memory_space<vmem>>
    %dma_start3A_72 = tpu.memref_squeeze %dma_start3A_71 : memref<1x40xi32, #tpu.memory_space<vmem>> -> memref<40xi32, #tpu.memory_space<vmem>>
    %dma_start3A_73 = arith.constant 0 : i32
    %dma_start3A_74 = arith.constant 0 : i32
    %dma_start3A_75 = tpu.memref_slice %arg4[%dma_start3A_73, %dma_start3A_74] : memref<100000x128xf32, #tpu.memory_space<hbm>> -> memref<100000x128xf32, #tpu.memory_space<hbm>>
    tpu.enqueue_indirect_dma source(%dma_start3A_75 : memref<100000x128xf32, #tpu.memory_space<hbm>>) target(%dma_start3A_69 : memref<40x128xf32, #tpu.memory_space<vmem>>) offsets(%dma_start3A_72 : memref<40xi32, #tpu.memory_space<vmem>>) semaphore(%arg11 : memref<!tpu.dma_semaphore, #tpu.memory_space<semaphore_mem>>)
    %scan3A = arith.constant 0 : i32
    %scan3A_76 = arith.constant 0 : i32
    %scan3A_77 = arith.constant 64 : i32
    %scan3A_78 = arith.addi %scan3A_76, %scan3A_77 : i32
    %scan3A_79 = arith.constant 1 : i32
    scf.for %scan3A_110 = %scan3A_76 to %scan3A_78 step %scan3A_79  : i32 {
      %mul3A_111 = arith.constant 5 : i32
      %mul3A_112 = arith.muli %scan3A_110, %mul3A_111 : i32
      %add3A_113 = arith.constant 0 : i32
      %add3A_114 = arith.addi %mul3A_112, %add3A_113 : i32
      %dma_wait3A_115 = arith.constant 0 : i32
      %dma_wait3A_116 = arith.constant 0 : i32
      %dma_wait3A_117 = arith.constant 0 : i32
      %dma_wait3A_118 = tpu.memref_slice %arg8[%dma_wait3A_115, %dma_wait3A_116, %dma_wait3A_117] : memref<5x80x128xf32, #tpu.memory_space<vmem>> -> memref<1x80x128xf32, #tpu.memory_space<vmem>>
      %dma_wait3A_119 = tpu.memref_squeeze %dma_wait3A_118 : memref<1x80x128xf32, #tpu.memory_space<vmem>> -> memref<80x128xf32, #tpu.memory_space<vmem>>
      %dma_wait3A_120 = arith.constant 0 : i32
      %dma_wait3A_121 = tpu.memref_slice %arg6[%add3A_114, %dma_wait3A_120] : memref<320x80xi32, #tpu.memory_space<vmem>> -> memref<1x80xi32, #tpu.memory_space<vmem>>
      %dma_wait3A_122 = tpu.memref_squeeze %dma_wait3A_121 : memref<1x80xi32, #tpu.memory_space<vmem>> -> memref<80xi32, #tpu.memory_space<vmem>>
      %dma_wait3A_123 = arith.constant 0 : i32
      %dma_wait3A_124 = arith.constant 0 : i32
      %dma_wait3A_125 = tpu.memref_slice %arg4[%dma_wait3A_123, %dma_wait3A_124] : memref<100000x128xf32, #tpu.memory_space<hbm>> -> memref<100000x128xf32, #tpu.memory_space<hbm>>
      tpu.wait_indirect_dma semaphore(%arg9 : memref<!tpu.dma_semaphore, #tpu.memory_space<semaphore_mem>>) src(%dma_wait3A_125 : memref<100000x128xf32, #tpu.memory_space<hbm>>) dst(%dma_wait3A_119 : memref<80x128xf32, #tpu.memory_space<vmem>>)
      %sub3A = arith.constant 2 : i32
      %sub3A_126 = arith.subi %add3A_114, %sub3A : i32
      %mul3A_127 = arith.constant 80 : i32
      %mul3A_128 = arith.muli %sub3A_126, %mul3A_127 : i32
      %add3A_129 = arith.addi %mul3A_2, %mul3A_128 : i32
      %ge3A = arith.constant 2 : i32
      %ge3A_130 = arith.cmpi sge, %add3A_114, %ge3A : i32
      %convert_element_type3A = arith.extui %ge3A_130 : i1 to i32
      %cond3A = arith.constant 0 : i32
      %cond3A_131 = arith.cmpi ne, %convert_element_type3A, %cond3A : i32
      scf.if %cond3A_131 {
        %dma_wait3A_400 = arith.constant 3 : i32
        %dma_wait3A_401 = arith.constant 0 : i32
        %dma_wait3A_402 = arith.constant 0 : i32
        %dma_wait3A_403 = tpu.memref_slice %arg8[%dma_wait3A_400, %dma_wait3A_401, %dma_wait3A_402] : memref<5x80x128xf32, #tpu.memory_space<vmem>> -> memref<1x80x128xf32, #tpu.memory_space<vmem>>
        %dma_wait3A_404 = tpu.memref_squeeze %dma_wait3A_403 : memref<1x80x128xf32, #tpu.memory_space<vmem>> -> memref<80x128xf32, #tpu.memory_space<vmem>>
        %dma_wait3A_405 = arith.constant 0 : i32
        %dma_wait3A_406 = tpu.memref_slice %arg5[%add3A_129, %dma_wait3A_405] : memref<819200x128xf32, #tpu.memory_space<hbm>> -> memref<80x128xf32, #tpu.memory_space<hbm>>
        %dma_wait3A_407 = arith.constant 0 : i32
        %dma_wait3A_408 = tpu.memref_slice %arg5[%add3A_129, %dma_wait3A_407] : memref<819200x128xf32, #tpu.memory_space<hbm>> -> memref<80x128xf32, #tpu.memory_space<hbm>>
        %dma_wait3A_409 = arith.constant 0 : i32
        %dma_wait3A_410 = arith.constant 0 : i32
        %dma_wait3A_411 = tpu.memref_slice %arg8[%dma_wait3A_400, %dma_wait3A_409, %dma_wait3A_410] : memref<5x80x128xf32, #tpu.memory_space<vmem>> -> memref<1x80x128xf32, #tpu.memory_space<vmem>>
        %dma_wait3A_412 = tpu.memref_squeeze %dma_wait3A_411 : memref<1x80x128xf32, #tpu.memory_space<vmem>> -> memref<80x128xf32, #tpu.memory_space<vmem>>
        tpu.wait_dma2 semaphore(%arg17 : memref<!tpu.dma_semaphore, #tpu.memory_space<semaphore_mem>>) src(%dma_wait3A_412 : memref<80x128xf32, #tpu.memory_space<vmem>>) dst(%dma_wait3A_408 : memref<80x128xf32, #tpu.memory_space<hbm>>)
      } else {
      }
      %add3A_132 = arith.constant 3 : i32
      %add3A_133 = arith.addi %add3A_114, %add3A_132 : i32
      %lt3A = arith.constant 320 : i32
      %lt3A_134 = arith.cmpi slt, %add3A_133, %lt3A : i32
      %convert_element_type3A_135 = arith.extui %lt3A_134 : i1 to i32
      %cond3A_136 = arith.constant 0 : i32
      %cond3A_137 = arith.cmpi ne, %convert_element_type3A_135, %cond3A_136 : i32
      scf.if %cond3A_137 {
        %add3A_400 = arith.constant 3 : i32
        %add3A_401 = arith.addi %add3A_114, %add3A_400 : i32
        %dma_start3A_402 = arith.constant 3 : i32
        %dma_start3A_403 = arith.constant 0 : i32
        %dma_start3A_404 = arith.constant 0 : i32
        %dma_start3A_405 = tpu.memref_slice %arg8[%dma_start3A_402, %dma_start3A_403, %dma_start3A_404] : memref<5x80x128xf32, #tpu.memory_space<vmem>> -> memref<1x40x128xf32, #tpu.memory_space<vmem>>
        %dma_start3A_406 = tpu.memref_squeeze %dma_start3A_405 : memref<1x40x128xf32, #tpu.memory_space<vmem>> -> memref<40x128xf32, #tpu.memory_space<vmem>>
        %dma_start3A_407 = arith.constant 0 : i32
        %dma_start3A_408 = tpu.memref_slice %arg6[%add3A_401, %dma_start3A_407] : memref<320x80xi32, #tpu.memory_space<vmem>> -> memref<1x40xi32, #tpu.memory_space<vmem>>
        %dma_start3A_409 = tpu.memref_squeeze %dma_start3A_408 : memref<1x40xi32, #tpu.memory_space<vmem>> -> memref<40xi32, #tpu.memory_space<vmem>>
        %dma_start3A_410 = arith.constant 0 : i32
        %dma_start3A_411 = arith.constant 0 : i32
        %dma_start3A_412 = tpu.memref_slice %arg4[%dma_start3A_410, %dma_start3A_411] : memref<100000x128xf32, #tpu.memory_space<hbm>> -> memref<100000x128xf32, #tpu.memory_space<hbm>>
        tpu.enqueue_indirect_dma source(%dma_start3A_412 : memref<100000x128xf32, #tpu.memory_space<hbm>>) target(%dma_start3A_406 : memref<40x128xf32, #tpu.memory_space<vmem>>) offsets(%dma_start3A_409 : memref<40xi32, #tpu.memory_space<vmem>>) semaphore(%arg12 : memref<!tpu.dma_semaphore, #tpu.memory_space<semaphore_mem>>)
        %add3A_413 = arith.constant 3 : i32
        %add3A_414 = arith.addi %add3A_114, %add3A_413 : i32
        %dma_start3A_415 = arith.constant 3 : i32
        %dma_start3A_416 = arith.constant 40 : i32
        %dma_start3A_417 = arith.constant 0 : i32
        %dma_start3A_418 = tpu.memref_slice %arg8[%dma_start3A_415, %dma_start3A_416, %dma_start3A_417] : memref<5x80x128xf32, #tpu.memory_space<vmem>> -> memref<1x40x128xf32, #tpu.memory_space<vmem>>
        %dma_start3A_419 = tpu.memref_squeeze %dma_start3A_418 : memref<1x40x128xf32, #tpu.memory_space<vmem>> -> memref<40x128xf32, #tpu.memory_space<vmem>>
        %dma_start3A_420 = arith.constant 40 : i32
        %dma_start3A_421 = tpu.memref_slice %arg6[%add3A_414, %dma_start3A_420] : memref<320x80xi32, #tpu.memory_space<vmem>> -> memref<1x40xi32, #tpu.memory_space<vmem>>
        %dma_start3A_422 = tpu.memref_squeeze %dma_start3A_421 : memref<1x40xi32, #tpu.memory_space<vmem>> -> memref<40xi32, #tpu.memory_space<vmem>>
        %dma_start3A_423 = arith.constant 0 : i32
        %dma_start3A_424 = arith.constant 0 : i32
        %dma_start3A_425 = tpu.memref_slice %arg4[%dma_start3A_423, %dma_start3A_424] : memref<100000x128xf32, #tpu.memory_space<hbm>> -> memref<100000x128xf32, #tpu.memory_space<hbm>>
        tpu.enqueue_indirect_dma source(%dma_start3A_425 : memref<100000x128xf32, #tpu.memory_space<hbm>>) target(%dma_start3A_419 : memref<40x128xf32, #tpu.memory_space<vmem>>) offsets(%dma_start3A_422 : memref<40xi32, #tpu.memory_space<vmem>>) semaphore(%arg12 : memref<!tpu.dma_semaphore, #tpu.memory_space<semaphore_mem>>)
      } else {
      }
      %mul3A_138 = arith.constant 80 : i32
      %mul3A_139 = arith.muli %add3A_114, %mul3A_138 : i32
      %rem3A = arith.constant 200 : i32
      %rem3A_140 = arith.remsi %mul3A_139, %rem3A : i32
      %scan3A_141 = arith.constant 0 : i32
      %scan3A_142 = arith.constant 0 : i32
      %scan3A_143 = arith.constant 0 : i32
      %scan3A_144 = arith.constant 80 : i32
      %scan3A_145 = arith.addi %scan3A_143, %scan3A_144 : i32
      %scan3A_146 = arith.constant 2 : i32
      scf.for %scan3A_400 = %scan3A_143 to %scan3A_145 step %scan3A_146  : i32 {
        %add3A_401 = arith.addi %rem3A_140, %scan3A_400 : i32
        %get3A = arith.index_cast %add3A_401 : i32 to index
        %get3A_402 = arith.constant 0 : index
        %get3A_403 = tpu.vector_load %arg7[%get3A, %get3A_402] {strides = array<i32>} : memref<240x128xf32, #tpu.memory_space<vmem>>, vector<1x16xf32>,
        %get3A_404 = vector.shape_cast %get3A_403 : vector<1x16xf32> to vector<16xf32>
        %add3A_405 = arith.addi %rem3A_140, %scan3A_400 : i32
        %get3A_406 = arith.index_cast %add3A_405 : i32 to index
        %get3A_407 = arith.constant 16 : index
        %get3A_408 = tpu.vector_load %arg7[%get3A_406, %get3A_407] {strides = array<i32>} : memref<240x128xf32, #tpu.memory_space<vmem>>, vector<1x16xf32>,
        %get3A_409 = vector.shape_cast %get3A_408 : vector<1x16xf32> to vector<16xf32>
        %add3A_410 = arith.addi %rem3A_140, %scan3A_400 : i32
        %get3A_411 = arith.index_cast %add3A_410 : i32 to index
        %get3A_412 = arith.constant 32 : index
        %get3A_413 = tpu.vector_load %arg7[%get3A_411, %get3A_412] {strides = array<i32>} : memref<240x128xf32, #tpu.memory_space<vmem>>, vector<1x16xf32>,
        %get3A_414 = vector.shape_cast %get3A_413 : vector<1x16xf32> to vector<16xf32>
        %add3A_415 = arith.addi %rem3A_140, %scan3A_400 : i32
        %get3A_416 = arith.index_cast %add3A_415 : i32 to index
        %get3A_417 = arith.constant 48 : index
        %get3A_418 = tpu.vector_load %arg7[%get3A_416, %get3A_417] {strides = array<i32>} : memref<240x128xf32, #tpu.memory_space<vmem>>, vector<1x16xf32>,
        %get3A_419 = vector.shape_cast %get3A_418 : vector<1x16xf32> to vector<16xf32>
        %add3A_420 = arith.addi %rem3A_140, %scan3A_400 : i32
        %get3A_421 = arith.index_cast %add3A_420 : i32 to index
        %get3A_422 = arith.constant 64 : index
        %get3A_423 = tpu.vector_load %arg7[%get3A_421, %get3A_422] {strides = array<i32>} : memref<240x128xf32, #tpu.memory_space<vmem>>, vector<1x16xf32>,
        %get3A_424 = vector.shape_cast %get3A_423 : vector<1x16xf32> to vector<16xf32>
        %add3A_425 = arith.addi %rem3A_140, %scan3A_400 : i32
        %get3A_426 = arith.index_cast %add3A_425 : i32 to index
        %get3A_427 = arith.constant 80 : index
        %get3A_428 = tpu.vector_load %arg7[%get3A_426, %get3A_427] {strides = array<i32>} : memref<240x128xf32, #tpu.memory_space<vmem>>, vector<1x16xf32>,
        %get3A_429 = vector.shape_cast %get3A_428 : vector<1x16xf32> to vector<16xf32>
        %add3A_430 = arith.addi %rem3A_140, %scan3A_400 : i32
        %get3A_431 = arith.index_cast %add3A_430 : i32 to index
        %get3A_432 = arith.constant 96 : index
        %get3A_433 = tpu.vector_load %arg7[%get3A_431, %get3A_432] {strides = array<i32>} : memref<240x128xf32, #tpu.memory_space<vmem>>, vector<1x16xf32>,
        %get3A_434 = vector.shape_cast %get3A_433 : vector<1x16xf32> to vector<16xf32>
        %add3A_435 = arith.addi %rem3A_140, %scan3A_400 : i32
        %get3A_436 = arith.index_cast %add3A_435 : i32 to index
        %get3A_437 = arith.constant 112 : index
        %get3A_438 = tpu.vector_load %arg7[%get3A_436, %get3A_437] {strides = array<i32>} : memref<240x128xf32, #tpu.memory_space<vmem>>, vector<1x16xf32>,
        %get3A_439 = vector.shape_cast %get3A_438 : vector<1x16xf32> to vector<16xf32>
        %swap3A = arith.constant 0 : i32
        %swap3A_440 = arith.constant 0 : i32
        %swap3A_441 = tpu.memref_slice %arg8[%scan3A_142, %swap3A, %swap3A_440] : memref<5x80x128xf32, #tpu.memory_space<vmem>> -> memref<1x80x128xf32, #tpu.memory_space<vmem>>
        %swap3A_442 = tpu.memref_squeeze %swap3A_441 : memref<1x80x128xf32, #tpu.memory_space<vmem>> -> memref<80x128xf32, #tpu.memory_space<vmem>>
        %swap3A_443 = arith.index_cast %scan3A_400 : i32 to index
        %swap3A_444 = arith.constant 0 : index
        %swap3A_445 = tpu.vector_load %swap3A_442[%swap3A_443, %swap3A_444] {strides = array<i32>} : memref<80x128xf32, #tpu.memory_space<vmem>>, vector<1x16xf32>,
        %swap3A_446 = vector.shape_cast %swap3A_445 : vector<1x16xf32> to vector<16xf32>
        %swap3A_447 = vector.shape_cast %get3A_404 : vector<16xf32> to vector<1x16xf32>
        tpu.vector_store %swap3A_442[%swap3A_443, %swap3A_444], %swap3A_447 {add = true, strides = array<i32>} : memref<80x128xf32, #tpu.memory_space<vmem>>, vector<1x16xf32>,
        %swap3A_448 = arith.constant 0 : i32
        %swap3A_449 = arith.constant 0 : i32
        %swap3A_450 = tpu.memref_slice %arg8[%scan3A_142, %swap3A_448, %swap3A_449] : memref<5x80x128xf32, #tpu.memory_space<vmem>> -> memref<1x80x128xf32, #tpu.memory_space<vmem>>
        %swap3A_451 = tpu.memref_squeeze %swap3A_450 : memref<1x80x128xf32, #tpu.memory_space<vmem>> -> memref<80x128xf32, #tpu.memory_space<vmem>>
        %swap3A_452 = arith.index_cast %scan3A_400 : i32 to index
        %swap3A_453 = arith.constant 16 : index
        %swap3A_454 = tpu.vector_load %swap3A_451[%swap3A_452, %swap3A_453] {strides = array<i32>} : memref<80x128xf32, #tpu.memory_space<vmem>>, vector<1x16xf32>,
        %swap3A_455 = vector.shape_cast %swap3A_454 : vector<1x16xf32> to vector<16xf32>
        %swap3A_456 = vector.shape_cast %get3A_409 : vector<16xf32> to vector<1x16xf32>
        tpu.vector_store %swap3A_451[%swap3A_452, %swap3A_453], %swap3A_456 {add = true, strides = array<i32>} : memref<80x128xf32, #tpu.memory_space<vmem>>, vector<1x16xf32>,
        %swap3A_457 = arith.constant 0 : i32
        %swap3A_458 = arith.constant 0 : i32
        %swap3A_459 = tpu.memref_slice %arg8[%scan3A_142, %swap3A_457, %swap3A_458] : memref<5x80x128xf32, #tpu.memory_space<vmem>> -> memref<1x80x128xf32, #tpu.memory_space<vmem>>
        %swap3A_460 = tpu.memref_squeeze %swap3A_459 : memref<1x80x128xf32, #tpu.memory_space<vmem>> -> memref<80x128xf32, #tpu.memory_space<vmem>>
        %swap3A_461 = arith.index_cast %scan3A_400 : i32 to index
        %swap3A_462 = arith.constant 32 : index
        %swap3A_463 = tpu.vector_load %swap3A_460[%swap3A_461, %swap3A_462] {strides = array<i32>} : memref<80x128xf32, #tpu.memory_space<vmem>>, vector<1x16xf32>,
        %swap3A_464 = vector.shape_cast %swap3A_463 : vector<1x16xf32> to vector<16xf32>
        %swap3A_465 = vector.shape_cast %get3A_414 : vector<16xf32> to vector<1x16xf32>
        tpu.vector_store %swap3A_460[%swap3A_461, %swap3A_462], %swap3A_465 {add = true, strides = array<i32>} : memref<80x128xf32, #tpu.memory_space<vmem>>, vector<1x16xf32>,
        %swap3A_466 = arith.constant 0 : i32
        %swap3A_467 = arith.constant 0 : i32
        %swap3A_468 = tpu.memref_slice %arg8[%scan3A_142, %swap3A_466, %swap3A_467] : memref<5x80x128xf32, #tpu.memory_space<vmem>> -> memref<1x80x128xf32, #tpu.memory_space<vmem>>
        %swap3A_469 = tpu.memref_squeeze %swap3A_468 : memref<1x80x128xf32, #tpu.memory_space<vmem>> -> memref<80x128xf32, #tpu.memory_space<vmem>>
        %swap3A_470 = arith.index_cast %scan3A_400 : i32 to index
        %swap3A_471 = arith.constant 48 : index
        %swap3A_472 = tpu.vector_load %swap3A_469[%swap3A_470, %swap3A_471] {strides = array<i32>} : memref<80x128xf32, #tpu.memory_space<vmem>>, vector<1x16xf32>,
        %swap3A_473 = vector.shape_cast %swap3A_472 : vector<1x16xf32> to vector<16xf32>
        %swap3A_474 = vector.shape_cast %get3A_419 : vector<16xf32> to vector<1x16xf32>
        tpu.vector_store %swap3A_469[%swap3A_470, %swap3A_471], %swap3A_474 {add = true, strides = array<i32>} : memref<80x128xf32, #tpu.memory_space<vmem>>, vector<1x16xf32>,
        %swap3A_475 = arith.constant 0 : i32
        %swap3A_476 = arith.constant 0 : i32
        %swap3A_477 = tpu.memref_slice %arg8[%scan3A_142, %swap3A_475, %swap3A_476] : memref<5x80x128xf32, #tpu.memory_space<vmem>> -> memref<1x80x128xf32, #tpu.memory_space<vmem>>
        %swap3A_478 = tpu.memref_squeeze %swap3A_477 : memref<1x80x128xf32, #tpu.memory_space<vmem>> -> memref<80x128xf32, #tpu.memory_space<vmem>>
        %swap3A_479 = arith.index_cast %scan3A_400 : i32 to index
        %swap3A_480 = arith.constant 64 : index
        %swap3A_481 = tpu.vector_load %swap3A_478[%swap3A_479, %swap3A_480] {strides = array<i32>} : memref<80x128xf32, #tpu.memory_space<vmem>>, vector<1x16xf32>,
        %swap3A_482 = vector.shape_cast %swap3A_481 : vector<1x16xf32> to vector<16xf32>
        %swap3A_483 = vector.shape_cast %get3A_424 : vector<16xf32> to vector<1x16xf32>
        tpu.vector_store %swap3A_478[%swap3A_479, %swap3A_480], %swap3A_483 {add = true, strides = array<i32>} : memref<80x128xf32, #tpu.memory_space<vmem>>, vector<1x16xf32>,
        %swap3A_484 = arith.constant 0 : i32
        %swap3A_485 = arith.constant 0 : i32
        %swap3A_486 = tpu.memref_slice %arg8[%scan3A_142, %swap3A_484, %swap3A_485] : memref<5x80x128xf32, #tpu.memory_space<vmem>> -> memref<1x80x128xf32, #tpu.memory_space<vmem>>
        %swap3A_487 = tpu.memref_squeeze %swap3A_486 : memref<1x80x128xf32, #tpu.memory_space<vmem>> -> memref<80x128xf32, #tpu.memory_space<vmem>>
        %swap3A_488 = arith.index_cast %scan3A_400 : i32 to index
        %swap3A_489 = arith.constant 80 : index
        %swap3A_490 = tpu.vector_load %swap3A_487[%swap3A_488, %swap3A_489] {strides = array<i32>} : memref<80x128xf32, #tpu.memory_space<vmem>>, vector<1x16xf32>,
        %swap3A_491 = vector.shape_cast %swap3A_490 : vector<1x16xf32> to vector<16xf32>
        %swap3A_492 = vector.shape_cast %get3A_429 : vector<16xf32> to vector<1x16xf32>
        tpu.vector_store %swap3A_487[%swap3A_488, %swap3A_489], %swap3A_492 {add = true, strides = array<i32>} : memref<80x128xf32, #tpu.memory_space<vmem>>, vector<1x16xf32>,
        %swap3A_493 = arith.constant 0 : i32
        %swap3A_494 = arith.constant 0 : i32
        %swap3A_495 = tpu.memref_slice %arg8[%scan3A_142, %swap3A_493, %swap3A_494] : memref<5x80x128xf32, #tpu.memory_space<vmem>> -> memref<1x80x128xf32, #tpu.memory_space<vmem>>
        %swap3A_496 = tpu.memref_squeeze %swap3A_495 : memref<1x80x128xf32, #tpu.memory_space<vmem>> -> memref<80x128xf32, #tpu.memory_space<vmem>>
        %swap3A_497 = arith.index_cast %scan3A_400 : i32 to index
        %swap3A_498 = arith.constant 96 : index
        %swap3A_499 = tpu.vector_load %swap3A_496[%swap3A_497, %swap3A_498] {strides = array<i32>} : memref<80x128xf32, #tpu.memory_space<vmem>>, vector<1x16xf32>,
        %swap3A_500 = vector.shape_cast %swap3A_499 : vector<1x16xf32> to vector<16xf32>
        %swap3A_501 = vector.shape_cast %get3A_434 : vector<16xf32> to vector<1x16xf32>
        tpu.vector_store %swap3A_496[%swap3A_497, %swap3A_498], %swap3A_501 {add = true, strides = array<i32>} : memref<80x128xf32, #tpu.memory_space<vmem>>, vector<1x16xf32>,
        %swap3A_502 = arith.constant 0 : i32
        %swap3A_503 = arith.constant 0 : i32
        %swap3A_504 = tpu.memref_slice %arg8[%scan3A_142, %swap3A_502, %swap3A_503] : memref<5x80x128xf32, #tpu.memory_space<vmem>> -> memref<1x80x128xf32, #tpu.memory_space<vmem>>
        %swap3A_505 = tpu.memref_squeeze %swap3A_504 : memref<1x80x128xf32, #tpu.memory_space<vmem>> -> memref<80x128xf32, #tpu.memory_space<vmem>>
        %swap3A_506 = arith.index_cast %scan3A_400 : i32 to index
        %swap3A_507 = arith.constant 112 : index
        %swap3A_508 = tpu.vector_load %swap3A_505[%swap3A_506, %swap3A_507] {strides = array<i32>} : memref<80x128xf32, #tpu.memory_space<vmem>>, vector<1x16xf32>,
        %swap3A_509 = vector.shape_cast %swap3A_508 : vector<1x16xf32> to vector<16xf32>
        %swap3A_510 = vector.shape_cast %get3A_439 : vector<16xf32> to vector<1x16xf32>
        tpu.vector_store %swap3A_505[%swap3A_506, %swap3A_507], %swap3A_510 {add = true, strides = array<i32>} : memref<80x128xf32, #tpu.memory_space<vmem>>, vector<1x16xf32>,
        %scan3A_511 = arith.constant 1 : i32
        %scan3A_512 = arith.addi %scan3A_400, %scan3A_511 : i32
        %add3A_513 = arith.addi %rem3A_140, %scan3A_512 : i32
        %get3A_514 = arith.index_cast %add3A_513 : i32 to index
        %get3A_515 = arith.constant 0 : index
        %get3A_516 = tpu.vector_load %arg7[%get3A_514, %get3A_515] {strides = array<i32>} : memref<240x128xf32, #tpu.memory_space<vmem>>, vector<1x16xf32>,
        %get3A_517 = vector.shape_cast %get3A_516 : vector<1x16xf32> to vector<16xf32>
        %add3A_518 = arith.addi %rem3A_140, %scan3A_512 : i32
        %get3A_519 = arith.index_cast %add3A_518 : i32 to index
        %get3A_520 = arith.constant 16 : index
        %get3A_521 = tpu.vector_load %arg7[%get3A_519, %get3A_520] {strides = array<i32>} : memref<240x128xf32, #tpu.memory_space<vmem>>, vector<1x16xf32>,
        %get3A_522 = vector.shape_cast %get3A_521 : vector<1x16xf32> to vector<16xf32>
        %add3A_523 = arith.addi %rem3A_140, %scan3A_512 : i32
        %get3A_524 = arith.index_cast %add3A_523 : i32 to index
        %get3A_525 = arith.constant 32 : index
        %get3A_526 = tpu.vector_load %arg7[%get3A_524, %get3A_525] {strides = array<i32>} : memref<240x128xf32, #tpu.memory_space<vmem>>, vector<1x16xf32>,
        %get3A_527 = vector.shape_cast %get3A_526 : vector<1x16xf32> to vector<16xf32>
        %add3A_528 = arith.addi %rem3A_140, %scan3A_512 : i32
        %get3A_529 = arith.index_cast %add3A_528 : i32 to index
        %get3A_530 = arith.constant 48 : index
        %get3A_531 = tpu.vector_load %arg7[%get3A_529, %get3A_530] {strides = array<i32>} : memref<240x128xf32, #tpu.memory_space<vmem>>, vector<1x16xf32>,
        %get3A_532 = vector.shape_cast %get3A_531 : vector<1x16xf32> to vector<16xf32>
        %add3A_533 = arith.addi %rem3A_140, %scan3A_512 : i32
        %get3A_534 = arith.index_cast %add3A_533 : i32 to index
        %get3A_535 = arith.constant 64 : index
        %get3A_536 = tpu.vector_load %arg7[%get3A_534, %get3A_535] {strides = array<i32>} : memref<240x128xf32, #tpu.memory_space<vmem>>, vector<1x16xf32>,
        %get3A_537 = vector.shape_cast %get3A_536 : vector<1x16xf32> to vector<16xf32>
        %add3A_538 = arith.addi %rem3A_140, %scan3A_512 : i32
        %get3A_539 = arith.index_cast %add3A_538 : i32 to index
        %get3A_540 = arith.constant 80 : index
        %get3A_541 = tpu.vector_load %arg7[%get3A_539, %get3A_540] {strides = array<i32>} : memref<240x128xf32, #tpu.memory_space<vmem>>, vector<1x16xf32>,
        %get3A_542 = vector.shape_cast %get3A_541 : vector<1x16xf32> to vector<16xf32>
        %add3A_543 = arith.addi %rem3A_140, %scan3A_512 : i32
        %get3A_544 = arith.index_cast %add3A_543 : i32 to index
        %get3A_545 = arith.constant 96 : index
        %get3A_546 = tpu.vector_load %arg7[%get3A_544, %get3A_545] {strides = array<i32>} : memref<240x128xf32, #tpu.memory_space<vmem>>, vector<1x16xf32>,
        %get3A_547 = vector.shape_cast %get3A_546 : vector<1x16xf32> to vector<16xf32>
        %add3A_548 = arith.addi %rem3A_140, %scan3A_512 : i32
        %get3A_549 = arith.index_cast %add3A_548 : i32 to index
        %get3A_550 = arith.constant 112 : index
        %get3A_551 = tpu.vector_load %arg7[%get3A_549, %get3A_550] {strides = array<i32>} : memref<240x128xf32, #tpu.memory_space<vmem>>, vector<1x16xf32>,
        %get3A_552 = vector.shape_cast %get3A_551 : vector<1x16xf32> to vector<16xf32>
        %swap3A_553 = arith.constant 0 : i32
        %swap3A_554 = arith.constant 0 : i32
        %swap3A_555 = tpu.memref_slice %arg8[%scan3A_142, %swap3A_553, %swap3A_554] : memref<5x80x128xf32, #tpu.memory_space<vmem>> -> memref<1x80x128xf32, #tpu.memory_space<vmem>>
        %swap3A_556 = tpu.memref_squeeze %swap3A_555 : memref<1x80x128xf32, #tpu.memory_space<vmem>> -> memref<80x128xf32, #tpu.memory_space<vmem>>
        %swap3A_557 = arith.index_cast %scan3A_512 : i32 to index
        %swap3A_558 = arith.constant 0 : index
        %swap3A_559 = tpu.vector_load %swap3A_556[%swap3A_557, %swap3A_558] {strides = array<i32>} : memref<80x128xf32, #tpu.memory_space<vmem>>, vector<1x16xf32>,
        %swap3A_560 = vector.shape_cast %swap3A_559 : vector<1x16xf32> to vector<16xf32>
        %swap3A_561 = vector.shape_cast %get3A_517 : vector<16xf32> to vector<1x16xf32>
        tpu.vector_store %swap3A_556[%swap3A_557, %swap3A_558], %swap3A_561 {add = true, strides = array<i32>} : memref<80x128xf32, #tpu.memory_space<vmem>>, vector<1x16xf32>,
        %swap3A_562 = arith.constant 0 : i32
        %swap3A_563 = arith.constant 0 : i32
        %swap3A_564 = tpu.memref_slice %arg8[%scan3A_142, %swap3A_562, %swap3A_563] : memref<5x80x128xf32, #tpu.memory_space<vmem>> -> memref<1x80x128xf32, #tpu.memory_space<vmem>>
        %swap3A_565 = tpu.memref_squeeze %swap3A_564 : memref<1x80x128xf32, #tpu.memory_space<vmem>> -> memref<80x128xf32, #tpu.memory_space<vmem>>
        %swap3A_566 = arith.index_cast %scan3A_512 : i32 to index
        %swap3A_567 = arith.constant 16 : index
        %swap3A_568 = tpu.vector_load %swap3A_565[%swap3A_566, %swap3A_567] {strides = array<i32>} : memref<80x128xf32, #tpu.memory_space<vmem>>, vector<1x16xf32>,
        %swap3A_569 = vector.shape_cast %swap3A_568 : vector<1x16xf32> to vector<16xf32>
        %swap3A_570 = vector.shape_cast %get3A_522 : vector<16xf32> to vector<1x16xf32>
        tpu.vector_store %swap3A_565[%swap3A_566, %swap3A_567], %swap3A_570 {add = true, strides = array<i32>} : memref<80x128xf32, #tpu.memory_space<vmem>>, vector<1x16xf32>,
        %swap3A_571 = arith.constant 0 : i32
        %swap3A_572 = arith.constant 0 : i32
        %swap3A_573 = tpu.memref_slice %arg8[%scan3A_142, %swap3A_571, %swap3A_572] : memref<5x80x128xf32, #tpu.memory_space<vmem>> -> memref<1x80x128xf32, #tpu.memory_space<vmem>>
        %swap3A_574 = tpu.memref_squeeze %swap3A_573 : memref<1x80x128xf32, #tpu.memory_space<vmem>> -> memref<80x128xf32, #tpu.memory_space<vmem>>
        %swap3A_575 = arith.index_cast %scan3A_512 : i32 to index
        %swap3A_576 = arith.constant 32 : index
        %swap3A_577 = tpu.vector_load %swap3A_574[%swap3A_575, %swap3A_576] {strides = array<i32>} : memref<80x128xf32, #tpu.memory_space<vmem>>, vector<1x16xf32>,
        %swap3A_578 = vector.shape_cast %swap3A_577 : vector<1x16xf32> to vector<16xf32>
        %swap3A_579 = vector.shape_cast %get3A_527 : vector<16xf32> to vector<1x16xf32>
        tpu.vector_store %swap3A_574[%swap3A_575, %swap3A_576], %swap3A_579 {add = true, strides = array<i32>} : memref<80x128xf32, #tpu.memory_space<vmem>>, vector<1x16xf32>,
        %swap3A_580 = arith.constant 0 : i32
        %swap3A_581 = arith.constant 0 : i32
        %swap3A_582 = tpu.memref_slice %arg8[%scan3A_142, %swap3A_580, %swap3A_581] : memref<5x80x128xf32, #tpu.memory_space<vmem>> -> memref<1x80x128xf32, #tpu.memory_space<vmem>>
        %swap3A_583 = tpu.memref_squeeze %swap3A_582 : memref<1x80x128xf32, #tpu.memory_space<vmem>> -> memref<80x128xf32, #tpu.memory_space<vmem>>
        %swap3A_584 = arith.index_cast %scan3A_512 : i32 to index
        %swap3A_585 = arith.constant 48 : index
        %swap3A_586 = tpu.vector_load %swap3A_583[%swap3A_584, %swap3A_585] {strides = array<i32>} : memref<80x128xf32, #tpu.memory_space<vmem>>, vector<1x16xf32>,
        %swap3A_587 = vector.shape_cast %swap3A_586 : vector<1x16xf32> to vector<16xf32>
        %swap3A_588 = vector.shape_cast %get3A_532 : vector<16xf32> to vector<1x16xf32>
        tpu.vector_store %swap3A_583[%swap3A_584, %swap3A_585], %swap3A_588 {add = true, strides = array<i32>} : memref<80x128xf32, #tpu.memory_space<vmem>>, vector<1x16xf32>,
        %swap3A_589 = arith.constant 0 : i32
        %swap3A_590 = arith.constant 0 : i32
        %swap3A_591 = tpu.memref_slice %arg8[%scan3A_142, %swap3A_589, %swap3A_590] : memref<5x80x128xf32, #tpu.memory_space<vmem>> -> memref<1x80x128xf32, #tpu.memory_space<vmem>>
        %swap3A_592 = tpu.memref_squeeze %swap3A_591 : memref<1x80x128xf32, #tpu.memory_space<vmem>> -> memref<80x128xf32, #tpu.memory_space<vmem>>
        %swap3A_593 = arith.index_cast %scan3A_512 : i32 to index
        %swap3A_594 = arith.constant 64 : index
        %swap3A_595 = tpu.vector_load %swap3A_592[%swap3A_593, %swap3A_594] {strides = array<i32>} : memref<80x128xf32, #tpu.memory_space<vmem>>, vector<1x16xf32>,
        %swap3A_596 = vector.shape_cast %swap3A_595 : vector<1x16xf32> to vector<16xf32>
        %swap3A_597 = vector.shape_cast %get3A_537 : vector<16xf32> to vector<1x16xf32>
        tpu.vector_store %swap3A_592[%swap3A_593, %swap3A_594], %swap3A_597 {add = true, strides = array<i32>} : memref<80x128xf32, #tpu.memory_space<vmem>>, vector<1x16xf32>,
        %swap3A_598 = arith.constant 0 : i32
        %swap3A_599 = arith.constant 0 : i32
        %swap3A_600 = tpu.memref_slice %arg8[%scan3A_142, %swap3A_598, %swap3A_599] : memref<5x80x128xf32, #tpu.memory_space<vmem>> -> memref<1x80x128xf32, #tpu.memory_space<vmem>>
        %swap3A_601 = tpu.memref_squeeze %swap3A_600 : memref<1x80x128xf32, #tpu.memory_space<vmem>> -> memref<80x128xf32, #tpu.memory_space<vmem>>
        %swap3A_602 = arith.index_cast %scan3A_512 : i32 to index
        %swap3A_603 = arith.constant 80 : index
        %swap3A_604 = tpu.vector_load %swap3A_601[%swap3A_602, %swap3A_603] {strides = array<i32>} : memref<80x128xf32, #tpu.memory_space<vmem>>, vector<1x16xf32>,
        %swap3A_605 = vector.shape_cast %swap3A_604 : vector<1x16xf32> to vector<16xf32>
        %swap3A_606 = vector.shape_cast %get3A_542 : vector<16xf32> to vector<1x16xf32>
        tpu.vector_store %swap3A_601[%swap3A_602, %swap3A_603], %swap3A_606 {add = true, strides = array<i32>} : memref<80x128xf32, #tpu.memory_space<vmem>>, vector<1x16xf32>,
        %swap3A_607 = arith.constant 0 : i32
        %swap3A_608 = arith.constant 0 : i32
        %swap3A_609 = tpu.memref_slice %arg8[%scan3A_142, %swap3A_607, %swap3A_608] : memref<5x80x128xf32, #tpu.memory_space<vmem>> -> memref<1x80x128xf32, #tpu.memory_space<vmem>>
        %swap3A_610 = tpu.memref_squeeze %swap3A_609 : memref<1x80x128xf32, #tpu.memory_space<vmem>> -> memref<80x128xf32, #tpu.memory_space<vmem>>
        %swap3A_611 = arith.index_cast %scan3A_512 : i32 to index
        %swap3A_612 = arith.constant 96 : index
        %swap3A_613 = tpu.vector_load %swap3A_610[%swap3A_611, %swap3A_612] {strides = array<i32>} : memref<80x128xf32, #tpu.memory_space<vmem>>, vector<1x16xf32>,
        %swap3A_614 = vector.shape_cast %swap3A_613 : vector<1x16xf32> to vector<16xf32>
        %swap3A_615 = vector.shape_cast %get3A_547 : vector<16xf32> to vector<1x16xf32>
        tpu.vector_store %swap3A_610[%swap3A_611, %swap3A_612], %swap3A_615 {add = true, strides = array<i32>} : memref<80x128xf32, #tpu.memory_space<vmem>>, vector<1x16xf32>,
        %swap3A_616 = arith.constant 0 : i32
        %swap3A_617 = arith.constant 0 : i32
        %swap3A_618 = tpu.memref_slice %arg8[%scan3A_142, %swap3A_616, %swap3A_617] : memref<5x80x128xf32, #tpu.memory_space<vmem>> -> memref<1x80x128xf32, #tpu.memory_space<vmem>>
        %swap3A_619 = tpu.memref_squeeze %swap3A_618 : memref<1x80x128xf32, #tpu.memory_space<vmem>> -> memref<80x128xf32, #tpu.memory_space<vmem>>
        %swap3A_620 = arith.index_cast %scan3A_512 : i32 to index
        %swap3A_621 = arith.constant 112 : index
        %swap3A_622 = tpu.vector_load %swap3A_619[%swap3A_620, %swap3A_621] {strides = array<i32>} : memref<80x128xf32, #tpu.memory_space<vmem>>, vector<1x16xf32>,
        %swap3A_623 = vector.shape_cast %swap3A_622 : vector<1x16xf32> to vector<16xf32>
        %swap3A_624 = vector.shape_cast %get3A_552 : vector<16xf32> to vector<1x16xf32>
        tpu.vector_store %swap3A_619[%swap3A_620, %swap3A_621], %swap3A_624 {add = true, strides = array<i32>} : memref<80x128xf32, #tpu.memory_space<vmem>>, vector<1x16xf32>,
      }
      %scan3A_147 = arith.constant 80 : i32
      %mul3A_148 = arith.constant 80 : i32
      %mul3A_149 = arith.muli %add3A_114, %mul3A_148 : i32
      %add3A_150 = arith.addi %mul3A_2, %mul3A_149 : i32
      %dma_start3A_151 = arith.constant 0 : i32
      %dma_start3A_152 = arith.constant 0 : i32
      %dma_start3A_153 = arith.constant 0 : i32
      %dma_start3A_154 = tpu.memref_slice %arg8[%dma_start3A_151, %dma_start3A_152, %dma_start3A_153] : memref<5x80x128xf32, #tpu.memory_space<vmem>> -> memref<1x80x128xf32, #tpu.memory_space<vmem>>
      %dma_start3A_155 = tpu.memref_squeeze %dma_start3A_154 : memref<1x80x128xf32, #tpu.memory_space<vmem>> -> memref<80x128xf32, #tpu.memory_space<vmem>>
      %dma_start3A_156 = arith.constant 0 : i32
      %dma_start3A_157 = tpu.memref_slice %arg5[%add3A_150, %dma_start3A_156] : memref<819200x128xf32, #tpu.memory_space<hbm>> -> memref<80x128xf32, #tpu.memory_space<hbm>>
      %dma_start3A_158 = arith.constant 0 : i32
      %dma_start3A_159 = tpu.memref_slice %arg5[%add3A_150, %dma_start3A_158] : memref<819200x128xf32, #tpu.memory_space<hbm>> -> memref<80x128xf32, #tpu.memory_space<hbm>>
      %dma_start3A_160 = arith.constant 0 : i32
      %dma_start3A_161 = arith.constant 0 : i32
      %dma_start3A_162 = tpu.memref_slice %arg8[%dma_start3A_151, %dma_start3A_160, %dma_start3A_161] : memref<5x80x128xf32, #tpu.memory_space<vmem>> -> memref<1x80x128xf32, #tpu.memory_space<vmem>>
      %dma_start3A_163 = tpu.memref_squeeze %dma_start3A_162 : memref<1x80x128xf32, #tpu.memory_space<vmem>> -> memref<80x128xf32, #tpu.memory_space<vmem>>
      tpu.enqueue_dma source(%dma_start3A_163 : memref<80x128xf32, #tpu.memory_space<vmem>>) target(%dma_start3A_159 : memref<80x128xf32, #tpu.memory_space<hbm>>) target_semaphore(%arg14 : memref<!tpu.dma_semaphore, #tpu.memory_space<semaphore_mem>>)
      %mul3A_164 = arith.constant 5 : i32
      %mul3A_165 = arith.muli %scan3A_110, %mul3A_164 : i32
      %add3A_166 = arith.constant 1 : i32
      %add3A_167 = arith.addi %mul3A_165, %add3A_166 : i32
      %dma_wait3A_168 = arith.constant 1 : i32
      %dma_wait3A_169 = arith.constant 0 : i32
      %dma_wait3A_170 = arith.constant 0 : i32
      %dma_wait3A_171 = tpu.memref_slice %arg8[%dma_wait3A_168, %dma_wait3A_169, %dma_wait3A_170] : memref<5x80x128xf32, #tpu.memory_space<vmem>> -> memref<1x80x128xf32, #tpu.memory_space<vmem>>
      %dma_wait3A_172 = tpu.memref_squeeze %dma_wait3A_171 : memref<1x80x128xf32, #tpu.memory_space<vmem>> -> memref<80x128xf32, #tpu.memory_space<vmem>>
      %dma_wait3A_173 = arith.constant 0 : i32
      %dma_wait3A_174 = tpu.memref_slice %arg6[%add3A_167, %dma_wait3A_173] : memref<320x80xi32, #tpu.memory_space<vmem>> -> memref<1x80xi32, #tpu.memory_space<vmem>>
      %dma_wait3A_175 = tpu.memref_squeeze %dma_wait3A_174 : memref<1x80xi32, #tpu.memory_space<vmem>> -> memref<80xi32, #tpu.memory_space<vmem>>
      %dma_wait3A_176 = arith.constant 0 : i32
      %dma_wait3A_177 = arith.constant 0 : i32
      %dma_wait3A_178 = tpu.memref_slice %arg4[%dma_wait3A_176, %dma_wait3A_177] : memref<100000x128xf32, #tpu.memory_space<hbm>> -> memref<100000x128xf32, #tpu.memory_space<hbm>>
      tpu.wait_indirect_dma semaphore(%arg10 : memref<!tpu.dma_semaphore, #tpu.memory_space<semaphore_mem>>) src(%dma_wait3A_178 : memref<100000x128xf32, #tpu.memory_space<hbm>>) dst(%dma_wait3A_172 : memref<80x128xf32, #tpu.memory_space<vmem>>)
      %sub3A_179 = arith.constant 2 : i32
      %sub3A_180 = arith.subi %add3A_167, %sub3A_179 : i32
      %mul3A_181 = arith.constant 80 : i32
      %mul3A_182 = arith.muli %sub3A_180, %mul3A_181 : i32
      %add3A_183 = arith.addi %mul3A_2, %mul3A_182 : i32
      %ge3A_184 = arith.constant 2 : i32
      %ge3A_185 = arith.cmpi sge, %add3A_167, %ge3A_184 : i32
      %convert_element_type3A_186 = arith.extui %ge3A_185 : i1 to i32
      %cond3A_187 = arith.constant 0 : i32
      %cond3A_188 = arith.cmpi ne, %convert_element_type3A_186, %cond3A_187 : i32
      scf.if %cond3A_188 {
        %dma_wait3A_400 = arith.constant 4 : i32
        %dma_wait3A_401 = arith.constant 0 : i32
        %dma_wait3A_402 = arith.constant 0 : i32
        %dma_wait3A_403 = tpu.memref_slice %arg8[%dma_wait3A_400, %dma_wait3A_401, %dma_wait3A_402] : memref<5x80x128xf32, #tpu.memory_space<vmem>> -> memref<1x80x128xf32, #tpu.memory_space<vmem>>
        %dma_wait3A_404 = tpu.memref_squeeze %dma_wait3A_403 : memref<1x80x128xf32, #tpu.memory_space<vmem>> -> memref<80x128xf32, #tpu.memory_space<vmem>>
        %dma_wait3A_405 = arith.constant 0 : i32
        %dma_wait3A_406 = tpu.memref_slice %arg5[%add3A_183, %dma_wait3A_405] : memref<819200x128xf32, #tpu.memory_space<hbm>> -> memref<80x128xf32, #tpu.memory_space<hbm>>
        %dma_wait3A_407 = arith.constant 0 : i32
        %dma_wait3A_408 = tpu.memref_slice %arg5[%add3A_183, %dma_wait3A_407] : memref<819200x128xf32, #tpu.memory_space<hbm>> -> memref<80x128xf32, #tpu.memory_space<hbm>>
        %dma_wait3A_409 = arith.constant 0 : i32
        %dma_wait3A_410 = arith.constant 0 : i32
        %dma_wait3A_411 = tpu.memref_slice %arg8[%dma_wait3A_400, %dma_wait3A_409, %dma_wait3A_410] : memref<5x80x128xf32, #tpu.memory_space<vmem>> -> memref<1x80x128xf32, #tpu.memory_space<vmem>>
        %dma_wait3A_412 = tpu.memref_squeeze %dma_wait3A_411 : memref<1x80x128xf32, #tpu.memory_space<vmem>> -> memref<80x128xf32, #tpu.memory_space<vmem>>
        tpu.wait_dma2 semaphore(%arg18 : memref<!tpu.dma_semaphore, #tpu.memory_space<semaphore_mem>>) src(%dma_wait3A_412 : memref<80x128xf32, #tpu.memory_space<vmem>>) dst(%dma_wait3A_408 : memref<80x128xf32, #tpu.memory_space<hbm>>)
      } else {
      }
      %add3A_189 = arith.constant 3 : i32
      %add3A_190 = arith.addi %add3A_167, %add3A_189 : i32
      %lt3A_191 = arith.constant 320 : i32
      %lt3A_192 = arith.cmpi slt, %add3A_190, %lt3A_191 : i32
      %convert_element_type3A_193 = arith.extui %lt3A_192 : i1 to i32
      %cond3A_194 = arith.constant 0 : i32
      %cond3A_195 = arith.cmpi ne, %convert_element_type3A_193, %cond3A_194 : i32
      scf.if %cond3A_195 {
        %add3A_400 = arith.constant 3 : i32
        %add3A_401 = arith.addi %add3A_167, %add3A_400 : i32
        %dma_start3A_402 = arith.constant 4 : i32
        %dma_start3A_403 = arith.constant 0 : i32
        %dma_start3A_404 = arith.constant 0 : i32
        %dma_start3A_405 = tpu.memref_slice %arg8[%dma_start3A_402, %dma_start3A_403, %dma_start3A_404] : memref<5x80x128xf32, #tpu.memory_space<vmem>> -> memref<1x40x128xf32, #tpu.memory_space<vmem>>
        %dma_start3A_406 = tpu.memref_squeeze %dma_start3A_405 : memref<1x40x128xf32, #tpu.memory_space<vmem>> -> memref<40x128xf32, #tpu.memory_space<vmem>>
        %dma_start3A_407 = arith.constant 0 : i32
        %dma_start3A_408 = tpu.memref_slice %arg6[%add3A_401, %dma_start3A_407] : memref<320x80xi32, #tpu.memory_space<vmem>> -> memref<1x40xi32, #tpu.memory_space<vmem>>
        %dma_start3A_409 = tpu.memref_squeeze %dma_start3A_408 : memref<1x40xi32, #tpu.memory_space<vmem>> -> memref<40xi32, #tpu.memory_space<vmem>>
        %dma_start3A_410 = arith.constant 0 : i32
        %dma_start3A_411 = arith.constant 0 : i32
        %dma_start3A_412 = tpu.memref_slice %arg4[%dma_start3A_410, %dma_start3A_411] : memref<100000x128xf32, #tpu.memory_space<hbm>> -> memref<100000x128xf32, #tpu.memory_space<hbm>>
        tpu.enqueue_indirect_dma source(%dma_start3A_412 : memref<100000x128xf32, #tpu.memory_space<hbm>>) target(%dma_start3A_406 : memref<40x128xf32, #tpu.memory_space<vmem>>) offsets(%dma_start3A_409 : memref<40xi32, #tpu.memory_space<vmem>>) semaphore(%arg13 : memref<!tpu.dma_semaphore, #tpu.memory_space<semaphore_mem>>)
        %add3A_413 = arith.constant 3 : i32
        %add3A_414 = arith.addi %add3A_167, %add3A_413 : i32
        %dma_start3A_415 = arith.constant 4 : i32
        %dma_start3A_416 = arith.constant 40 : i32
        %dma_start3A_417 = arith.constant 0 : i32
        %dma_start3A_418 = tpu.memref_slice %arg8[%dma_start3A_415, %dma_start3A_416, %dma_start3A_417] : memref<5x80x128xf32, #tpu.memory_space<vmem>> -> memref<1x40x128xf32, #tpu.memory_space<vmem>>
        %dma_start3A_419 = tpu.memref_squeeze %dma_start3A_418 : memref<1x40x128xf32, #tpu.memory_space<vmem>> -> memref<40x128xf32, #tpu.memory_space<vmem>>
        %dma_start3A_420 = arith.constant 40 : i32
        %dma_start3A_421 = tpu.memref_slice %arg6[%add3A_414, %dma_start3A_420] : memref<320x80xi32, #tpu.memory_space<vmem>> -> memref<1x40xi32, #tpu.memory_space<vmem>>
        %dma_start3A_422 = tpu.memref_squeeze %dma_start3A_421 : memref<1x40xi32, #tpu.memory_space<vmem>> -> memref<40xi32, #tpu.memory_space<vmem>>
        %dma_start3A_423 = arith.constant 0 : i32
        %dma_start3A_424 = arith.constant 0 : i32
        %dma_start3A_425 = tpu.memref_slice %arg4[%dma_start3A_423, %dma_start3A_424] : memref<100000x128xf32, #tpu.memory_space<hbm>> -> memref<100000x128xf32, #tpu.memory_space<hbm>>
        tpu.enqueue_indirect_dma source(%dma_start3A_425 : memref<100000x128xf32, #tpu.memory_space<hbm>>) target(%dma_start3A_419 : memref<40x128xf32, #tpu.memory_space<vmem>>) offsets(%dma_start3A_422 : memref<40xi32, #tpu.memory_space<vmem>>) semaphore(%arg13 : memref<!tpu.dma_semaphore, #tpu.memory_space<semaphore_mem>>)
      } else {
      }
      %mul3A_196 = arith.constant 80 : i32
      %mul3A_197 = arith.muli %add3A_167, %mul3A_196 : i32
      %rem3A_198 = arith.constant 200 : i32
      %rem3A_199 = arith.remsi %mul3A_197, %rem3A_198 : i32
      %scan3A_200 = arith.constant 0 : i32
      %scan3A_201 = arith.constant 1 : i32
      %scan3A_202 = arith.constant 0 : i32
      %scan3A_203 = arith.constant 80 : i32
      %scan3A_204 = arith.addi %scan3A_202, %scan3A_203 : i32
      %scan3A_205 = arith.constant 2 : i32
      scf.for %scan3A_400 = %scan3A_202 to %scan3A_204 step %scan3A_205  : i32 {
        %add3A_401 = arith.addi %rem3A_199, %scan3A_400 : i32
        %get3A = arith.index_cast %add3A_401 : i32 to index
        %get3A_402 = arith.constant 0 : index
        %get3A_403 = tpu.vector_load %arg7[%get3A, %get3A_402] {strides = array<i32>} : memref<240x128xf32, #tpu.memory_space<vmem>>, vector<1x16xf32>,
        %get3A_404 = vector.shape_cast %get3A_403 : vector<1x16xf32> to vector<16xf32>
        %add3A_405 = arith.addi %rem3A_199, %scan3A_400 : i32
        %get3A_406 = arith.index_cast %add3A_405 : i32 to index
        %get3A_407 = arith.constant 16 : index
        %get3A_408 = tpu.vector_load %arg7[%get3A_406, %get3A_407] {strides = array<i32>} : memref<240x128xf32, #tpu.memory_space<vmem>>, vector<1x16xf32>,
        %get3A_409 = vector.shape_cast %get3A_408 : vector<1x16xf32> to vector<16xf32>
        %add3A_410 = arith.addi %rem3A_199, %scan3A_400 : i32
        %get3A_411 = arith.index_cast %add3A_410 : i32 to index
        %get3A_412 = arith.constant 32 : index
        %get3A_413 = tpu.vector_load %arg7[%get3A_411, %get3A_412] {strides = array<i32>} : memref<240x128xf32, #tpu.memory_space<vmem>>, vector<1x16xf32>,
        %get3A_414 = vector.shape_cast %get3A_413 : vector<1x16xf32> to vector<16xf32>
        %add3A_415 = arith.addi %rem3A_199, %scan3A_400 : i32
        %get3A_416 = arith.index_cast %add3A_415 : i32 to index
        %get3A_417 = arith.constant 48 : index
        %get3A_418 = tpu.vector_load %arg7[%get3A_416, %get3A_417] {strides = array<i32>} : memref<240x128xf32, #tpu.memory_space<vmem>>, vector<1x16xf32>,
        %get3A_419 = vector.shape_cast %get3A_418 : vector<1x16xf32> to vector<16xf32>
        %add3A_420 = arith.addi %rem3A_199, %scan3A_400 : i32
        %get3A_421 = arith.index_cast %add3A_420 : i32 to index
        %get3A_422 = arith.constant 64 : index
        %get3A_423 = tpu.vector_load %arg7[%get3A_421, %get3A_422] {strides = array<i32>} : memref<240x128xf32, #tpu.memory_space<vmem>>, vector<1x16xf32>,
        %get3A_424 = vector.shape_cast %get3A_423 : vector<1x16xf32> to vector<16xf32>
        %add3A_425 = arith.addi %rem3A_199, %scan3A_400 : i32
        %get3A_426 = arith.index_cast %add3A_425 : i32 to index
        %get3A_427 = arith.constant 80 : index
        %get3A_428 = tpu.vector_load %arg7[%get3A_426, %get3A_427] {strides = array<i32>} : memref<240x128xf32, #tpu.memory_space<vmem>>, vector<1x16xf32>,
        %get3A_429 = vector.shape_cast %get3A_428 : vector<1x16xf32> to vector<16xf32>
        %add3A_430 = arith.addi %rem3A_199, %scan3A_400 : i32
        %get3A_431 = arith.index_cast %add3A_430 : i32 to index
        %get3A_432 = arith.constant 96 : index
        %get3A_433 = tpu.vector_load %arg7[%get3A_431, %get3A_432] {strides = array<i32>} : memref<240x128xf32, #tpu.memory_space<vmem>>, vector<1x16xf32>,
        %get3A_434 = vector.shape_cast %get3A_433 : vector<1x16xf32> to vector<16xf32>
        %add3A_435 = arith.addi %rem3A_199, %scan3A_400 : i32
        %get3A_436 = arith.index_cast %add3A_435 : i32 to index
        %get3A_437 = arith.constant 112 : index
        %get3A_438 = tpu.vector_load %arg7[%get3A_436, %get3A_437] {strides = array<i32>} : memref<240x128xf32, #tpu.memory_space<vmem>>, vector<1x16xf32>,
        %get3A_439 = vector.shape_cast %get3A_438 : vector<1x16xf32> to vector<16xf32>
        %swap3A = arith.constant 0 : i32
        %swap3A_440 = arith.constant 0 : i32
        %swap3A_441 = tpu.memref_slice %arg8[%scan3A_201, %swap3A, %swap3A_440] : memref<5x80x128xf32, #tpu.memory_space<vmem>> -> memref<1x80x128xf32, #tpu.memory_space<vmem>>
        %swap3A_442 = tpu.memref_squeeze %swap3A_441 : memref<1x80x128xf32, #tpu.memory_space<vmem>> -> memref<80x128xf32, #tpu.memory_space<vmem>>
        %swap3A_443 = arith.index_cast %scan3A_400 : i32 to index
        %swap3A_444 = arith.constant 0 : index
        %swap3A_445 = tpu.vector_load %swap3A_442[%swap3A_443, %swap3A_444] {strides = array<i32>} : memref<80x128xf32, #tpu.memory_space<vmem>>, vector<1x16xf32>,
        %swap3A_446 = vector.shape_cast %swap3A_445 : vector<1x16xf32> to vector<16xf32>
        %swap3A_447 = vector.shape_cast %get3A_404 : vector<16xf32> to vector<1x16xf32>
        tpu.vector_store %swap3A_442[%swap3A_443, %swap3A_444], %swap3A_447 {add = true, strides = array<i32>} : memref<80x128xf32, #tpu.memory_space<vmem>>, vector<1x16xf32>,
        %swap3A_448 = arith.constant 0 : i32
        %swap3A_449 = arith.constant 0 : i32
        %swap3A_450 = tpu.memref_slice %arg8[%scan3A_201, %swap3A_448, %swap3A_449] : memref<5x80x128xf32, #tpu.memory_space<vmem>> -> memref<1x80x128xf32, #tpu.memory_space<vmem>>
        %swap3A_451 = tpu.memref_squeeze %swap3A_450 : memref<1x80x128xf32, #tpu.memory_space<vmem>> -> memref<80x128xf32, #tpu.memory_space<vmem>>
        %swap3A_452 = arith.index_cast %scan3A_400 : i32 to index
        %swap3A_453 = arith.constant 16 : index
        %swap3A_454 = tpu.vector_load %swap3A_451[%swap3A_452, %swap3A_453] {strides = array<i32>} : memref<80x128xf32, #tpu.memory_space<vmem>>, vector<1x16xf32>,
        %swap3A_455 = vector.shape_cast %swap3A_454 : vector<1x16xf32> to vector<16xf32>
        %swap3A_456 = vector.shape_cast %get3A_409 : vector<16xf32> to vector<1x16xf32>
        tpu.vector_store %swap3A_451[%swap3A_452, %swap3A_453], %swap3A_456 {add = true, strides = array<i32>} : memref<80x128xf32, #tpu.memory_space<vmem>>, vector<1x16xf32>,
        %swap3A_457 = arith.constant 0 : i32
        %swap3A_458 = arith.constant 0 : i32
        %swap3A_459 = tpu.memref_slice %arg8[%scan3A_201, %swap3A_457, %swap3A_458] : memref<5x80x128xf32, #tpu.memory_space<vmem>> -> memref<1x80x128xf32, #tpu.memory_space<vmem>>
        %swap3A_460 = tpu.memref_squeeze %swap3A_459 : memref<1x80x128xf32, #tpu.memory_space<vmem>> -> memref<80x128xf32, #tpu.memory_space<vmem>>
        %swap3A_461 = arith.index_cast %scan3A_400 : i32 to index
        %swap3A_462 = arith.constant 32 : index
        %swap3A_463 = tpu.vector_load %swap3A_460[%swap3A_461, %swap3A_462] {strides = array<i32>} : memref<80x128xf32, #tpu.memory_space<vmem>>, vector<1x16xf32>,
        %swap3A_464 = vector.shape_cast %swap3A_463 : vector<1x16xf32> to vector<16xf32>
        %swap3A_465 = vector.shape_cast %get3A_414 : vector<16xf32> to vector<1x16xf32>
        tpu.vector_store %swap3A_460[%swap3A_461, %swap3A_462], %swap3A_465 {add = true, strides = array<i32>} : memref<80x128xf32, #tpu.memory_space<vmem>>, vector<1x16xf32>,
        %swap3A_466 = arith.constant 0 : i32
        %swap3A_467 = arith.constant 0 : i32
        %swap3A_468 = tpu.memref_slice %arg8[%scan3A_201, %swap3A_466, %swap3A_467] : memref<5x80x128xf32, #tpu.memory_space<vmem>> -> memref<1x80x128xf32, #tpu.memory_space<vmem>>
        %swap3A_469 = tpu.memref_squeeze %swap3A_468 : memref<1x80x128xf32, #tpu.memory_space<vmem>> -> memref<80x128xf32, #tpu.memory_space<vmem>>
        %swap3A_470 = arith.index_cast %scan3A_400 : i32 to index
        %swap3A_471 = arith.constant 48 : index
        %swap3A_472 = tpu.vector_load %swap3A_469[%swap3A_470, %swap3A_471] {strides = array<i32>} : memref<80x128xf32, #tpu.memory_space<vmem>>, vector<1x16xf32>,
        %swap3A_473 = vector.shape_cast %swap3A_472 : vector<1x16xf32> to vector<16xf32>
        %swap3A_474 = vector.shape_cast %get3A_419 : vector<16xf32> to vector<1x16xf32>
        tpu.vector_store %swap3A_469[%swap3A_470, %swap3A_471], %swap3A_474 {add = true, strides = array<i32>} : memref<80x128xf32, #tpu.memory_space<vmem>>, vector<1x16xf32>,
        %swap3A_475 = arith.constant 0 : i32
        %swap3A_476 = arith.constant 0 : i32
        %swap3A_477 = tpu.memref_slice %arg8[%scan3A_201, %swap3A_475, %swap3A_476] : memref<5x80x128xf32, #tpu.memory_space<vmem>> -> memref<1x80x128xf32, #tpu.memory_space<vmem>>
        %swap3A_478 = tpu.memref_squeeze %swap3A_477 : memref<1x80x128xf32, #tpu.memory_space<vmem>> -> memref<80x128xf32, #tpu.memory_space<vmem>>
        %swap3A_479 = arith.index_cast %scan3A_400 : i32 to index
        %swap3A_480 = arith.constant 64 : index
        %swap3A_481 = tpu.vector_load %swap3A_478[%swap3A_479, %swap3A_480] {strides = array<i32>} : memref<80x128xf32, #tpu.memory_space<vmem>>, vector<1x16xf32>,
        %swap3A_482 = vector.shape_cast %swap3A_481 : vector<1x16xf32> to vector<16xf32>
        %swap3A_483 = vector.shape_cast %get3A_424 : vector<16xf32> to vector<1x16xf32>
        tpu.vector_store %swap3A_478[%swap3A_479, %swap3A_480], %swap3A_483 {add = true, strides = array<i32>} : memref<80x128xf32, #tpu.memory_space<vmem>>, vector<1x16xf32>,
        %swap3A_484 = arith.constant 0 : i32
        %swap3A_485 = arith.constant 0 : i32
        %swap3A_486 = tpu.memref_slice %arg8[%scan3A_201, %swap3A_484, %swap3A_485] : memref<5x80x128xf32, #tpu.memory_space<vmem>> -> memref<1x80x128xf32, #tpu.memory_space<vmem>>
        %swap3A_487 = tpu.memref_squeeze %swap3A_486 : memref<1x80x128xf32, #tpu.memory_space<vmem>> -> memref<80x128xf32, #tpu.memory_space<vmem>>
        %swap3A_488 = arith.index_cast %scan3A_400 : i32 to index
        %swap3A_489 = arith.constant 80 : index
        %swap3A_490 = tpu.vector_load %swap3A_487[%swap3A_488, %swap3A_489] {strides = array<i32>} : memref<80x128xf32, #tpu.memory_space<vmem>>, vector<1x16xf32>,
        %swap3A_491 = vector.shape_cast %swap3A_490 : vector<1x16xf32> to vector<16xf32>
        %swap3A_492 = vector.shape_cast %get3A_429 : vector<16xf32> to vector<1x16xf32>
        tpu.vector_store %swap3A_487[%swap3A_488, %swap3A_489], %swap3A_492 {add = true, strides = array<i32>} : memref<80x128xf32, #tpu.memory_space<vmem>>, vector<1x16xf32>,
        %swap3A_493 = arith.constant 0 : i32
        %swap3A_494 = arith.constant 0 : i32
        %swap3A_495 = tpu.memref_slice %arg8[%scan3A_201, %swap3A_493, %swap3A_494] : memref<5x80x128xf32, #tpu.memory_space<vmem>> -> memref<1x80x128xf32, #tpu.memory_space<vmem>>
        %swap3A_496 = tpu.memref_squeeze %swap3A_495 : memref<1x80x128xf32, #tpu.memory_space<vmem>> -> memref<80x128xf32, #tpu.memory_space<vmem>>
        %swap3A_497 = arith.index_cast %scan3A_400 : i32 to index
        %swap3A_498 = arith.constant 96 : index
        %swap3A_499 = tpu.vector_load %swap3A_496[%swap3A_497, %swap3A_498] {strides = array<i32>} : memref<80x128xf32, #tpu.memory_space<vmem>>, vector<1x16xf32>,
        %swap3A_500 = vector.shape_cast %swap3A_499 : vector<1x16xf32> to vector<16xf32>
        %swap3A_501 = vector.shape_cast %get3A_434 : vector<16xf32> to vector<1x16xf32>
        tpu.vector_store %swap3A_496[%swap3A_497, %swap3A_498], %swap3A_501 {add = true, strides = array<i32>} : memref<80x128xf32, #tpu.memory_space<vmem>>, vector<1x16xf32>,
        %swap3A_502 = arith.constant 0 : i32
        %swap3A_503 = arith.constant 0 : i32
        %swap3A_504 = tpu.memref_slice %arg8[%scan3A_201, %swap3A_502, %swap3A_503] : memref<5x80x128xf32, #tpu.memory_space<vmem>> -> memref<1x80x128xf32, #tpu.memory_space<vmem>>
        %swap3A_505 = tpu.memref_squeeze %swap3A_504 : memref<1x80x128xf32, #tpu.memory_space<vmem>> -> memref<80x128xf32, #tpu.memory_space<vmem>>
        %swap3A_506 = arith.index_cast %scan3A_400 : i32 to index
        %swap3A_507 = arith.constant 112 : index
        %swap3A_508 = tpu.vector_load %swap3A_505[%swap3A_506, %swap3A_507] {strides = array<i32>} : memref<80x128xf32, #tpu.memory_space<vmem>>, vector<1x16xf32>,
        %swap3A_509 = vector.shape_cast %swap3A_508 : vector<1x16xf32> to vector<16xf32>
        %swap3A_510 = vector.shape_cast %get3A_439 : vector<16xf32> to vector<1x16xf32>
        tpu.vector_store %swap3A_505[%swap3A_506, %swap3A_507], %swap3A_510 {add = true, strides = array<i32>} : memref<80x128xf32, #tpu.memory_space<vmem>>, vector<1x16xf32>,
        %scan3A_511 = arith.constant 1 : i32
        %scan3A_512 = arith.addi %scan3A_400, %scan3A_511 : i32
        %add3A_513 = arith.addi %rem3A_199, %scan3A_512 : i32
        %get3A_514 = arith.index_cast %add3A_513 : i32 to index
        %get3A_515 = arith.constant 0 : index
        %get3A_516 = tpu.vector_load %arg7[%get3A_514, %get3A_515] {strides = array<i32>} : memref<240x128xf32, #tpu.memory_space<vmem>>, vector<1x16xf32>,
        %get3A_517 = vector.shape_cast %get3A_516 : vector<1x16xf32> to vector<16xf32>
        %add3A_518 = arith.addi %rem3A_199, %scan3A_512 : i32
        %get3A_519 = arith.index_cast %add3A_518 : i32 to index
        %get3A_520 = arith.constant 16 : index
        %get3A_521 = tpu.vector_load %arg7[%get3A_519, %get3A_520] {strides = array<i32>} : memref<240x128xf32, #tpu.memory_space<vmem>>, vector<1x16xf32>,
        %get3A_522 = vector.shape_cast %get3A_521 : vector<1x16xf32> to vector<16xf32>
        %add3A_523 = arith.addi %rem3A_199, %scan3A_512 : i32
        %get3A_524 = arith.index_cast %add3A_523 : i32 to index
        %get3A_525 = arith.constant 32 : index
        %get3A_526 = tpu.vector_load %arg7[%get3A_524, %get3A_525] {strides = array<i32>} : memref<240x128xf32, #tpu.memory_space<vmem>>, vector<1x16xf32>,
        %get3A_527 = vector.shape_cast %get3A_526 : vector<1x16xf32> to vector<16xf32>
        %add3A_528 = arith.addi %rem3A_199, %scan3A_512 : i32
        %get3A_529 = arith.index_cast %add3A_528 : i32 to index
        %get3A_530 = arith.constant 48 : index
        %get3A_531 = tpu.vector_load %arg7[%get3A_529, %get3A_530] {strides = array<i32>} : memref<240x128xf32, #tpu.memory_space<vmem>>, vector<1x16xf32>,
        %get3A_532 = vector.shape_cast %get3A_531 : vector<1x16xf32> to vector<16xf32>
        %add3A_533 = arith.addi %rem3A_199, %scan3A_512 : i32
        %get3A_534 = arith.index_cast %add3A_533 : i32 to index
        %get3A_535 = arith.constant 64 : index
        %get3A_536 = tpu.vector_load %arg7[%get3A_534, %get3A_535] {strides = array<i32>} : memref<240x128xf32, #tpu.memory_space<vmem>>, vector<1x16xf32>,
        %get3A_537 = vector.shape_cast %get3A_536 : vector<1x16xf32> to vector<16xf32>
        %add3A_538 = arith.addi %rem3A_199, %scan3A_512 : i32
        %get3A_539 = arith.index_cast %add3A_538 : i32 to index
        %get3A_540 = arith.constant 80 : index
        %get3A_541 = tpu.vector_load %arg7[%get3A_539, %get3A_540] {strides = array<i32>} : memref<240x128xf32, #tpu.memory_space<vmem>>, vector<1x16xf32>,
        %get3A_542 = vector.shape_cast %get3A_541 : vector<1x16xf32> to vector<16xf32>
        %add3A_543 = arith.addi %rem3A_199, %scan3A_512 : i32
        %get3A_544 = arith.index_cast %add3A_543 : i32 to index
        %get3A_545 = arith.constant 96 : index
        %get3A_546 = tpu.vector_load %arg7[%get3A_544, %get3A_545] {strides = array<i32>} : memref<240x128xf32, #tpu.memory_space<vmem>>, vector<1x16xf32>,
        %get3A_547 = vector.shape_cast %get3A_546 : vector<1x16xf32> to vector<16xf32>
        %add3A_548 = arith.addi %rem3A_199, %scan3A_512 : i32
        %get3A_549 = arith.index_cast %add3A_548 : i32 to index
        %get3A_550 = arith.constant 112 : index
        %get3A_551 = tpu.vector_load %arg7[%get3A_549, %get3A_550] {strides = array<i32>} : memref<240x128xf32, #tpu.memory_space<vmem>>, vector<1x16xf32>,
        %get3A_552 = vector.shape_cast %get3A_551 : vector<1x16xf32> to vector<16xf32>
        %swap3A_553 = arith.constant 0 : i32
        %swap3A_554 = arith.constant 0 : i32
        %swap3A_555 = tpu.memref_slice %arg8[%scan3A_201, %swap3A_553, %swap3A_554] : memref<5x80x128xf32, #tpu.memory_space<vmem>> -> memref<1x80x128xf32, #tpu.memory_space<vmem>>
        %swap3A_556 = tpu.memref_squeeze %swap3A_555 : memref<1x80x128xf32, #tpu.memory_space<vmem>> -> memref<80x128xf32, #tpu.memory_space<vmem>>
        %swap3A_557 = arith.index_cast %scan3A_512 : i32 to index
        %swap3A_558 = arith.constant 0 : index
        %swap3A_559 = tpu.vector_load %swap3A_556[%swap3A_557, %swap3A_558] {strides = array<i32>} : memref<80x128xf32, #tpu.memory_space<vmem>>, vector<1x16xf32>,
        %swap3A_560 = vector.shape_cast %swap3A_559 : vector<1x16xf32> to vector<16xf32>
        %swap3A_561 = vector.shape_cast %get3A_517 : vector<16xf32> to vector<1x16xf32>
        tpu.vector_store %swap3A_556[%swap3A_557, %swap3A_558], %swap3A_561 {add = true, strides = array<i32>} : memref<80x128xf32, #tpu.memory_space<vmem>>, vector<1x16xf32>,
        %swap3A_562 = arith.constant 0 : i32
        %swap3A_563 = arith.constant 0 : i32
        %swap3A_564 = tpu.memref_slice %arg8[%scan3A_201, %swap3A_562, %swap3A_563] : memref<5x80x128xf32, #tpu.memory_space<vmem>> -> memref<1x80x128xf32, #tpu.memory_space<vmem>>
        %swap3A_565 = tpu.memref_squeeze %swap3A_564 : memref<1x80x128xf32, #tpu.memory_space<vmem>> -> memref<80x128xf32, #tpu.memory_space<vmem>>
        %swap3A_566 = arith.index_cast %scan3A_512 : i32 to index
        %swap3A_567 = arith.constant 16 : index
        %swap3A_568 = tpu.vector_load %swap3A_565[%swap3A_566, %swap3A_567] {strides = array<i32>} : memref<80x128xf32, #tpu.memory_space<vmem>>, vector<1x16xf32>,
        %swap3A_569 = vector.shape_cast %swap3A_568 : vector<1x16xf32> to vector<16xf32>
        %swap3A_570 = vector.shape_cast %get3A_522 : vector<16xf32> to vector<1x16xf32>
        tpu.vector_store %swap3A_565[%swap3A_566, %swap3A_567], %swap3A_570 {add = true, strides = array<i32>} : memref<80x128xf32, #tpu.memory_space<vmem>>, vector<1x16xf32>,
        %swap3A_571 = arith.constant 0 : i32
        %swap3A_572 = arith.constant 0 : i32
        %swap3A_573 = tpu.memref_slice %arg8[%scan3A_201, %swap3A_571, %swap3A_572] : memref<5x80x128xf32, #tpu.memory_space<vmem>> -> memref<1x80x128xf32, #tpu.memory_space<vmem>>
        %swap3A_574 = tpu.memref_squeeze %swap3A_573 : memref<1x80x128xf32, #tpu.memory_space<vmem>> -> memref<80x128xf32, #tpu.memory_space<vmem>>
        %swap3A_575 = arith.index_cast %scan3A_512 : i32 to index
        %swap3A_576 = arith.constant 32 : index
        %swap3A_577 = tpu.vector_load %swap3A_574[%swap3A_575, %swap3A_576] {strides = array<i32>} : memref<80x128xf32, #tpu.memory_space<vmem>>, vector<1x16xf32>,
        %swap3A_578 = vector.shape_cast %swap3A_577 : vector<1x16xf32> to vector<16xf32>
        %swap3A_579 = vector.shape_cast %get3A_527 : vector<16xf32> to vector<1x16xf32>
        tpu.vector_store %swap3A_574[%swap3A_575, %swap3A_576], %swap3A_579 {add = true, strides = array<i32>} : memref<80x128xf32, #tpu.memory_space<vmem>>, vector<1x16xf32>,
        %swap3A_580 = arith.constant 0 : i32
        %swap3A_581 = arith.constant 0 : i32
        %swap3A_582 = tpu.memref_slice %arg8[%scan3A_201, %swap3A_580, %swap3A_581] : memref<5x80x128xf32, #tpu.memory_space<vmem>> -> memref<1x80x128xf32, #tpu.memory_space<vmem>>
        %swap3A_583 = tpu.memref_squeeze %swap3A_582 : memref<1x80x128xf32, #tpu.memory_space<vmem>> -> memref<80x128xf32, #tpu.memory_space<vmem>>
        %swap3A_584 = arith.index_cast %scan3A_512 : i32 to index
        %swap3A_585 = arith.constant 48 : index
        %swap3A_586 = tpu.vector_load %swap3A_583[%swap3A_584, %swap3A_585] {strides = array<i32>} : memref<80x128xf32, #tpu.memory_space<vmem>>, vector<1x16xf32>,
        %swap3A_587 = vector.shape_cast %swap3A_586 : vector<1x16xf32> to vector<16xf32>
        %swap3A_588 = vector.shape_cast %get3A_532 : vector<16xf32> to vector<1x16xf32>
        tpu.vector_store %swap3A_583[%swap3A_584, %swap3A_585], %swap3A_588 {add = true, strides = array<i32>} : memref<80x128xf32, #tpu.memory_space<vmem>>, vector<1x16xf32>,
        %swap3A_589 = arith.constant 0 : i32
        %swap3A_590 = arith.constant 0 : i32
        %swap3A_591 = tpu.memref_slice %arg8[%scan3A_201, %swap3A_589, %swap3A_590] : memref<5x80x128xf32, #tpu.memory_space<vmem>> -> memref<1x80x128xf32, #tpu.memory_space<vmem>>
        %swap3A_592 = tpu.memref_squeeze %swap3A_591 : memref<1x80x128xf32, #tpu.memory_space<vmem>> -> memref<80x128xf32, #tpu.memory_space<vmem>>
        %swap3A_593 = arith.index_cast %scan3A_512 : i32 to index
        %swap3A_594 = arith.constant 64 : index
        %swap3A_595 = tpu.vector_load %swap3A_592[%swap3A_593, %swap3A_594] {strides = array<i32>} : memref<80x128xf32, #tpu.memory_space<vmem>>, vector<1x16xf32>,
        %swap3A_596 = vector.shape_cast %swap3A_595 : vector<1x16xf32> to vector<16xf32>
        %swap3A_597 = vector.shape_cast %get3A_537 : vector<16xf32> to vector<1x16xf32>
        tpu.vector_store %swap3A_592[%swap3A_593, %swap3A_594], %swap3A_597 {add = true, strides = array<i32>} : memref<80x128xf32, #tpu.memory_space<vmem>>, vector<1x16xf32>,
        %swap3A_598 = arith.constant 0 : i32
        %swap3A_599 = arith.constant 0 : i32
        %swap3A_600 = tpu.memref_slice %arg8[%scan3A_201, %swap3A_598, %swap3A_599] : memref<5x80x128xf32, #tpu.memory_space<vmem>> -> memref<1x80x128xf32, #tpu.memory_space<vmem>>
        %swap3A_601 = tpu.memref_squeeze %swap3A_600 : memref<1x80x128xf32, #tpu.memory_space<vmem>> -> memref<80x128xf32, #tpu.memory_space<vmem>>
        %swap3A_602 = arith.index_cast %scan3A_512 : i32 to index
        %swap3A_603 = arith.constant 80 : index
        %swap3A_604 = tpu.vector_load %swap3A_601[%swap3A_602, %swap3A_603] {strides = array<i32>} : memref<80x128xf32, #tpu.memory_space<vmem>>, vector<1x16xf32>,
        %swap3A_605 = vector.shape_cast %swap3A_604 : vector<1x16xf32> to vector<16xf32>
        %swap3A_606 = vector.shape_cast %get3A_542 : vector<16xf32> to vector<1x16xf32>
        tpu.vector_store %swap3A_601[%swap3A_602, %swap3A_603], %swap3A_606 {add = true, strides = array<i32>} : memref<80x128xf32, #tpu.memory_space<vmem>>, vector<1x16xf32>,
        %swap3A_607 = arith.constant 0 : i32
        %swap3A_608 = arith.constant 0 : i32
        %swap3A_609 = tpu.memref_slice %arg8[%scan3A_201, %swap3A_607, %swap3A_608] : memref<5x80x128xf32, #tpu.memory_space<vmem>> -> memref<1x80x128xf32, #tpu.memory_space<vmem>>
        %swap3A_610 = tpu.memref_squeeze %swap3A_609 : memref<1x80x128xf32, #tpu.memory_space<vmem>> -> memref<80x128xf32, #tpu.memory_space<vmem>>
        %swap3A_611 = arith.index_cast %scan3A_512 : i32 to index
        %swap3A_612 = arith.constant 96 : index
        %swap3A_613 = tpu.vector_load %swap3A_610[%swap3A_611, %swap3A_612] {strides = array<i32>} : memref<80x128xf32, #tpu.memory_space<vmem>>, vector<1x16xf32>,
        %swap3A_614 = vector.shape_cast %swap3A_613 : vector<1x16xf32> to vector<16xf32>
        %swap3A_615 = vector.shape_cast %get3A_547 : vector<16xf32> to vector<1x16xf32>
        tpu.vector_store %swap3A_610[%swap3A_611, %swap3A_612], %swap3A_615 {add = true, strides = array<i32>} : memref<80x128xf32, #tpu.memory_space<vmem>>, vector<1x16xf32>,
        %swap3A_616 = arith.constant 0 : i32
        %swap3A_617 = arith.constant 0 : i32
        %swap3A_618 = tpu.memref_slice %arg8[%scan3A_201, %swap3A_616, %swap3A_617] : memref<5x80x128xf32, #tpu.memory_space<vmem>> -> memref<1x80x128xf32, #tpu.memory_space<vmem>>
        %swap3A_619 = tpu.memref_squeeze %swap3A_618 : memref<1x80x128xf32, #tpu.memory_space<vmem>> -> memref<80x128xf32, #tpu.memory_space<vmem>>
        %swap3A_620 = arith.index_cast %scan3A_512 : i32 to index
        %swap3A_621 = arith.constant 112 : index
        %swap3A_622 = tpu.vector_load %swap3A_619[%swap3A_620, %swap3A_621] {strides = array<i32>} : memref<80x128xf32, #tpu.memory_space<vmem>>, vector<1x16xf32>,
        %swap3A_623 = vector.shape_cast %swap3A_622 : vector<1x16xf32> to vector<16xf32>
        %swap3A_624 = vector.shape_cast %get3A_552 : vector<16xf32> to vector<1x16xf32>
        tpu.vector_store %swap3A_619[%swap3A_620, %swap3A_621], %swap3A_624 {add = true, strides = array<i32>} : memref<80x128xf32, #tpu.memory_space<vmem>>, vector<1x16xf32>,
      }
      %scan3A_206 = arith.constant 80 : i32
      %mul3A_207 = arith.constant 80 : i32
      %mul3A_208 = arith.muli %add3A_167, %mul3A_207 : i32
      %add3A_209 = arith.addi %mul3A_2, %mul3A_208 : i32
      %dma_start3A_210 = arith.constant 1 : i32
      %dma_start3A_211 = arith.constant 0 : i32
      %dma_start3A_212 = arith.constant 0 : i32
      %dma_start3A_213 = tpu.memref_slice %arg8[%dma_start3A_210, %dma_start3A_211, %dma_start3A_212] : memref<5x80x128xf32, #tpu.memory_space<vmem>> -> memref<1x80x128xf32, #tpu.memory_space<vmem>>
      %dma_start3A_214 = tpu.memref_squeeze %dma_start3A_213 : memref<1x80x128xf32, #tpu.memory_space<vmem>> -> memref<80x128xf32, #tpu.memory_space<vmem>>
      %dma_start3A_215 = arith.constant 0 : i32
      %dma_start3A_216 = tpu.memref_slice %arg5[%add3A_209, %dma_start3A_215] : memref<819200x128xf32, #tpu.memory_space<hbm>> -> memref<80x128xf32, #tpu.memory_space<hbm>>
      %dma_start3A_217 = arith.constant 0 : i32
      %dma_start3A_218 = tpu.memref_slice %arg5[%add3A_209, %dma_start3A_217] : memref<819200x128xf32, #tpu.memory_space<hbm>> -> memref<80x128xf32, #tpu.memory_space<hbm>>
      %dma_start3A_219 = arith.constant 0 : i32
      %dma_start3A_220 = arith.constant 0 : i32
      %dma_start3A_221 = tpu.memref_slice %arg8[%dma_start3A_210, %dma_start3A_219, %dma_start3A_220] : memref<5x80x128xf32, #tpu.memory_space<vmem>> -> memref<1x80x128xf32, #tpu.memory_space<vmem>>
      %dma_start3A_222 = tpu.memref_squeeze %dma_start3A_221 : memref<1x80x128xf32, #tpu.memory_space<vmem>> -> memref<80x128xf32, #tpu.memory_space<vmem>>
      tpu.enqueue_dma source(%dma_start3A_222 : memref<80x128xf32, #tpu.memory_space<vmem>>) target(%dma_start3A_218 : memref<80x128xf32, #tpu.memory_space<hbm>>) target_semaphore(%arg15 : memref<!tpu.dma_semaphore, #tpu.memory_space<semaphore_mem>>)
      %mul3A_223 = arith.constant 5 : i32
      %mul3A_224 = arith.muli %scan3A_110, %mul3A_223 : i32
      %add3A_225 = arith.constant 2 : i32
      %add3A_226 = arith.addi %mul3A_224, %add3A_225 : i32
      %dma_wait3A_227 = arith.constant 2 : i32
      %dma_wait3A_228 = arith.constant 0 : i32
      %dma_wait3A_229 = arith.constant 0 : i32
      %dma_wait3A_230 = tpu.memref_slice %arg8[%dma_wait3A_227, %dma_wait3A_228, %dma_wait3A_229] : memref<5x80x128xf32, #tpu.memory_space<vmem>> -> memref<1x80x128xf32, #tpu.memory_space<vmem>>
      %dma_wait3A_231 = tpu.memref_squeeze %dma_wait3A_230 : memref<1x80x128xf32, #tpu.memory_space<vmem>> -> memref<80x128xf32, #tpu.memory_space<vmem>>
      %dma_wait3A_232 = arith.constant 0 : i32
      %dma_wait3A_233 = tpu.memref_slice %arg6[%add3A_226, %dma_wait3A_232] : memref<320x80xi32, #tpu.memory_space<vmem>> -> memref<1x80xi32, #tpu.memory_space<vmem>>
      %dma_wait3A_234 = tpu.memref_squeeze %dma_wait3A_233 : memref<1x80xi32, #tpu.memory_space<vmem>> -> memref<80xi32, #tpu.memory_space<vmem>>
      %dma_wait3A_235 = arith.constant 0 : i32
      %dma_wait3A_236 = arith.constant 0 : i32
      %dma_wait3A_237 = tpu.memref_slice %arg4[%dma_wait3A_235, %dma_wait3A_236] : memref<100000x128xf32, #tpu.memory_space<hbm>> -> memref<100000x128xf32, #tpu.memory_space<hbm>>
      tpu.wait_indirect_dma semaphore(%arg11 : memref<!tpu.dma_semaphore, #tpu.memory_space<semaphore_mem>>) src(%dma_wait3A_237 : memref<100000x128xf32, #tpu.memory_space<hbm>>) dst(%dma_wait3A_231 : memref<80x128xf32, #tpu.memory_space<vmem>>)
      %sub3A_238 = arith.constant 2 : i32
      %sub3A_239 = arith.subi %add3A_226, %sub3A_238 : i32
      %mul3A_240 = arith.constant 80 : i32
      %mul3A_241 = arith.muli %sub3A_239, %mul3A_240 : i32
      %add3A_242 = arith.addi %mul3A_2, %mul3A_241 : i32
      %ge3A_243 = arith.constant 2 : i32
      %ge3A_244 = arith.cmpi sge, %add3A_226, %ge3A_243 : i32
      %convert_element_type3A_245 = arith.extui %ge3A_244 : i1 to i32
      %cond3A_246 = arith.constant 0 : i32
      %cond3A_247 = arith.cmpi ne, %convert_element_type3A_245, %cond3A_246 : i32
      scf.if %cond3A_247 {
        %dma_wait3A_400 = arith.constant 0 : i32
        %dma_wait3A_401 = arith.constant 0 : i32
        %dma_wait3A_402 = arith.constant 0 : i32
        %dma_wait3A_403 = tpu.memref_slice %arg8[%dma_wait3A_400, %dma_wait3A_401, %dma_wait3A_402] : memref<5x80x128xf32, #tpu.memory_space<vmem>> -> memref<1x80x128xf32, #tpu.memory_space<vmem>>
        %dma_wait3A_404 = tpu.memref_squeeze %dma_wait3A_403 : memref<1x80x128xf32, #tpu.memory_space<vmem>> -> memref<80x128xf32, #tpu.memory_space<vmem>>
        %dma_wait3A_405 = arith.constant 0 : i32
        %dma_wait3A_406 = tpu.memref_slice %arg5[%add3A_242, %dma_wait3A_405] : memref<819200x128xf32, #tpu.memory_space<hbm>> -> memref<80x128xf32, #tpu.memory_space<hbm>>
        %dma_wait3A_407 = arith.constant 0 : i32
        %dma_wait3A_408 = tpu.memref_slice %arg5[%add3A_242, %dma_wait3A_407] : memref<819200x128xf32, #tpu.memory_space<hbm>> -> memref<80x128xf32, #tpu.memory_space<hbm>>
        %dma_wait3A_409 = arith.constant 0 : i32
        %dma_wait3A_410 = arith.constant 0 : i32
        %dma_wait3A_411 = tpu.memref_slice %arg8[%dma_wait3A_400, %dma_wait3A_409, %dma_wait3A_410] : memref<5x80x128xf32, #tpu.memory_space<vmem>> -> memref<1x80x128xf32, #tpu.memory_space<vmem>>
        %dma_wait3A_412 = tpu.memref_squeeze %dma_wait3A_411 : memref<1x80x128xf32, #tpu.memory_space<vmem>> -> memref<80x128xf32, #tpu.memory_space<vmem>>
        tpu.wait_dma2 semaphore(%arg14 : memref<!tpu.dma_semaphore, #tpu.memory_space<semaphore_mem>>) src(%dma_wait3A_412 : memref<80x128xf32, #tpu.memory_space<vmem>>) dst(%dma_wait3A_408 : memref<80x128xf32, #tpu.memory_space<hbm>>)
      } else {
      }
      %add3A_248 = arith.constant 3 : i32
      %add3A_249 = arith.addi %add3A_226, %add3A_248 : i32
      %lt3A_250 = arith.constant 320 : i32
      %lt3A_251 = arith.cmpi slt, %add3A_249, %lt3A_250 : i32
      %convert_element_type3A_252 = arith.extui %lt3A_251 : i1 to i32
      %cond3A_253 = arith.constant 0 : i32
      %cond3A_254 = arith.cmpi ne, %convert_element_type3A_252, %cond3A_253 : i32
      scf.if %cond3A_254 {
        %add3A_400 = arith.constant 3 : i32
        %add3A_401 = arith.addi %add3A_226, %add3A_400 : i32
        %dma_start3A_402 = arith.constant 0 : i32
        %dma_start3A_403 = arith.constant 0 : i32
        %dma_start3A_404 = arith.constant 0 : i32
        %dma_start3A_405 = tpu.memref_slice %arg8[%dma_start3A_402, %dma_start3A_403, %dma_start3A_404] : memref<5x80x128xf32, #tpu.memory_space<vmem>> -> memref<1x40x128xf32, #tpu.memory_space<vmem>>
        %dma_start3A_406 = tpu.memref_squeeze %dma_start3A_405 : memref<1x40x128xf32, #tpu.memory_space<vmem>> -> memref<40x128xf32, #tpu.memory_space<vmem>>
        %dma_start3A_407 = arith.constant 0 : i32
        %dma_start3A_408 = tpu.memref_slice %arg6[%add3A_401, %dma_start3A_407] : memref<320x80xi32, #tpu.memory_space<vmem>> -> memref<1x40xi32, #tpu.memory_space<vmem>>
        %dma_start3A_409 = tpu.memref_squeeze %dma_start3A_408 : memref<1x40xi32, #tpu.memory_space<vmem>> -> memref<40xi32, #tpu.memory_space<vmem>>
        %dma_start3A_410 = arith.constant 0 : i32
        %dma_start3A_411 = arith.constant 0 : i32
        %dma_start3A_412 = tpu.memref_slice %arg4[%dma_start3A_410, %dma_start3A_411] : memref<100000x128xf32, #tpu.memory_space<hbm>> -> memref<100000x128xf32, #tpu.memory_space<hbm>>
        tpu.enqueue_indirect_dma source(%dma_start3A_412 : memref<100000x128xf32, #tpu.memory_space<hbm>>) target(%dma_start3A_406 : memref<40x128xf32, #tpu.memory_space<vmem>>) offsets(%dma_start3A_409 : memref<40xi32, #tpu.memory_space<vmem>>) semaphore(%arg9 : memref<!tpu.dma_semaphore, #tpu.memory_space<semaphore_mem>>)
        %add3A_413 = arith.constant 3 : i32
        %add3A_414 = arith.addi %add3A_226, %add3A_413 : i32
        %dma_start3A_415 = arith.constant 0 : i32
        %dma_start3A_416 = arith.constant 40 : i32
        %dma_start3A_417 = arith.constant 0 : i32
        %dma_start3A_418 = tpu.memref_slice %arg8[%dma_start3A_415, %dma_start3A_416, %dma_start3A_417] : memref<5x80x128xf32, #tpu.memory_space<vmem>> -> memref<1x40x128xf32, #tpu.memory_space<vmem>>
        %dma_start3A_419 = tpu.memref_squeeze %dma_start3A_418 : memref<1x40x128xf32, #tpu.memory_space<vmem>> -> memref<40x128xf32, #tpu.memory_space<vmem>>
        %dma_start3A_420 = arith.constant 40 : i32
        %dma_start3A_421 = tpu.memref_slice %arg6[%add3A_414, %dma_start3A_420] : memref<320x80xi32, #tpu.memory_space<vmem>> -> memref<1x40xi32, #tpu.memory_space<vmem>>
        %dma_start3A_422 = tpu.memref_squeeze %dma_start3A_421 : memref<1x40xi32, #tpu.memory_space<vmem>> -> memref<40xi32, #tpu.memory_space<vmem>>
        %dma_start3A_423 = arith.constant 0 : i32
        %dma_start3A_424 = arith.constant 0 : i32
        %dma_start3A_425 = tpu.memref_slice %arg4[%dma_start3A_423, %dma_start3A_424] : memref<100000x128xf32, #tpu.memory_space<hbm>> -> memref<100000x128xf32, #tpu.memory_space<hbm>>
        tpu.enqueue_indirect_dma source(%dma_start3A_425 : memref<100000x128xf32, #tpu.memory_space<hbm>>) target(%dma_start3A_419 : memref<40x128xf32, #tpu.memory_space<vmem>>) offsets(%dma_start3A_422 : memref<40xi32, #tpu.memory_space<vmem>>) semaphore(%arg9 : memref<!tpu.dma_semaphore, #tpu.memory_space<semaphore_mem>>)
      } else {
      }
      %mul3A_255 = arith.constant 80 : i32
      %mul3A_256 = arith.muli %add3A_226, %mul3A_255 : i32
      %rem3A_257 = arith.constant 200 : i32
      %rem3A_258 = arith.remsi %mul3A_256, %rem3A_257 : i32
      %scan3A_259 = arith.constant 0 : i32
      %scan3A_260 = arith.constant 2 : i32
      %scan3A_261 = arith.constant 0 : i32
      %scan3A_262 = arith.constant 80 : i32
      %scan3A_263 = arith.addi %scan3A_261, %scan3A_262 : i32
      %scan3A_264 = arith.constant 2 : i32
      scf.for %scan3A_400 = %scan3A_261 to %scan3A_263 step %scan3A_264  : i32 {
        %add3A_401 = arith.addi %rem3A_258, %scan3A_400 : i32
        %get3A = arith.index_cast %add3A_401 : i32 to index
        %get3A_402 = arith.constant 0 : index
        %get3A_403 = tpu.vector_load %arg7[%get3A, %get3A_402] {strides = array<i32>} : memref<240x128xf32, #tpu.memory_space<vmem>>, vector<1x16xf32>,
        %get3A_404 = vector.shape_cast %get3A_403 : vector<1x16xf32> to vector<16xf32>
        %add3A_405 = arith.addi %rem3A_258, %scan3A_400 : i32
        %get3A_406 = arith.index_cast %add3A_405 : i32 to index
        %get3A_407 = arith.constant 16 : index
        %get3A_408 = tpu.vector_load %arg7[%get3A_406, %get3A_407] {strides = array<i32>} : memref<240x128xf32, #tpu.memory_space<vmem>>, vector<1x16xf32>,
        %get3A_409 = vector.shape_cast %get3A_408 : vector<1x16xf32> to vector<16xf32>
        %add3A_410 = arith.addi %rem3A_258, %scan3A_400 : i32
        %get3A_411 = arith.index_cast %add3A_410 : i32 to index
        %get3A_412 = arith.constant 32 : index
        %get3A_413 = tpu.vector_load %arg7[%get3A_411, %get3A_412] {strides = array<i32>} : memref<240x128xf32, #tpu.memory_space<vmem>>, vector<1x16xf32>,
        %get3A_414 = vector.shape_cast %get3A_413 : vector<1x16xf32> to vector<16xf32>
        %add3A_415 = arith.addi %rem3A_258, %scan3A_400 : i32
        %get3A_416 = arith.index_cast %add3A_415 : i32 to index
        %get3A_417 = arith.constant 48 : index
        %get3A_418 = tpu.vector_load %arg7[%get3A_416, %get3A_417] {strides = array<i32>} : memref<240x128xf32, #tpu.memory_space<vmem>>, vector<1x16xf32>,
        %get3A_419 = vector.shape_cast %get3A_418 : vector<1x16xf32> to vector<16xf32>
        %add3A_420 = arith.addi %rem3A_258, %scan3A_400 : i32
        %get3A_421 = arith.index_cast %add3A_420 : i32 to index
        %get3A_422 = arith.constant 64 : index
        %get3A_423 = tpu.vector_load %arg7[%get3A_421, %get3A_422] {strides = array<i32>} : memref<240x128xf32, #tpu.memory_space<vmem>>, vector<1x16xf32>,
        %get3A_424 = vector.shape_cast %get3A_423 : vector<1x16xf32> to vector<16xf32>
        %add3A_425 = arith.addi %rem3A_258, %scan3A_400 : i32
        %get3A_426 = arith.index_cast %add3A_425 : i32 to index
        %get3A_427 = arith.constant 80 : index
        %get3A_428 = tpu.vector_load %arg7[%get3A_426, %get3A_427] {strides = array<i32>} : memref<240x128xf32, #tpu.memory_space<vmem>>, vector<1x16xf32>,
        %get3A_429 = vector.shape_cast %get3A_428 : vector<1x16xf32> to vector<16xf32>
        %add3A_430 = arith.addi %rem3A_258, %scan3A_400 : i32
        %get3A_431 = arith.index_cast %add3A_430 : i32 to index
        %get3A_432 = arith.constant 96 : index
        %get3A_433 = tpu.vector_load %arg7[%get3A_431, %get3A_432] {strides = array<i32>} : memref<240x128xf32, #tpu.memory_space<vmem>>, vector<1x16xf32>,
        %get3A_434 = vector.shape_cast %get3A_433 : vector<1x16xf32> to vector<16xf32>
        %add3A_435 = arith.addi %rem3A_258, %scan3A_400 : i32
        %get3A_436 = arith.index_cast %add3A_435 : i32 to index
        %get3A_437 = arith.constant 112 : index
        %get3A_438 = tpu.vector_load %arg7[%get3A_436, %get3A_437] {strides = array<i32>} : memref<240x128xf32, #tpu.memory_space<vmem>>, vector<1x16xf32>,
        %get3A_439 = vector.shape_cast %get3A_438 : vector<1x16xf32> to vector<16xf32>
        %swap3A = arith.constant 0 : i32
        %swap3A_440 = arith.constant 0 : i32
        %swap3A_441 = tpu.memref_slice %arg8[%scan3A_260, %swap3A, %swap3A_440] : memref<5x80x128xf32, #tpu.memory_space<vmem>> -> memref<1x80x128xf32, #tpu.memory_space<vmem>>
        %swap3A_442 = tpu.memref_squeeze %swap3A_441 : memref<1x80x128xf32, #tpu.memory_space<vmem>> -> memref<80x128xf32, #tpu.memory_space<vmem>>
        %swap3A_443 = arith.index_cast %scan3A_400 : i32 to index
        %swap3A_444 = arith.constant 0 : index
        %swap3A_445 = tpu.vector_load %swap3A_442[%swap3A_443, %swap3A_444] {strides = array<i32>} : memref<80x128xf32, #tpu.memory_space<vmem>>, vector<1x16xf32>,
        %swap3A_446 = vector.shape_cast %swap3A_445 : vector<1x16xf32> to vector<16xf32>
        %swap3A_447 = vector.shape_cast %get3A_404 : vector<16xf32> to vector<1x16xf32>
        tpu.vector_store %swap3A_442[%swap3A_443, %swap3A_444], %swap3A_447 {add = true, strides = array<i32>} : memref<80x128xf32, #tpu.memory_space<vmem>>, vector<1x16xf32>,
        %swap3A_448 = arith.constant 0 : i32
        %swap3A_449 = arith.constant 0 : i32
        %swap3A_450 = tpu.memref_slice %arg8[%scan3A_260, %swap3A_448, %swap3A_449] : memref<5x80x128xf32, #tpu.memory_space<vmem>> -> memref<1x80x128xf32, #tpu.memory_space<vmem>>
        %swap3A_451 = tpu.memref_squeeze %swap3A_450 : memref<1x80x128xf32, #tpu.memory_space<vmem>> -> memref<80x128xf32, #tpu.memory_space<vmem>>
        %swap3A_452 = arith.index_cast %scan3A_400 : i32 to index
        %swap3A_453 = arith.constant 16 : index
        %swap3A_454 = tpu.vector_load %swap3A_451[%swap3A_452, %swap3A_453] {strides = array<i32>} : memref<80x128xf32, #tpu.memory_space<vmem>>, vector<1x16xf32>,
        %swap3A_455 = vector.shape_cast %swap3A_454 : vector<1x16xf32> to vector<16xf32>
        %swap3A_456 = vector.shape_cast %get3A_409 : vector<16xf32> to vector<1x16xf32>
        tpu.vector_store %swap3A_451[%swap3A_452, %swap3A_453], %swap3A_456 {add = true, strides = array<i32>} : memref<80x128xf32, #tpu.memory_space<vmem>>, vector<1x16xf32>,
        %swap3A_457 = arith.constant 0 : i32
        %swap3A_458 = arith.constant 0 : i32
        %swap3A_459 = tpu.memref_slice %arg8[%scan3A_260, %swap3A_457, %swap3A_458] : memref<5x80x128xf32, #tpu.memory_space<vmem>> -> memref<1x80x128xf32, #tpu.memory_space<vmem>>
        %swap3A_460 = tpu.memref_squeeze %swap3A_459 : memref<1x80x128xf32, #tpu.memory_space<vmem>> -> memref<80x128xf32, #tpu.memory_space<vmem>>
        %swap3A_461 = arith.index_cast %scan3A_400 : i32 to index
        %swap3A_462 = arith.constant 32 : index
        %swap3A_463 = tpu.vector_load %swap3A_460[%swap3A_461, %swap3A_462] {strides = array<i32>} : memref<80x128xf32, #tpu.memory_space<vmem>>, vector<1x16xf32>,
        %swap3A_464 = vector.shape_cast %swap3A_463 : vector<1x16xf32> to vector<16xf32>
        %swap3A_465 = vector.shape_cast %get3A_414 : vector<16xf32> to vector<1x16xf32>
        tpu.vector_store %swap3A_460[%swap3A_461, %swap3A_462], %swap3A_465 {add = true, strides = array<i32>} : memref<80x128xf32, #tpu.memory_space<vmem>>, vector<1x16xf32>,
        %swap3A_466 = arith.constant 0 : i32
        %swap3A_467 = arith.constant 0 : i32
        %swap3A_468 = tpu.memref_slice %arg8[%scan3A_260, %swap3A_466, %swap3A_467] : memref<5x80x128xf32, #tpu.memory_space<vmem>> -> memref<1x80x128xf32, #tpu.memory_space<vmem>>
        %swap3A_469 = tpu.memref_squeeze %swap3A_468 : memref<1x80x128xf32, #tpu.memory_space<vmem>> -> memref<80x128xf32, #tpu.memory_space<vmem>>
        %swap3A_470 = arith.index_cast %scan3A_400 : i32 to index
        %swap3A_471 = arith.constant 48 : index
        %swap3A_472 = tpu.vector_load %swap3A_469[%swap3A_470, %swap3A_471] {strides = array<i32>} : memref<80x128xf32, #tpu.memory_space<vmem>>, vector<1x16xf32>,
        %swap3A_473 = vector.shape_cast %swap3A_472 : vector<1x16xf32> to vector<16xf32>
        %swap3A_474 = vector.shape_cast %get3A_419 : vector<16xf32> to vector<1x16xf32>
        tpu.vector_store %swap3A_469[%swap3A_470, %swap3A_471], %swap3A_474 {add = true, strides = array<i32>} : memref<80x128xf32, #tpu.memory_space<vmem>>, vector<1x16xf32>,
        %swap3A_475 = arith.constant 0 : i32
        %swap3A_476 = arith.constant 0 : i32
        %swap3A_477 = tpu.memref_slice %arg8[%scan3A_260, %swap3A_475, %swap3A_476] : memref<5x80x128xf32, #tpu.memory_space<vmem>> -> memref<1x80x128xf32, #tpu.memory_space<vmem>>
        %swap3A_478 = tpu.memref_squeeze %swap3A_477 : memref<1x80x128xf32, #tpu.memory_space<vmem>> -> memref<80x128xf32, #tpu.memory_space<vmem>>
        %swap3A_479 = arith.index_cast %scan3A_400 : i32 to index
        %swap3A_480 = arith.constant 64 : index
        %swap3A_481 = tpu.vector_load %swap3A_478[%swap3A_479, %swap3A_480] {strides = array<i32>} : memref<80x128xf32, #tpu.memory_space<vmem>>, vector<1x16xf32>,
        %swap3A_482 = vector.shape_cast %swap3A_481 : vector<1x16xf32> to vector<16xf32>
        %swap3A_483 = vector.shape_cast %get3A_424 : vector<16xf32> to vector<1x16xf32>
        tpu.vector_store %swap3A_478[%swap3A_479, %swap3A_480], %swap3A_483 {add = true, strides = array<i32>} : memref<80x128xf32, #tpu.memory_space<vmem>>, vector<1x16xf32>,
        %swap3A_484 = arith.constant 0 : i32
        %swap3A_485 = arith.constant 0 : i32
        %swap3A_486 = tpu.memref_slice %arg8[%scan3A_260, %swap3A_484, %swap3A_485] : memref<5x80x128xf32, #tpu.memory_space<vmem>> -> memref<1x80x128xf32, #tpu.memory_space<vmem>>
        %swap3A_487 = tpu.memref_squeeze %swap3A_486 : memref<1x80x128xf32, #tpu.memory_space<vmem>> -> memref<80x128xf32, #tpu.memory_space<vmem>>
        %swap3A_488 = arith.index_cast %scan3A_400 : i32 to index
        %swap3A_489 = arith.constant 80 : index
        %swap3A_490 = tpu.vector_load %swap3A_487[%swap3A_488, %swap3A_489] {strides = array<i32>} : memref<80x128xf32, #tpu.memory_space<vmem>>, vector<1x16xf32>,
        %swap3A_491 = vector.shape_cast %swap3A_490 : vector<1x16xf32> to vector<16xf32>
        %swap3A_492 = vector.shape_cast %get3A_429 : vector<16xf32> to vector<1x16xf32>
        tpu.vector_store %swap3A_487[%swap3A_488, %swap3A_489], %swap3A_492 {add = true, strides = array<i32>} : memref<80x128xf32, #tpu.memory_space<vmem>>, vector<1x16xf32>,
        %swap3A_493 = arith.constant 0 : i32
        %swap3A_494 = arith.constant 0 : i32
        %swap3A_495 = tpu.memref_slice %arg8[%scan3A_260, %swap3A_493, %swap3A_494] : memref<5x80x128xf32, #tpu.memory_space<vmem>> -> memref<1x80x128xf32, #tpu.memory_space<vmem>>
        %swap3A_496 = tpu.memref_squeeze %swap3A_495 : memref<1x80x128xf32, #tpu.memory_space<vmem>> -> memref<80x128xf32, #tpu.memory_space<vmem>>
        %swap3A_497 = arith.index_cast %scan3A_400 : i32 to index
        %swap3A_498 = arith.constant 96 : index
        %swap3A_499 = tpu.vector_load %swap3A_496[%swap3A_497, %swap3A_498] {strides = array<i32>} : memref<80x128xf32, #tpu.memory_space<vmem>>, vector<1x16xf32>,
        %swap3A_500 = vector.shape_cast %swap3A_499 : vector<1x16xf32> to vector<16xf32>
        %swap3A_501 = vector.shape_cast %get3A_434 : vector<16xf32> to vector<1x16xf32>
        tpu.vector_store %swap3A_496[%swap3A_497, %swap3A_498], %swap3A_501 {add = true, strides = array<i32>} : memref<80x128xf32, #tpu.memory_space<vmem>>, vector<1x16xf32>,
        %swap3A_502 = arith.constant 0 : i32
        %swap3A_503 = arith.constant 0 : i32
        %swap3A_504 = tpu.memref_slice %arg8[%scan3A_260, %swap3A_502, %swap3A_503] : memref<5x80x128xf32, #tpu.memory_space<vmem>> -> memref<1x80x128xf32, #tpu.memory_space<vmem>>
        %swap3A_505 = tpu.memref_squeeze %swap3A_504 : memref<1x80x128xf32, #tpu.memory_space<vmem>> -> memref<80x128xf32, #tpu.memory_space<vmem>>
        %swap3A_506 = arith.index_cast %scan3A_400 : i32 to index
        %swap3A_507 = arith.constant 112 : index
        %swap3A_508 = tpu.vector_load %swap3A_505[%swap3A_506, %swap3A_507] {strides = array<i32>} : memref<80x128xf32, #tpu.memory_space<vmem>>, vector<1x16xf32>,
        %swap3A_509 = vector.shape_cast %swap3A_508 : vector<1x16xf32> to vector<16xf32>
        %swap3A_510 = vector.shape_cast %get3A_439 : vector<16xf32> to vector<1x16xf32>
        tpu.vector_store %swap3A_505[%swap3A_506, %swap3A_507], %swap3A_510 {add = true, strides = array<i32>} : memref<80x128xf32, #tpu.memory_space<vmem>>, vector<1x16xf32>,
        %scan3A_511 = arith.constant 1 : i32
        %scan3A_512 = arith.addi %scan3A_400, %scan3A_511 : i32
        %add3A_513 = arith.addi %rem3A_258, %scan3A_512 : i32
        %get3A_514 = arith.index_cast %add3A_513 : i32 to index
        %get3A_515 = arith.constant 0 : index
        %get3A_516 = tpu.vector_load %arg7[%get3A_514, %get3A_515] {strides = array<i32>} : memref<240x128xf32, #tpu.memory_space<vmem>>, vector<1x16xf32>,
        %get3A_517 = vector.shape_cast %get3A_516 : vector<1x16xf32> to vector<16xf32>
        %add3A_518 = arith.addi %rem3A_258, %scan3A_512 : i32
        %get3A_519 = arith.index_cast %add3A_518 : i32 to index
        %get3A_520 = arith.constant 16 : index
        %get3A_521 = tpu.vector_load %arg7[%get3A_519, %get3A_520] {strides = array<i32>} : memref<240x128xf32, #tpu.memory_space<vmem>>, vector<1x16xf32>,
        %get3A_522 = vector.shape_cast %get3A_521 : vector<1x16xf32> to vector<16xf32>
        %add3A_523 = arith.addi %rem3A_258, %scan3A_512 : i32
        %get3A_524 = arith.index_cast %add3A_523 : i32 to index
        %get3A_525 = arith.constant 32 : index
        %get3A_526 = tpu.vector_load %arg7[%get3A_524, %get3A_525] {strides = array<i32>} : memref<240x128xf32, #tpu.memory_space<vmem>>, vector<1x16xf32>,
        %get3A_527 = vector.shape_cast %get3A_526 : vector<1x16xf32> to vector<16xf32>
        %add3A_528 = arith.addi %rem3A_258, %scan3A_512 : i32
        %get3A_529 = arith.index_cast %add3A_528 : i32 to index
        %get3A_530 = arith.constant 48 : index
        %get3A_531 = tpu.vector_load %arg7[%get3A_529, %get3A_530] {strides = array<i32>} : memref<240x128xf32, #tpu.memory_space<vmem>>, vector<1x16xf32>,
        %get3A_532 = vector.shape_cast %get3A_531 : vector<1x16xf32> to vector<16xf32>
        %add3A_533 = arith.addi %rem3A_258, %scan3A_512 : i32
        %get3A_534 = arith.index_cast %add3A_533 : i32 to index
        %get3A_535 = arith.constant 64 : index
        %get3A_536 = tpu.vector_load %arg7[%get3A_534, %get3A_535] {strides = array<i32>} : memref<240x128xf32, #tpu.memory_space<vmem>>, vector<1x16xf32>,
        %get3A_537 = vector.shape_cast %get3A_536 : vector<1x16xf32> to vector<16xf32>
        %add3A_538 = arith.addi %rem3A_258, %scan3A_512 : i32
        %get3A_539 = arith.index_cast %add3A_538 : i32 to index
        %get3A_540 = arith.constant 80 : index
        %get3A_541 = tpu.vector_load %arg7[%get3A_539, %get3A_540] {strides = array<i32>} : memref<240x128xf32, #tpu.memory_space<vmem>>, vector<1x16xf32>,
        %get3A_542 = vector.shape_cast %get3A_541 : vector<1x16xf32> to vector<16xf32>
        %add3A_543 = arith.addi %rem3A_258, %scan3A_512 : i32
        %get3A_544 = arith.index_cast %add3A_543 : i32 to index
        %get3A_545 = arith.constant 96 : index
        %get3A_546 = tpu.vector_load %arg7[%get3A_544, %get3A_545] {strides = array<i32>} : memref<240x128xf32, #tpu.memory_space<vmem>>, vector<1x16xf32>,
        %get3A_547 = vector.shape_cast %get3A_546 : vector<1x16xf32> to vector<16xf32>
        %add3A_548 = arith.addi %rem3A_258, %scan3A_512 : i32
        %get3A_549 = arith.index_cast %add3A_548 : i32 to index
        %get3A_550 = arith.constant 112 : index
        %get3A_551 = tpu.vector_load %arg7[%get3A_549, %get3A_550] {strides = array<i32>} : memref<240x128xf32, #tpu.memory_space<vmem>>, vector<1x16xf32>,
        %get3A_552 = vector.shape_cast %get3A_551 : vector<1x16xf32> to vector<16xf32>
        %swap3A_553 = arith.constant 0 : i32
        %swap3A_554 = arith.constant 0 : i32
        %swap3A_555 = tpu.memref_slice %arg8[%scan3A_260, %swap3A_553, %swap3A_554] : memref<5x80x128xf32, #tpu.memory_space<vmem>> -> memref<1x80x128xf32, #tpu.memory_space<vmem>>
        %swap3A_556 = tpu.memref_squeeze %swap3A_555 : memref<1x80x128xf32, #tpu.memory_space<vmem>> -> memref<80x128xf32, #tpu.memory_space<vmem>>
        %swap3A_557 = arith.index_cast %scan3A_512 : i32 to index
        %swap3A_558 = arith.constant 0 : index
        %swap3A_559 = tpu.vector_load %swap3A_556[%swap3A_557, %swap3A_558] {strides = array<i32>} : memref<80x128xf32, #tpu.memory_space<vmem>>, vector<1x16xf32>,
        %swap3A_560 = vector.shape_cast %swap3A_559 : vector<1x16xf32> to vector<16xf32>
        %swap3A_561 = vector.shape_cast %get3A_517 : vector<16xf32> to vector<1x16xf32>
        tpu.vector_store %swap3A_556[%swap3A_557, %swap3A_558], %swap3A_561 {add = true, strides = array<i32>} : memref<80x128xf32, #tpu.memory_space<vmem>>, vector<1x16xf32>,
        %swap3A_562 = arith.constant 0 : i32
        %swap3A_563 = arith.constant 0 : i32
        %swap3A_564 = tpu.memref_slice %arg8[%scan3A_260, %swap3A_562, %swap3A_563] : memref<5x80x128xf32, #tpu.memory_space<vmem>> -> memref<1x80x128xf32, #tpu.memory_space<vmem>>
        %swap3A_565 = tpu.memref_squeeze %swap3A_564 : memref<1x80x128xf32, #tpu.memory_space<vmem>> -> memref<80x128xf32, #tpu.memory_space<vmem>>
        %swap3A_566 = arith.index_cast %scan3A_512 : i32 to index
        %swap3A_567 = arith.constant 16 : index
        %swap3A_568 = tpu.vector_load %swap3A_565[%swap3A_566, %swap3A_567] {strides = array<i32>} : memref<80x128xf32, #tpu.memory_space<vmem>>, vector<1x16xf32>,
        %swap3A_569 = vector.shape_cast %swap3A_568 : vector<1x16xf32> to vector<16xf32>
        %swap3A_570 = vector.shape_cast %get3A_522 : vector<16xf32> to vector<1x16xf32>
        tpu.vector_store %swap3A_565[%swap3A_566, %swap3A_567], %swap3A_570 {add = true, strides = array<i32>} : memref<80x128xf32, #tpu.memory_space<vmem>>, vector<1x16xf32>,
        %swap3A_571 = arith.constant 0 : i32
        %swap3A_572 = arith.constant 0 : i32
        %swap3A_573 = tpu.memref_slice %arg8[%scan3A_260, %swap3A_571, %swap3A_572] : memref<5x80x128xf32, #tpu.memory_space<vmem>> -> memref<1x80x128xf32, #tpu.memory_space<vmem>>
        %swap3A_574 = tpu.memref_squeeze %swap3A_573 : memref<1x80x128xf32, #tpu.memory_space<vmem>> -> memref<80x128xf32, #tpu.memory_space<vmem>>
        %swap3A_575 = arith.index_cast %scan3A_512 : i32 to index
        %swap3A_576 = arith.constant 32 : index
        %swap3A_577 = tpu.vector_load %swap3A_574[%swap3A_575, %swap3A_576] {strides = array<i32>} : memref<80x128xf32, #tpu.memory_space<vmem>>, vector<1x16xf32>,
        %swap3A_578 = vector.shape_cast %swap3A_577 : vector<1x16xf32> to vector<16xf32>
        %swap3A_579 = vector.shape_cast %get3A_527 : vector<16xf32> to vector<1x16xf32>
        tpu.vector_store %swap3A_574[%swap3A_575, %swap3A_576], %swap3A_579 {add = true, strides = array<i32>} : memref<80x128xf32, #tpu.memory_space<vmem>>, vector<1x16xf32>,
        %swap3A_580 = arith.constant 0 : i32
        %swap3A_581 = arith.constant 0 : i32
        %swap3A_582 = tpu.memref_slice %arg8[%scan3A_260, %swap3A_580, %swap3A_581] : memref<5x80x128xf32, #tpu.memory_space<vmem>> -> memref<1x80x128xf32, #tpu.memory_space<vmem>>
        %swap3A_583 = tpu.memref_squeeze %swap3A_582 : memref<1x80x128xf32, #tpu.memory_space<vmem>> -> memref<80x128xf32, #tpu.memory_space<vmem>>
        %swap3A_584 = arith.index_cast %scan3A_512 : i32 to index
        %swap3A_585 = arith.constant 48 : index
        %swap3A_586 = tpu.vector_load %swap3A_583[%swap3A_584, %swap3A_585] {strides = array<i32>} : memref<80x128xf32, #tpu.memory_space<vmem>>, vector<1x16xf32>,
        %swap3A_587 = vector.shape_cast %swap3A_586 : vector<1x16xf32> to vector<16xf32>
        %swap3A_588 = vector.shape_cast %get3A_532 : vector<16xf32> to vector<1x16xf32>
        tpu.vector_store %swap3A_583[%swap3A_584, %swap3A_585], %swap3A_588 {add = true, strides = array<i32>} : memref<80x128xf32, #tpu.memory_space<vmem>>, vector<1x16xf32>,
        %swap3A_589 = arith.constant 0 : i32
        %swap3A_590 = arith.constant 0 : i32
        %swap3A_591 = tpu.memref_slice %arg8[%scan3A_260, %swap3A_589, %swap3A_590] : memref<5x80x128xf32, #tpu.memory_space<vmem>> -> memref<1x80x128xf32, #tpu.memory_space<vmem>>
        %swap3A_592 = tpu.memref_squeeze %swap3A_591 : memref<1x80x128xf32, #tpu.memory_space<vmem>> -> memref<80x128xf32, #tpu.memory_space<vmem>>
        %swap3A_593 = arith.index_cast %scan3A_512 : i32 to index
        %swap3A_594 = arith.constant 64 : index
        %swap3A_595 = tpu.vector_load %swap3A_592[%swap3A_593, %swap3A_594] {strides = array<i32>} : memref<80x128xf32, #tpu.memory_space<vmem>>, vector<1x16xf32>,
        %swap3A_596 = vector.shape_cast %swap3A_595 : vector<1x16xf32> to vector<16xf32>
        %swap3A_597 = vector.shape_cast %get3A_537 : vector<16xf32> to vector<1x16xf32>
        tpu.vector_store %swap3A_592[%swap3A_593, %swap3A_594], %swap3A_597 {add = true, strides = array<i32>} : memref<80x128xf32, #tpu.memory_space<vmem>>, vector<1x16xf32>,
        %swap3A_598 = arith.constant 0 : i32
        %swap3A_599 = arith.constant 0 : i32
        %swap3A_600 = tpu.memref_slice %arg8[%scan3A_260, %swap3A_598, %swap3A_599] : memref<5x80x128xf32, #tpu.memory_space<vmem>> -> memref<1x80x128xf32, #tpu.memory_space<vmem>>
        %swap3A_601 = tpu.memref_squeeze %swap3A_600 : memref<1x80x128xf32, #tpu.memory_space<vmem>> -> memref<80x128xf32, #tpu.memory_space<vmem>>
        %swap3A_602 = arith.index_cast %scan3A_512 : i32 to index
        %swap3A_603 = arith.constant 80 : index
        %swap3A_604 = tpu.vector_load %swap3A_601[%swap3A_602, %swap3A_603] {strides = array<i32>} : memref<80x128xf32, #tpu.memory_space<vmem>>, vector<1x16xf32>,
        %swap3A_605 = vector.shape_cast %swap3A_604 : vector<1x16xf32> to vector<16xf32>
        %swap3A_606 = vector.shape_cast %get3A_542 : vector<16xf32> to vector<1x16xf32>
        tpu.vector_store %swap3A_601[%swap3A_602, %swap3A_603], %swap3A_606 {add = true, strides = array<i32>} : memref<80x128xf32, #tpu.memory_space<vmem>>, vector<1x16xf32>,
        %swap3A_607 = arith.constant 0 : i32
        %swap3A_608 = arith.constant 0 : i32
        %swap3A_609 = tpu.memref_slice %arg8[%scan3A_260, %swap3A_607, %swap3A_608] : memref<5x80x128xf32, #tpu.memory_space<vmem>> -> memref<1x80x128xf32, #tpu.memory_space<vmem>>
        %swap3A_610 = tpu.memref_squeeze %swap3A_609 : memref<1x80x128xf32, #tpu.memory_space<vmem>> -> memref<80x128xf32, #tpu.memory_space<vmem>>
        %swap3A_611 = arith.index_cast %scan3A_512 : i32 to index
        %swap3A_612 = arith.constant 96 : index
        %swap3A_613 = tpu.vector_load %swap3A_610[%swap3A_611, %swap3A_612] {strides = array<i32>} : memref<80x128xf32, #tpu.memory_space<vmem>>, vector<1x16xf32>,
        %swap3A_614 = vector.shape_cast %swap3A_613 : vector<1x16xf32> to vector<16xf32>
        %swap3A_615 = vector.shape_cast %get3A_547 : vector<16xf32> to vector<1x16xf32>
        tpu.vector_store %swap3A_610[%swap3A_611, %swap3A_612], %swap3A_615 {add = true, strides = array<i32>} : memref<80x128xf32, #tpu.memory_space<vmem>>, vector<1x16xf32>,
        %swap3A_616 = arith.constant 0 : i32
        %swap3A_617 = arith.constant 0 : i32
        %swap3A_618 = tpu.memref_slice %arg8[%scan3A_260, %swap3A_616, %swap3A_617] : memref<5x80x128xf32, #tpu.memory_space<vmem>> -> memref<1x80x128xf32, #tpu.memory_space<vmem>>
        %swap3A_619 = tpu.memref_squeeze %swap3A_618 : memref<1x80x128xf32, #tpu.memory_space<vmem>> -> memref<80x128xf32, #tpu.memory_space<vmem>>
        %swap3A_620 = arith.index_cast %scan3A_512 : i32 to index
        %swap3A_621 = arith.constant 112 : index
        %swap3A_622 = tpu.vector_load %swap3A_619[%swap3A_620, %swap3A_621] {strides = array<i32>} : memref<80x128xf32, #tpu.memory_space<vmem>>, vector<1x16xf32>,
        %swap3A_623 = vector.shape_cast %swap3A_622 : vector<1x16xf32> to vector<16xf32>
        %swap3A_624 = vector.shape_cast %get3A_552 : vector<16xf32> to vector<1x16xf32>
        tpu.vector_store %swap3A_619[%swap3A_620, %swap3A_621], %swap3A_624 {add = true, strides = array<i32>} : memref<80x128xf32, #tpu.memory_space<vmem>>, vector<1x16xf32>,
      }
      %scan3A_265 = arith.constant 80 : i32
      %mul3A_266 = arith.constant 80 : i32
      %mul3A_267 = arith.muli %add3A_226, %mul3A_266 : i32
      %add3A_268 = arith.addi %mul3A_2, %mul3A_267 : i32
      %dma_start3A_269 = arith.constant 2 : i32
      %dma_start3A_270 = arith.constant 0 : i32
      %dma_start3A_271 = arith.constant 0 : i32
      %dma_start3A_272 = tpu.memref_slice %arg8[%dma_start3A_269, %dma_start3A_270, %dma_start3A_271] : memref<5x80x128xf32, #tpu.memory_space<vmem>> -> memref<1x80x128xf32, #tpu.memory_space<vmem>>
      %dma_start3A_273 = tpu.memref_squeeze %dma_start3A_272 : memref<1x80x128xf32, #tpu.memory_space<vmem>> -> memref<80x128xf32, #tpu.memory_space<vmem>>
      %dma_start3A_274 = arith.constant 0 : i32
      %dma_start3A_275 = tpu.memref_slice %arg5[%add3A_268, %dma_start3A_274] : memref<819200x128xf32, #tpu.memory_space<hbm>> -> memref<80x128xf32, #tpu.memory_space<hbm>>
      %dma_start3A_276 = arith.constant 0 : i32
      %dma_start3A_277 = tpu.memref_slice %arg5[%add3A_268, %dma_start3A_276] : memref<819200x128xf32, #tpu.memory_space<hbm>> -> memref<80x128xf32, #tpu.memory_space<hbm>>
      %dma_start3A_278 = arith.constant 0 : i32
      %dma_start3A_279 = arith.constant 0 : i32
      %dma_start3A_280 = tpu.memref_slice %arg8[%dma_start3A_269, %dma_start3A_278, %dma_start3A_279] : memref<5x80x128xf32, #tpu.memory_space<vmem>> -> memref<1x80x128xf32, #tpu.memory_space<vmem>>
      %dma_start3A_281 = tpu.memref_squeeze %dma_start3A_280 : memref<1x80x128xf32, #tpu.memory_space<vmem>> -> memref<80x128xf32, #tpu.memory_space<vmem>>
      tpu.enqueue_dma source(%dma_start3A_281 : memref<80x128xf32, #tpu.memory_space<vmem>>) target(%dma_start3A_277 : memref<80x128xf32, #tpu.memory_space<hbm>>) target_semaphore(%arg16 : memref<!tpu.dma_semaphore, #tpu.memory_space<semaphore_mem>>)
      %mul3A_282 = arith.constant 5 : i32
      %mul3A_283 = arith.muli %scan3A_110, %mul3A_282 : i32
      %add3A_284 = arith.constant 3 : i32
      %add3A_285 = arith.addi %mul3A_283, %add3A_284 : i32
      %dma_wait3A_286 = arith.constant 3 : i32
      %dma_wait3A_287 = arith.constant 0 : i32
      %dma_wait3A_288 = arith.constant 0 : i32
      %dma_wait3A_289 = tpu.memref_slice %arg8[%dma_wait3A_286, %dma_wait3A_287, %dma_wait3A_288] : memref<5x80x128xf32, #tpu.memory_space<vmem>> -> memref<1x80x128xf32, #tpu.memory_space<vmem>>
      %dma_wait3A_290 = tpu.memref_squeeze %dma_wait3A_289 : memref<1x80x128xf32, #tpu.memory_space<vmem>> -> memref<80x128xf32, #tpu.memory_space<vmem>>
      %dma_wait3A_291 = arith.constant 0 : i32
      %dma_wait3A_292 = tpu.memref_slice %arg6[%add3A_285, %dma_wait3A_291] : memref<320x80xi32, #tpu.memory_space<vmem>> -> memref<1x80xi32, #tpu.memory_space<vmem>>
      %dma_wait3A_293 = tpu.memref_squeeze %dma_wait3A_292 : memref<1x80xi32, #tpu.memory_space<vmem>> -> memref<80xi32, #tpu.memory_space<vmem>>
      %dma_wait3A_294 = arith.constant 0 : i32
      %dma_wait3A_295 = arith.constant 0 : i32
      %dma_wait3A_296 = tpu.memref_slice %arg4[%dma_wait3A_294, %dma_wait3A_295] : memref<100000x128xf32, #tpu.memory_space<hbm>> -> memref<100000x128xf32, #tpu.memory_space<hbm>>
      tpu.wait_indirect_dma semaphore(%arg12 : memref<!tpu.dma_semaphore, #tpu.memory_space<semaphore_mem>>) src(%dma_wait3A_296 : memref<100000x128xf32, #tpu.memory_space<hbm>>) dst(%dma_wait3A_290 : memref<80x128xf32, #tpu.memory_space<vmem>>)
      %sub3A_297 = arith.constant 2 : i32
      %sub3A_298 = arith.subi %add3A_285, %sub3A_297 : i32
      %mul3A_299 = arith.constant 80 : i32
      %mul3A_300 = arith.muli %sub3A_298, %mul3A_299 : i32
      %add3A_301 = arith.addi %mul3A_2, %mul3A_300 : i32
      %ge3A_302 = arith.constant 2 : i32
      %ge3A_303 = arith.cmpi sge, %add3A_285, %ge3A_302 : i32
      %convert_element_type3A_304 = arith.extui %ge3A_303 : i1 to i32
      %cond3A_305 = arith.constant 0 : i32
      %cond3A_306 = arith.cmpi ne, %convert_element_type3A_304, %cond3A_305 : i32
      scf.if %cond3A_306 {
        %dma_wait3A_400 = arith.constant 1 : i32
        %dma_wait3A_401 = arith.constant 0 : i32
        %dma_wait3A_402 = arith.constant 0 : i32
        %dma_wait3A_403 = tpu.memref_slice %arg8[%dma_wait3A_400, %dma_wait3A_401, %dma_wait3A_402] : memref<5x80x128xf32, #tpu.memory_space<vmem>> -> memref<1x80x128xf32, #tpu.memory_space<vmem>>
        %dma_wait3A_404 = tpu.memref_squeeze %dma_wait3A_403 : memref<1x80x128xf32, #tpu.memory_space<vmem>> -> memref<80x128xf32, #tpu.memory_space<vmem>>
        %dma_wait3A_405 = arith.constant 0 : i32
        %dma_wait3A_406 = tpu.memref_slice %arg5[%add3A_301, %dma_wait3A_405] : memref<819200x128xf32, #tpu.memory_space<hbm>> -> memref<80x128xf32, #tpu.memory_space<hbm>>
        %dma_wait3A_407 = arith.constant 0 : i32
        %dma_wait3A_408 = tpu.memref_slice %arg5[%add3A_301, %dma_wait3A_407] : memref<819200x128xf32, #tpu.memory_space<hbm>> -> memref<80x128xf32, #tpu.memory_space<hbm>>
        %dma_wait3A_409 = arith.constant 0 : i32
        %dma_wait3A_410 = arith.constant 0 : i32
        %dma_wait3A_411 = tpu.memref_slice %arg8[%dma_wait3A_400, %dma_wait3A_409, %dma_wait3A_410] : memref<5x80x128xf32, #tpu.memory_space<vmem>> -> memref<1x80x128xf32, #tpu.memory_space<vmem>>
        %dma_wait3A_412 = tpu.memref_squeeze %dma_wait3A_411 : memref<1x80x128xf32, #tpu.memory_space<vmem>> -> memref<80x128xf32, #tpu.memory_space<vmem>>
        tpu.wait_dma2 semaphore(%arg15 : memref<!tpu.dma_semaphore, #tpu.memory_space<semaphore_mem>>) src(%dma_wait3A_412 : memref<80x128xf32, #tpu.memory_space<vmem>>) dst(%dma_wait3A_408 : memref<80x128xf32, #tpu.memory_space<hbm>>)
      } else {
      }
      %add3A_307 = arith.constant 3 : i32
      %add3A_308 = arith.addi %add3A_285, %add3A_307 : i32
      %lt3A_309 = arith.constant 320 : i32
      %lt3A_310 = arith.cmpi slt, %add3A_308, %lt3A_309 : i32
      %convert_element_type3A_311 = arith.extui %lt3A_310 : i1 to i32
      %cond3A_312 = arith.constant 0 : i32
      %cond3A_313 = arith.cmpi ne, %convert_element_type3A_311, %cond3A_312 : i32
      scf.if %cond3A_313 {
        %add3A_400 = arith.constant 3 : i32
        %add3A_401 = arith.addi %add3A_285, %add3A_400 : i32
        %dma_start3A_402 = arith.constant 1 : i32
        %dma_start3A_403 = arith.constant 0 : i32
        %dma_start3A_404 = arith.constant 0 : i32
        %dma_start3A_405 = tpu.memref_slice %arg8[%dma_start3A_402, %dma_start3A_403, %dma_start3A_404] : memref<5x80x128xf32, #tpu.memory_space<vmem>> -> memref<1x40x128xf32, #tpu.memory_space<vmem>>
        %dma_start3A_406 = tpu.memref_squeeze %dma_start3A_405 : memref<1x40x128xf32, #tpu.memory_space<vmem>> -> memref<40x128xf32, #tpu.memory_space<vmem>>
        %dma_start3A_407 = arith.constant 0 : i32
        %dma_start3A_408 = tpu.memref_slice %arg6[%add3A_401, %dma_start3A_407] : memref<320x80xi32, #tpu.memory_space<vmem>> -> memref<1x40xi32, #tpu.memory_space<vmem>>
        %dma_start3A_409 = tpu.memref_squeeze %dma_start3A_408 : memref<1x40xi32, #tpu.memory_space<vmem>> -> memref<40xi32, #tpu.memory_space<vmem>>
        %dma_start3A_410 = arith.constant 0 : i32
        %dma_start3A_411 = arith.constant 0 : i32
        %dma_start3A_412 = tpu.memref_slice %arg4[%dma_start3A_410, %dma_start3A_411] : memref<100000x128xf32, #tpu.memory_space<hbm>> -> memref<100000x128xf32, #tpu.memory_space<hbm>>
        tpu.enqueue_indirect_dma source(%dma_start3A_412 : memref<100000x128xf32, #tpu.memory_space<hbm>>) target(%dma_start3A_406 : memref<40x128xf32, #tpu.memory_space<vmem>>) offsets(%dma_start3A_409 : memref<40xi32, #tpu.memory_space<vmem>>) semaphore(%arg10 : memref<!tpu.dma_semaphore, #tpu.memory_space<semaphore_mem>>)
        %add3A_413 = arith.constant 3 : i32
        %add3A_414 = arith.addi %add3A_285, %add3A_413 : i32
        %dma_start3A_415 = arith.constant 1 : i32
        %dma_start3A_416 = arith.constant 40 : i32
        %dma_start3A_417 = arith.constant 0 : i32
        %dma_start3A_418 = tpu.memref_slice %arg8[%dma_start3A_415, %dma_start3A_416, %dma_start3A_417] : memref<5x80x128xf32, #tpu.memory_space<vmem>> -> memref<1x40x128xf32, #tpu.memory_space<vmem>>
        %dma_start3A_419 = tpu.memref_squeeze %dma_start3A_418 : memref<1x40x128xf32, #tpu.memory_space<vmem>> -> memref<40x128xf32, #tpu.memory_space<vmem>>
        %dma_start3A_420 = arith.constant 40 : i32
        %dma_start3A_421 = tpu.memref_slice %arg6[%add3A_414, %dma_start3A_420] : memref<320x80xi32, #tpu.memory_space<vmem>> -> memref<1x40xi32, #tpu.memory_space<vmem>>
        %dma_start3A_422 = tpu.memref_squeeze %dma_start3A_421 : memref<1x40xi32, #tpu.memory_space<vmem>> -> memref<40xi32, #tpu.memory_space<vmem>>
        %dma_start3A_423 = arith.constant 0 : i32
        %dma_start3A_424 = arith.constant 0 : i32
        %dma_start3A_425 = tpu.memref_slice %arg4[%dma_start3A_423, %dma_start3A_424] : memref<100000x128xf32, #tpu.memory_space<hbm>> -> memref<100000x128xf32, #tpu.memory_space<hbm>>
        tpu.enqueue_indirect_dma source(%dma_start3A_425 : memref<100000x128xf32, #tpu.memory_space<hbm>>) target(%dma_start3A_419 : memref<40x128xf32, #tpu.memory_space<vmem>>) offsets(%dma_start3A_422 : memref<40xi32, #tpu.memory_space<vmem>>) semaphore(%arg10 : memref<!tpu.dma_semaphore, #tpu.memory_space<semaphore_mem>>)
      } else {
      }
      %mul3A_314 = arith.constant 80 : i32
      %mul3A_315 = arith.muli %add3A_285, %mul3A_314 : i32
      %rem3A_316 = arith.constant 200 : i32
      %rem3A_317 = arith.remsi %mul3A_315, %rem3A_316 : i32
      %scan3A_318 = arith.constant 0 : i32
      %scan3A_319 = arith.constant 3 : i32
      %scan3A_320 = arith.constant 0 : i32
      %scan3A_321 = arith.constant 80 : i32
      %scan3A_322 = arith.addi %scan3A_320, %scan3A_321 : i32
      %scan3A_323 = arith.constant 2 : i32
      scf.for %scan3A_400 = %scan3A_320 to %scan3A_322 step %scan3A_323  : i32 {
        %add3A_401 = arith.addi %rem3A_317, %scan3A_400 : i32
        %get3A = arith.index_cast %add3A_401 : i32 to index
        %get3A_402 = arith.constant 0 : index
        %get3A_403 = tpu.vector_load %arg7[%get3A, %get3A_402] {strides = array<i32>} : memref<240x128xf32, #tpu.memory_space<vmem>>, vector<1x16xf32>,
        %get3A_404 = vector.shape_cast %get3A_403 : vector<1x16xf32> to vector<16xf32>
        %add3A_405 = arith.addi %rem3A_317, %scan3A_400 : i32
        %get3A_406 = arith.index_cast %add3A_405 : i32 to index
        %get3A_407 = arith.constant 16 : index
        %get3A_408 = tpu.vector_load %arg7[%get3A_406, %get3A_407] {strides = array<i32>} : memref<240x128xf32, #tpu.memory_space<vmem>>, vector<1x16xf32>,
        %get3A_409 = vector.shape_cast %get3A_408 : vector<1x16xf32> to vector<16xf32>
        %add3A_410 = arith.addi %rem3A_317, %scan3A_400 : i32
        %get3A_411 = arith.index_cast %add3A_410 : i32 to index
        %get3A_412 = arith.constant 32 : index
        %get3A_413 = tpu.vector_load %arg7[%get3A_411, %get3A_412] {strides = array<i32>} : memref<240x128xf32, #tpu.memory_space<vmem>>, vector<1x16xf32>,
        %get3A_414 = vector.shape_cast %get3A_413 : vector<1x16xf32> to vector<16xf32>
        %add3A_415 = arith.addi %rem3A_317, %scan3A_400 : i32
        %get3A_416 = arith.index_cast %add3A_415 : i32 to index
        %get3A_417 = arith.constant 48 : index
        %get3A_418 = tpu.vector_load %arg7[%get3A_416, %get3A_417] {strides = array<i32>} : memref<240x128xf32, #tpu.memory_space<vmem>>, vector<1x16xf32>,
        %get3A_419 = vector.shape_cast %get3A_418 : vector<1x16xf32> to vector<16xf32>
        %add3A_420 = arith.addi %rem3A_317, %scan3A_400 : i32
        %get3A_421 = arith.index_cast %add3A_420 : i32 to index
        %get3A_422 = arith.constant 64 : index
        %get3A_423 = tpu.vector_load %arg7[%get3A_421, %get3A_422] {strides = array<i32>} : memref<240x128xf32, #tpu.memory_space<vmem>>, vector<1x16xf32>,
        %get3A_424 = vector.shape_cast %get3A_423 : vector<1x16xf32> to vector<16xf32>
        %add3A_425 = arith.addi %rem3A_317, %scan3A_400 : i32
        %get3A_426 = arith.index_cast %add3A_425 : i32 to index
        %get3A_427 = arith.constant 80 : index
        %get3A_428 = tpu.vector_load %arg7[%get3A_426, %get3A_427] {strides = array<i32>} : memref<240x128xf32, #tpu.memory_space<vmem>>, vector<1x16xf32>,
        %get3A_429 = vector.shape_cast %get3A_428 : vector<1x16xf32> to vector<16xf32>
        %add3A_430 = arith.addi %rem3A_317, %scan3A_400 : i32
        %get3A_431 = arith.index_cast %add3A_430 : i32 to index
        %get3A_432 = arith.constant 96 : index
        %get3A_433 = tpu.vector_load %arg7[%get3A_431, %get3A_432] {strides = array<i32>} : memref<240x128xf32, #tpu.memory_space<vmem>>, vector<1x16xf32>,
        %get3A_434 = vector.shape_cast %get3A_433 : vector<1x16xf32> to vector<16xf32>
        %add3A_435 = arith.addi %rem3A_317, %scan3A_400 : i32
        %get3A_436 = arith.index_cast %add3A_435 : i32 to index
        %get3A_437 = arith.constant 112 : index
        %get3A_438 = tpu.vector_load %arg7[%get3A_436, %get3A_437] {strides = array<i32>} : memref<240x128xf32, #tpu.memory_space<vmem>>, vector<1x16xf32>,
        %get3A_439 = vector.shape_cast %get3A_438 : vector<1x16xf32> to vector<16xf32>
        %swap3A = arith.constant 0 : i32
        %swap3A_440 = arith.constant 0 : i32
        %swap3A_441 = tpu.memref_slice %arg8[%scan3A_319, %swap3A, %swap3A_440] : memref<5x80x128xf32, #tpu.memory_space<vmem>> -> memref<1x80x128xf32, #tpu.memory_space<vmem>>
        %swap3A_442 = tpu.memref_squeeze %swap3A_441 : memref<1x80x128xf32, #tpu.memory_space<vmem>> -> memref<80x128xf32, #tpu.memory_space<vmem>>
        %swap3A_443 = arith.index_cast %scan3A_400 : i32 to index
        %swap3A_444 = arith.constant 0 : index
        %swap3A_445 = tpu.vector_load %swap3A_442[%swap3A_443, %swap3A_444] {strides = array<i32>} : memref<80x128xf32, #tpu.memory_space<vmem>>, vector<1x16xf32>,
        %swap3A_446 = vector.shape_cast %swap3A_445 : vector<1x16xf32> to vector<16xf32>
        %swap3A_447 = vector.shape_cast %get3A_404 : vector<16xf32> to vector<1x16xf32>
        tpu.vector_store %swap3A_442[%swap3A_443, %swap3A_444], %swap3A_447 {add = true, strides = array<i32>} : memref<80x128xf32, #tpu.memory_space<vmem>>, vector<1x16xf32>,
        %swap3A_448 = arith.constant 0 : i32
        %swap3A_449 = arith.constant 0 : i32
        %swap3A_450 = tpu.memref_slice %arg8[%scan3A_319, %swap3A_448, %swap3A_449] : memref<5x80x128xf32, #tpu.memory_space<vmem>> -> memref<1x80x128xf32, #tpu.memory_space<vmem>>
        %swap3A_451 = tpu.memref_squeeze %swap3A_450 : memref<1x80x128xf32, #tpu.memory_space<vmem>> -> memref<80x128xf32, #tpu.memory_space<vmem>>
        %swap3A_452 = arith.index_cast %scan3A_400 : i32 to index
        %swap3A_453 = arith.constant 16 : index
        %swap3A_454 = tpu.vector_load %swap3A_451[%swap3A_452, %swap3A_453] {strides = array<i32>} : memref<80x128xf32, #tpu.memory_space<vmem>>, vector<1x16xf32>,
        %swap3A_455 = vector.shape_cast %swap3A_454 : vector<1x16xf32> to vector<16xf32>
        %swap3A_456 = vector.shape_cast %get3A_409 : vector<16xf32> to vector<1x16xf32>
        tpu.vector_store %swap3A_451[%swap3A_452, %swap3A_453], %swap3A_456 {add = true, strides = array<i32>} : memref<80x128xf32, #tpu.memory_space<vmem>>, vector<1x16xf32>,
        %swap3A_457 = arith.constant 0 : i32
        %swap3A_458 = arith.constant 0 : i32
        %swap3A_459 = tpu.memref_slice %arg8[%scan3A_319, %swap3A_457, %swap3A_458] : memref<5x80x128xf32, #tpu.memory_space<vmem>> -> memref<1x80x128xf32, #tpu.memory_space<vmem>>
        %swap3A_460 = tpu.memref_squeeze %swap3A_459 : memref<1x80x128xf32, #tpu.memory_space<vmem>> -> memref<80x128xf32, #tpu.memory_space<vmem>>
        %swap3A_461 = arith.index_cast %scan3A_400 : i32 to index
        %swap3A_462 = arith.constant 32 : index
        %swap3A_463 = tpu.vector_load %swap3A_460[%swap3A_461, %swap3A_462] {strides = array<i32>} : memref<80x128xf32, #tpu.memory_space<vmem>>, vector<1x16xf32>,
        %swap3A_464 = vector.shape_cast %swap3A_463 : vector<1x16xf32> to vector<16xf32>
        %swap3A_465 = vector.shape_cast %get3A_414 : vector<16xf32> to vector<1x16xf32>
        tpu.vector_store %swap3A_460[%swap3A_461, %swap3A_462], %swap3A_465 {add = true, strides = array<i32>} : memref<80x128xf32, #tpu.memory_space<vmem>>, vector<1x16xf32>,
        %swap3A_466 = arith.constant 0 : i32
        %swap3A_467 = arith.constant 0 : i32
        %swap3A_468 = tpu.memref_slice %arg8[%scan3A_319, %swap3A_466, %swap3A_467] : memref<5x80x128xf32, #tpu.memory_space<vmem>> -> memref<1x80x128xf32, #tpu.memory_space<vmem>>
        %swap3A_469 = tpu.memref_squeeze %swap3A_468 : memref<1x80x128xf32, #tpu.memory_space<vmem>> -> memref<80x128xf32, #tpu.memory_space<vmem>>
        %swap3A_470 = arith.index_cast %scan3A_400 : i32 to index
        %swap3A_471 = arith.constant 48 : index
        %swap3A_472 = tpu.vector_load %swap3A_469[%swap3A_470, %swap3A_471] {strides = array<i32>} : memref<80x128xf32, #tpu.memory_space<vmem>>, vector<1x16xf32>,
        %swap3A_473 = vector.shape_cast %swap3A_472 : vector<1x16xf32> to vector<16xf32>
        %swap3A_474 = vector.shape_cast %get3A_419 : vector<16xf32> to vector<1x16xf32>
        tpu.vector_store %swap3A_469[%swap3A_470, %swap3A_471], %swap3A_474 {add = true, strides = array<i32>} : memref<80x128xf32, #tpu.memory_space<vmem>>, vector<1x16xf32>,
        %swap3A_475 = arith.constant 0 : i32
        %swap3A_476 = arith.constant 0 : i32
        %swap3A_477 = tpu.memref_slice %arg8[%scan3A_319, %swap3A_475, %swap3A_476] : memref<5x80x128xf32, #tpu.memory_space<vmem>> -> memref<1x80x128xf32, #tpu.memory_space<vmem>>
        %swap3A_478 = tpu.memref_squeeze %swap3A_477 : memref<1x80x128xf32, #tpu.memory_space<vmem>> -> memref<80x128xf32, #tpu.memory_space<vmem>>
        %swap3A_479 = arith.index_cast %scan3A_400 : i32 to index
        %swap3A_480 = arith.constant 64 : index
        %swap3A_481 = tpu.vector_load %swap3A_478[%swap3A_479, %swap3A_480] {strides = array<i32>} : memref<80x128xf32, #tpu.memory_space<vmem>>, vector<1x16xf32>,
        %swap3A_482 = vector.shape_cast %swap3A_481 : vector<1x16xf32> to vector<16xf32>
        %swap3A_483 = vector.shape_cast %get3A_424 : vector<16xf32> to vector<1x16xf32>
        tpu.vector_store %swap3A_478[%swap3A_479, %swap3A_480], %swap3A_483 {add = true, strides = array<i32>} : memref<80x128xf32, #tpu.memory_space<vmem>>, vector<1x16xf32>,
        %swap3A_484 = arith.constant 0 : i32
        %swap3A_485 = arith.constant 0 : i32
        %swap3A_486 = tpu.memref_slice %arg8[%scan3A_319, %swap3A_484, %swap3A_485] : memref<5x80x128xf32, #tpu.memory_space<vmem>> -> memref<1x80x128xf32, #tpu.memory_space<vmem>>
        %swap3A_487 = tpu.memref_squeeze %swap3A_486 : memref<1x80x128xf32, #tpu.memory_space<vmem>> -> memref<80x128xf32, #tpu.memory_space<vmem>>
        %swap3A_488 = arith.index_cast %scan3A_400 : i32 to index
        %swap3A_489 = arith.constant 80 : index
        %swap3A_490 = tpu.vector_load %swap3A_487[%swap3A_488, %swap3A_489] {strides = array<i32>} : memref<80x128xf32, #tpu.memory_space<vmem>>, vector<1x16xf32>,
        %swap3A_491 = vector.shape_cast %swap3A_490 : vector<1x16xf32> to vector<16xf32>
        %swap3A_492 = vector.shape_cast %get3A_429 : vector<16xf32> to vector<1x16xf32>
        tpu.vector_store %swap3A_487[%swap3A_488, %swap3A_489], %swap3A_492 {add = true, strides = array<i32>} : memref<80x128xf32, #tpu.memory_space<vmem>>, vector<1x16xf32>,
        %swap3A_493 = arith.constant 0 : i32
        %swap3A_494 = arith.constant 0 : i32
        %swap3A_495 = tpu.memref_slice %arg8[%scan3A_319, %swap3A_493, %swap3A_494] : memref<5x80x128xf32, #tpu.memory_space<vmem>> -> memref<1x80x128xf32, #tpu.memory_space<vmem>>
        %swap3A_496 = tpu.memref_squeeze %swap3A_495 : memref<1x80x128xf32, #tpu.memory_space<vmem>> -> memref<80x128xf32, #tpu.memory_space<vmem>>
        %swap3A_497 = arith.index_cast %scan3A_400 : i32 to index
        %swap3A_498 = arith.constant 96 : index
        %swap3A_499 = tpu.vector_load %swap3A_496[%swap3A_497, %swap3A_498] {strides = array<i32>} : memref<80x128xf32, #tpu.memory_space<vmem>>, vector<1x16xf32>,
        %swap3A_500 = vector.shape_cast %swap3A_499 : vector<1x16xf32> to vector<16xf32>
        %swap3A_501 = vector.shape_cast %get3A_434 : vector<16xf32> to vector<1x16xf32>
        tpu.vector_store %swap3A_496[%swap3A_497, %swap3A_498], %swap3A_501 {add = true, strides = array<i32>} : memref<80x128xf32, #tpu.memory_space<vmem>>, vector<1x16xf32>,
        %swap3A_502 = arith.constant 0 : i32
        %swap3A_503 = arith.constant 0 : i32
        %swap3A_504 = tpu.memref_slice %arg8[%scan3A_319, %swap3A_502, %swap3A_503] : memref<5x80x128xf32, #tpu.memory_space<vmem>> -> memref<1x80x128xf32, #tpu.memory_space<vmem>>
        %swap3A_505 = tpu.memref_squeeze %swap3A_504 : memref<1x80x128xf32, #tpu.memory_space<vmem>> -> memref<80x128xf32, #tpu.memory_space<vmem>>
        %swap3A_506 = arith.index_cast %scan3A_400 : i32 to index
        %swap3A_507 = arith.constant 112 : index
        %swap3A_508 = tpu.vector_load %swap3A_505[%swap3A_506, %swap3A_507] {strides = array<i32>} : memref<80x128xf32, #tpu.memory_space<vmem>>, vector<1x16xf32>,
        %swap3A_509 = vector.shape_cast %swap3A_508 : vector<1x16xf32> to vector<16xf32>
        %swap3A_510 = vector.shape_cast %get3A_439 : vector<16xf32> to vector<1x16xf32>
        tpu.vector_store %swap3A_505[%swap3A_506, %swap3A_507], %swap3A_510 {add = true, strides = array<i32>} : memref<80x128xf32, #tpu.memory_space<vmem>>, vector<1x16xf32>,
        %scan3A_511 = arith.constant 1 : i32
        %scan3A_512 = arith.addi %scan3A_400, %scan3A_511 : i32
        %add3A_513 = arith.addi %rem3A_317, %scan3A_512 : i32
        %get3A_514 = arith.index_cast %add3A_513 : i32 to index
        %get3A_515 = arith.constant 0 : index
        %get3A_516 = tpu.vector_load %arg7[%get3A_514, %get3A_515] {strides = array<i32>} : memref<240x128xf32, #tpu.memory_space<vmem>>, vector<1x16xf32>,
        %get3A_517 = vector.shape_cast %get3A_516 : vector<1x16xf32> to vector<16xf32>
        %add3A_518 = arith.addi %rem3A_317, %scan3A_512 : i32
        %get3A_519 = arith.index_cast %add3A_518 : i32 to index
        %get3A_520 = arith.constant 16 : index
        %get3A_521 = tpu.vector_load %arg7[%get3A_519, %get3A_520] {strides = array<i32>} : memref<240x128xf32, #tpu.memory_space<vmem>>, vector<1x16xf32>,
        %get3A_522 = vector.shape_cast %get3A_521 : vector<1x16xf32> to vector<16xf32>
        %add3A_523 = arith.addi %rem3A_317, %scan3A_512 : i32
        %get3A_524 = arith.index_cast %add3A_523 : i32 to index
        %get3A_525 = arith.constant 32 : index
        %get3A_526 = tpu.vector_load %arg7[%get3A_524, %get3A_525] {strides = array<i32>} : memref<240x128xf32, #tpu.memory_space<vmem>>, vector<1x16xf32>,
        %get3A_527 = vector.shape_cast %get3A_526 : vector<1x16xf32> to vector<16xf32>
        %add3A_528 = arith.addi %rem3A_317, %scan3A_512 : i32
        %get3A_529 = arith.index_cast %add3A_528 : i32 to index
        %get3A_530 = arith.constant 48 : index
        %get3A_531 = tpu.vector_load %arg7[%get3A_529, %get3A_530] {strides = array<i32>} : memref<240x128xf32, #tpu.memory_space<vmem>>, vector<1x16xf32>,
        %get3A_532 = vector.shape_cast %get3A_531 : vector<1x16xf32> to vector<16xf32>
        %add3A_533 = arith.addi %rem3A_317, %scan3A_512 : i32
        %get3A_534 = arith.index_cast %add3A_533 : i32 to index
        %get3A_535 = arith.constant 64 : index
        %get3A_536 = tpu.vector_load %arg7[%get3A_534, %get3A_535] {strides = array<i32>} : memref<240x128xf32, #tpu.memory_space<vmem>>, vector<1x16xf32>,
        %get3A_537 = vector.shape_cast %get3A_536 : vector<1x16xf32> to vector<16xf32>
        %add3A_538 = arith.addi %rem3A_317, %scan3A_512 : i32
        %get3A_539 = arith.index_cast %add3A_538 : i32 to index
        %get3A_540 = arith.constant 80 : index
        %get3A_541 = tpu.vector_load %arg7[%get3A_539, %get3A_540] {strides = array<i32>} : memref<240x128xf32, #tpu.memory_space<vmem>>, vector<1x16xf32>,
        %get3A_542 = vector.shape_cast %get3A_541 : vector<1x16xf32> to vector<16xf32>
        %add3A_543 = arith.addi %rem3A_317, %scan3A_512 : i32
        %get3A_544 = arith.index_cast %add3A_543 : i32 to index
        %get3A_545 = arith.constant 96 : index
        %get3A_546 = tpu.vector_load %arg7[%get3A_544, %get3A_545] {strides = array<i32>} : memref<240x128xf32, #tpu.memory_space<vmem>>, vector<1x16xf32>,
        %get3A_547 = vector.shape_cast %get3A_546 : vector<1x16xf32> to vector<16xf32>
        %add3A_548 = arith.addi %rem3A_317, %scan3A_512 : i32
        %get3A_549 = arith.index_cast %add3A_548 : i32 to index
        %get3A_550 = arith.constant 112 : index
        %get3A_551 = tpu.vector_load %arg7[%get3A_549, %get3A_550] {strides = array<i32>} : memref<240x128xf32, #tpu.memory_space<vmem>>, vector<1x16xf32>,
        %get3A_552 = vector.shape_cast %get3A_551 : vector<1x16xf32> to vector<16xf32>
        %swap3A_553 = arith.constant 0 : i32
        %swap3A_554 = arith.constant 0 : i32
        %swap3A_555 = tpu.memref_slice %arg8[%scan3A_319, %swap3A_553, %swap3A_554] : memref<5x80x128xf32, #tpu.memory_space<vmem>> -> memref<1x80x128xf32, #tpu.memory_space<vmem>>
        %swap3A_556 = tpu.memref_squeeze %swap3A_555 : memref<1x80x128xf32, #tpu.memory_space<vmem>> -> memref<80x128xf32, #tpu.memory_space<vmem>>
        %swap3A_557 = arith.index_cast %scan3A_512 : i32 to index
        %swap3A_558 = arith.constant 0 : index
        %swap3A_559 = tpu.vector_load %swap3A_556[%swap3A_557, %swap3A_558] {strides = array<i32>} : memref<80x128xf32, #tpu.memory_space<vmem>>, vector<1x16xf32>,
        %swap3A_560 = vector.shape_cast %swap3A_559 : vector<1x16xf32> to vector<16xf32>
        %swap3A_561 = vector.shape_cast %get3A_517 : vector<16xf32> to vector<1x16xf32>
        tpu.vector_store %swap3A_556[%swap3A_557, %swap3A_558], %swap3A_561 {add = true, strides = array<i32>} : memref<80x128xf32, #tpu.memory_space<vmem>>, vector<1x16xf32>,
        %swap3A_562 = arith.constant 0 : i32
        %swap3A_563 = arith.constant 0 : i32
        %swap3A_564 = tpu.memref_slice %arg8[%scan3A_319, %swap3A_562, %swap3A_563] : memref<5x80x128xf32, #tpu.memory_space<vmem>> -> memref<1x80x128xf32, #tpu.memory_space<vmem>>
        %swap3A_565 = tpu.memref_squeeze %swap3A_564 : memref<1x80x128xf32, #tpu.memory_space<vmem>> -> memref<80x128xf32, #tpu.memory_space<vmem>>
        %swap3A_566 = arith.index_cast %scan3A_512 : i32 to index
        %swap3A_567 = arith.constant 16 : index
        %swap3A_568 = tpu.vector_load %swap3A_565[%swap3A_566, %swap3A_567] {strides = array<i32>} : memref<80x128xf32, #tpu.memory_space<vmem>>, vector<1x16xf32>,
        %swap3A_569 = vector.shape_cast %swap3A_568 : vector<1x16xf32> to vector<16xf32>
        %swap3A_570 = vector.shape_cast %get3A_522 : vector<16xf32> to vector<1x16xf32>
        tpu.vector_store %swap3A_565[%swap3A_566, %swap3A_567], %swap3A_570 {add = true, strides = array<i32>} : memref<80x128xf32, #tpu.memory_space<vmem>>, vector<1x16xf32>,
        %swap3A_571 = arith.constant 0 : i32
        %swap3A_572 = arith.constant 0 : i32
        %swap3A_573 = tpu.memref_slice %arg8[%scan3A_319, %swap3A_571, %swap3A_572] : memref<5x80x128xf32, #tpu.memory_space<vmem>> -> memref<1x80x128xf32, #tpu.memory_space<vmem>>
        %swap3A_574 = tpu.memref_squeeze %swap3A_573 : memref<1x80x128xf32, #tpu.memory_space<vmem>> -> memref<80x128xf32, #tpu.memory_space<vmem>>
        %swap3A_575 = arith.index_cast %scan3A_512 : i32 to index
        %swap3A_576 = arith.constant 32 : index
        %swap3A_577 = tpu.vector_load %swap3A_574[%swap3A_575, %swap3A_576] {strides = array<i32>} : memref<80x128xf32, #tpu.memory_space<vmem>>, vector<1x16xf32>,
        %swap3A_578 = vector.shape_cast %swap3A_577 : vector<1x16xf32> to vector<16xf32>
        %swap3A_579 = vector.shape_cast %get3A_527 : vector<16xf32> to vector<1x16xf32>
        tpu.vector_store %swap3A_574[%swap3A_575, %swap3A_576], %swap3A_579 {add = true, strides = array<i32>} : memref<80x128xf32, #tpu.memory_space<vmem>>, vector<1x16xf32>,
        %swap3A_580 = arith.constant 0 : i32
        %swap3A_581 = arith.constant 0 : i32
        %swap3A_582 = tpu.memref_slice %arg8[%scan3A_319, %swap3A_580, %swap3A_581] : memref<5x80x128xf32, #tpu.memory_space<vmem>> -> memref<1x80x128xf32, #tpu.memory_space<vmem>>
        %swap3A_583 = tpu.memref_squeeze %swap3A_582 : memref<1x80x128xf32, #tpu.memory_space<vmem>> -> memref<80x128xf32, #tpu.memory_space<vmem>>
        %swap3A_584 = arith.index_cast %scan3A_512 : i32 to index
        %swap3A_585 = arith.constant 48 : index
        %swap3A_586 = tpu.vector_load %swap3A_583[%swap3A_584, %swap3A_585] {strides = array<i32>} : memref<80x128xf32, #tpu.memory_space<vmem>>, vector<1x16xf32>,
        %swap3A_587 = vector.shape_cast %swap3A_586 : vector<1x16xf32> to vector<16xf32>
        %swap3A_588 = vector.shape_cast %get3A_532 : vector<16xf32> to vector<1x16xf32>
        tpu.vector_store %swap3A_583[%swap3A_584, %swap3A_585], %swap3A_588 {add = true, strides = array<i32>} : memref<80x128xf32, #tpu.memory_space<vmem>>, vector<1x16xf32>,
        %swap3A_589 = arith.constant 0 : i32
        %swap3A_590 = arith.constant 0 : i32
        %swap3A_591 = tpu.memref_slice %arg8[%scan3A_319, %swap3A_589, %swap3A_590] : memref<5x80x128xf32, #tpu.memory_space<vmem>> -> memref<1x80x128xf32, #tpu.memory_space<vmem>>
        %swap3A_592 = tpu.memref_squeeze %swap3A_591 : memref<1x80x128xf32, #tpu.memory_space<vmem>> -> memref<80x128xf32, #tpu.memory_space<vmem>>
        %swap3A_593 = arith.index_cast %scan3A_512 : i32 to index
        %swap3A_594 = arith.constant 64 : index
        %swap3A_595 = tpu.vector_load %swap3A_592[%swap3A_593, %swap3A_594] {strides = array<i32>} : memref<80x128xf32, #tpu.memory_space<vmem>>, vector<1x16xf32>,
        %swap3A_596 = vector.shape_cast %swap3A_595 : vector<1x16xf32> to vector<16xf32>
        %swap3A_597 = vector.shape_cast %get3A_537 : vector<16xf32> to vector<1x16xf32>
        tpu.vector_store %swap3A_592[%swap3A_593, %swap3A_594], %swap3A_597 {add = true, strides = array<i32>} : memref<80x128xf32, #tpu.memory_space<vmem>>, vector<1x16xf32>,
        %swap3A_598 = arith.constant 0 : i32
        %swap3A_599 = arith.constant 0 : i32
        %swap3A_600 = tpu.memref_slice %arg8[%scan3A_319, %swap3A_598, %swap3A_599] : memref<5x80x128xf32, #tpu.memory_space<vmem>> -> memref<1x80x128xf32, #tpu.memory_space<vmem>>
        %swap3A_601 = tpu.memref_squeeze %swap3A_600 : memref<1x80x128xf32, #tpu.memory_space<vmem>> -> memref<80x128xf32, #tpu.memory_space<vmem>>
        %swap3A_602 = arith.index_cast %scan3A_512 : i32 to index
        %swap3A_603 = arith.constant 80 : index
        %swap3A_604 = tpu.vector_load %swap3A_601[%swap3A_602, %swap3A_603] {strides = array<i32>} : memref<80x128xf32, #tpu.memory_space<vmem>>, vector<1x16xf32>,
        %swap3A_605 = vector.shape_cast %swap3A_604 : vector<1x16xf32> to vector<16xf32>
        %swap3A_606 = vector.shape_cast %get3A_542 : vector<16xf32> to vector<1x16xf32>
        tpu.vector_store %swap3A_601[%swap3A_602, %swap3A_603], %swap3A_606 {add = true, strides = array<i32>} : memref<80x128xf32, #tpu.memory_space<vmem>>, vector<1x16xf32>,
        %swap3A_607 = arith.constant 0 : i32
        %swap3A_608 = arith.constant 0 : i32
        %swap3A_609 = tpu.memref_slice %arg8[%scan3A_319, %swap3A_607, %swap3A_608] : memref<5x80x128xf32, #tpu.memory_space<vmem>> -> memref<1x80x128xf32, #tpu.memory_space<vmem>>
        %swap3A_610 = tpu.memref_squeeze %swap3A_609 : memref<1x80x128xf32, #tpu.memory_space<vmem>> -> memref<80x128xf32, #tpu.memory_space<vmem>>
        %swap3A_611 = arith.index_cast %scan3A_512 : i32 to index
        %swap3A_612 = arith.constant 96 : index
        %swap3A_613 = tpu.vector_load %swap3A_610[%swap3A_611, %swap3A_612] {strides = array<i32>} : memref<80x128xf32, #tpu.memory_space<vmem>>, vector<1x16xf32>,
        %swap3A_614 = vector.shape_cast %swap3A_613 : vector<1x16xf32> to vector<16xf32>
        %swap3A_615 = vector.shape_cast %get3A_547 : vector<16xf32> to vector<1x16xf32>
        tpu.vector_store %swap3A_610[%swap3A_611, %swap3A_612], %swap3A_615 {add = true, strides = array<i32>} : memref<80x128xf32, #tpu.memory_space<vmem>>, vector<1x16xf32>,
        %swap3A_616 = arith.constant 0 : i32
        %swap3A_617 = arith.constant 0 : i32
        %swap3A_618 = tpu.memref_slice %arg8[%scan3A_319, %swap3A_616, %swap3A_617] : memref<5x80x128xf32, #tpu.memory_space<vmem>> -> memref<1x80x128xf32, #tpu.memory_space<vmem>>
        %swap3A_619 = tpu.memref_squeeze %swap3A_618 : memref<1x80x128xf32, #tpu.memory_space<vmem>> -> memref<80x128xf32, #tpu.memory_space<vmem>>
        %swap3A_620 = arith.index_cast %scan3A_512 : i32 to index
        %swap3A_621 = arith.constant 112 : index
        %swap3A_622 = tpu.vector_load %swap3A_619[%swap3A_620, %swap3A_621] {strides = array<i32>} : memref<80x128xf32, #tpu.memory_space<vmem>>, vector<1x16xf32>,
        %swap3A_623 = vector.shape_cast %swap3A_622 : vector<1x16xf32> to vector<16xf32>
        %swap3A_624 = vector.shape_cast %get3A_552 : vector<16xf32> to vector<1x16xf32>
        tpu.vector_store %swap3A_619[%swap3A_620, %swap3A_621], %swap3A_624 {add = true, strides = array<i32>} : memref<80x128xf32, #tpu.memory_space<vmem>>, vector<1x16xf32>,
      }
      %scan3A_324 = arith.constant 80 : i32
      %mul3A_325 = arith.constant 80 : i32
      %mul3A_326 = arith.muli %add3A_285, %mul3A_325 : i32
      %add3A_327 = arith.addi %mul3A_2, %mul3A_326 : i32
      %dma_start3A_328 = arith.constant 3 : i32
      %dma_start3A_329 = arith.constant 0 : i32
      %dma_start3A_330 = arith.constant 0 : i32
      %dma_start3A_331 = tpu.memref_slice %arg8[%dma_start3A_328, %dma_start3A_329, %dma_start3A_330] : memref<5x80x128xf32, #tpu.memory_space<vmem>> -> memref<1x80x128xf32, #tpu.memory_space<vmem>>
      %dma_start3A_332 = tpu.memref_squeeze %dma_start3A_331 : memref<1x80x128xf32, #tpu.memory_space<vmem>> -> memref<80x128xf32, #tpu.memory_space<vmem>>
      %dma_start3A_333 = arith.constant 0 : i32
      %dma_start3A_334 = tpu.memref_slice %arg5[%add3A_327, %dma_start3A_333] : memref<819200x128xf32, #tpu.memory_space<hbm>> -> memref<80x128xf32, #tpu.memory_space<hbm>>
      %dma_start3A_335 = arith.constant 0 : i32
      %dma_start3A_336 = tpu.memref_slice %arg5[%add3A_327, %dma_start3A_335] : memref<819200x128xf32, #tpu.memory_space<hbm>> -> memref<80x128xf32, #tpu.memory_space<hbm>>
      %dma_start3A_337 = arith.constant 0 : i32
      %dma_start3A_338 = arith.constant 0 : i32
      %dma_start3A_339 = tpu.memref_slice %arg8[%dma_start3A_328, %dma_start3A_337, %dma_start3A_338] : memref<5x80x128xf32, #tpu.memory_space<vmem>> -> memref<1x80x128xf32, #tpu.memory_space<vmem>>
      %dma_start3A_340 = tpu.memref_squeeze %dma_start3A_339 : memref<1x80x128xf32, #tpu.memory_space<vmem>> -> memref<80x128xf32, #tpu.memory_space<vmem>>
      tpu.enqueue_dma source(%dma_start3A_340 : memref<80x128xf32, #tpu.memory_space<vmem>>) target(%dma_start3A_336 : memref<80x128xf32, #tpu.memory_space<hbm>>) target_semaphore(%arg17 : memref<!tpu.dma_semaphore, #tpu.memory_space<semaphore_mem>>)
      %mul3A_341 = arith.constant 5 : i32
      %mul3A_342 = arith.muli %scan3A_110, %mul3A_341 : i32
      %add3A_343 = arith.constant 4 : i32
      %add3A_344 = arith.addi %mul3A_342, %add3A_343 : i32
      %dma_wait3A_345 = arith.constant 4 : i32
      %dma_wait3A_346 = arith.constant 0 : i32
      %dma_wait3A_347 = arith.constant 0 : i32
      %dma_wait3A_348 = tpu.memref_slice %arg8[%dma_wait3A_345, %dma_wait3A_346, %dma_wait3A_347] : memref<5x80x128xf32, #tpu.memory_space<vmem>> -> memref<1x80x128xf32, #tpu.memory_space<vmem>>
      %dma_wait3A_349 = tpu.memref_squeeze %dma_wait3A_348 : memref<1x80x128xf32, #tpu.memory_space<vmem>> -> memref<80x128xf32, #tpu.memory_space<vmem>>
      %dma_wait3A_350 = arith.constant 0 : i32
      %dma_wait3A_351 = tpu.memref_slice %arg6[%add3A_344, %dma_wait3A_350] : memref<320x80xi32, #tpu.memory_space<vmem>> -> memref<1x80xi32, #tpu.memory_space<vmem>>
      %dma_wait3A_352 = tpu.memref_squeeze %dma_wait3A_351 : memref<1x80xi32, #tpu.memory_space<vmem>> -> memref<80xi32, #tpu.memory_space<vmem>>
      %dma_wait3A_353 = arith.constant 0 : i32
      %dma_wait3A_354 = arith.constant 0 : i32
      %dma_wait3A_355 = tpu.memref_slice %arg4[%dma_wait3A_353, %dma_wait3A_354] : memref<100000x128xf32, #tpu.memory_space<hbm>> -> memref<100000x128xf32, #tpu.memory_space<hbm>>
      tpu.wait_indirect_dma semaphore(%arg13 : memref<!tpu.dma_semaphore, #tpu.memory_space<semaphore_mem>>) src(%dma_wait3A_355 : memref<100000x128xf32, #tpu.memory_space<hbm>>) dst(%dma_wait3A_349 : memref<80x128xf32, #tpu.memory_space<vmem>>)
      %sub3A_356 = arith.constant 2 : i32
      %sub3A_357 = arith.subi %add3A_344, %sub3A_356 : i32
      %mul3A_358 = arith.constant 80 : i32
      %mul3A_359 = arith.muli %sub3A_357, %mul3A_358 : i32
      %add3A_360 = arith.addi %mul3A_2, %mul3A_359 : i32
      %ge3A_361 = arith.constant 2 : i32
      %ge3A_362 = arith.cmpi sge, %add3A_344, %ge3A_361 : i32
      %convert_element_type3A_363 = arith.extui %ge3A_362 : i1 to i32
      %cond3A_364 = arith.constant 0 : i32
      %cond3A_365 = arith.cmpi ne, %convert_element_type3A_363, %cond3A_364 : i32
      scf.if %cond3A_365 {
        %dma_wait3A_400 = arith.constant 2 : i32
        %dma_wait3A_401 = arith.constant 0 : i32
        %dma_wait3A_402 = arith.constant 0 : i32
        %dma_wait3A_403 = tpu.memref_slice %arg8[%dma_wait3A_400, %dma_wait3A_401, %dma_wait3A_402] : memref<5x80x128xf32, #tpu.memory_space<vmem>> -> memref<1x80x128xf32, #tpu.memory_space<vmem>>
        %dma_wait3A_404 = tpu.memref_squeeze %dma_wait3A_403 : memref<1x80x128xf32, #tpu.memory_space<vmem>> -> memref<80x128xf32, #tpu.memory_space<vmem>>
        %dma_wait3A_405 = arith.constant 0 : i32
        %dma_wait3A_406 = tpu.memref_slice %arg5[%add3A_360, %dma_wait3A_405] : memref<819200x128xf32, #tpu.memory_space<hbm>> -> memref<80x128xf32, #tpu.memory_space<hbm>>
        %dma_wait3A_407 = arith.constant 0 : i32
        %dma_wait3A_408 = tpu.memref_slice %arg5[%add3A_360, %dma_wait3A_407] : memref<819200x128xf32, #tpu.memory_space<hbm>> -> memref<80x128xf32, #tpu.memory_space<hbm>>
        %dma_wait3A_409 = arith.constant 0 : i32
        %dma_wait3A_410 = arith.constant 0 : i32
        %dma_wait3A_411 = tpu.memref_slice %arg8[%dma_wait3A_400, %dma_wait3A_409, %dma_wait3A_410] : memref<5x80x128xf32, #tpu.memory_space<vmem>> -> memref<1x80x128xf32, #tpu.memory_space<vmem>>
        %dma_wait3A_412 = tpu.memref_squeeze %dma_wait3A_411 : memref<1x80x128xf32, #tpu.memory_space<vmem>> -> memref<80x128xf32, #tpu.memory_space<vmem>>
        tpu.wait_dma2 semaphore(%arg16 : memref<!tpu.dma_semaphore, #tpu.memory_space<semaphore_mem>>) src(%dma_wait3A_412 : memref<80x128xf32, #tpu.memory_space<vmem>>) dst(%dma_wait3A_408 : memref<80x128xf32, #tpu.memory_space<hbm>>)
      } else {
      }
      %add3A_366 = arith.constant 3 : i32
      %add3A_367 = arith.addi %add3A_344, %add3A_366 : i32
      %lt3A_368 = arith.constant 320 : i32
      %lt3A_369 = arith.cmpi slt, %add3A_367, %lt3A_368 : i32
      %convert_element_type3A_370 = arith.extui %lt3A_369 : i1 to i32
      %cond3A_371 = arith.constant 0 : i32
      %cond3A_372 = arith.cmpi ne, %convert_element_type3A_370, %cond3A_371 : i32
      scf.if %cond3A_372 {
        %add3A_400 = arith.constant 3 : i32
        %add3A_401 = arith.addi %add3A_344, %add3A_400 : i32
        %dma_start3A_402 = arith.constant 2 : i32
        %dma_start3A_403 = arith.constant 0 : i32
        %dma_start3A_404 = arith.constant 0 : i32
        %dma_start3A_405 = tpu.memref_slice %arg8[%dma_start3A_402, %dma_start3A_403, %dma_start3A_404] : memref<5x80x128xf32, #tpu.memory_space<vmem>> -> memref<1x40x128xf32, #tpu.memory_space<vmem>>
        %dma_start3A_406 = tpu.memref_squeeze %dma_start3A_405 : memref<1x40x128xf32, #tpu.memory_space<vmem>> -> memref<40x128xf32, #tpu.memory_space<vmem>>
        %dma_start3A_407 = arith.constant 0 : i32
        %dma_start3A_408 = tpu.memref_slice %arg6[%add3A_401, %dma_start3A_407] : memref<320x80xi32, #tpu.memory_space<vmem>> -> memref<1x40xi32, #tpu.memory_space<vmem>>
        %dma_start3A_409 = tpu.memref_squeeze %dma_start3A_408 : memref<1x40xi32, #tpu.memory_space<vmem>> -> memref<40xi32, #tpu.memory_space<vmem>>
        %dma_start3A_410 = arith.constant 0 : i32
        %dma_start3A_411 = arith.constant 0 : i32
        %dma_start3A_412 = tpu.memref_slice %arg4[%dma_start3A_410, %dma_start3A_411] : memref<100000x128xf32, #tpu.memory_space<hbm>> -> memref<100000x128xf32, #tpu.memory_space<hbm>>
        tpu.enqueue_indirect_dma source(%dma_start3A_412 : memref<100000x128xf32, #tpu.memory_space<hbm>>) target(%dma_start3A_406 : memref<40x128xf32, #tpu.memory_space<vmem>>) offsets(%dma_start3A_409 : memref<40xi32, #tpu.memory_space<vmem>>) semaphore(%arg11 : memref<!tpu.dma_semaphore, #tpu.memory_space<semaphore_mem>>)
        %add3A_413 = arith.constant 3 : i32
        %add3A_414 = arith.addi %add3A_344, %add3A_413 : i32
        %dma_start3A_415 = arith.constant 2 : i32
        %dma_start3A_416 = arith.constant 40 : i32
        %dma_start3A_417 = arith.constant 0 : i32
        %dma_start3A_418 = tpu.memref_slice %arg8[%dma_start3A_415, %dma_start3A_416, %dma_start3A_417] : memref<5x80x128xf32, #tpu.memory_space<vmem>> -> memref<1x40x128xf32, #tpu.memory_space<vmem>>
        %dma_start3A_419 = tpu.memref_squeeze %dma_start3A_418 : memref<1x40x128xf32, #tpu.memory_space<vmem>> -> memref<40x128xf32, #tpu.memory_space<vmem>>
        %dma_start3A_420 = arith.constant 40 : i32
        %dma_start3A_421 = tpu.memref_slice %arg6[%add3A_414, %dma_start3A_420] : memref<320x80xi32, #tpu.memory_space<vmem>> -> memref<1x40xi32, #tpu.memory_space<vmem>>
        %dma_start3A_422 = tpu.memref_squeeze %dma_start3A_421 : memref<1x40xi32, #tpu.memory_space<vmem>> -> memref<40xi32, #tpu.memory_space<vmem>>
        %dma_start3A_423 = arith.constant 0 : i32
        %dma_start3A_424 = arith.constant 0 : i32
        %dma_start3A_425 = tpu.memref_slice %arg4[%dma_start3A_423, %dma_start3A_424] : memref<100000x128xf32, #tpu.memory_space<hbm>> -> memref<100000x128xf32, #tpu.memory_space<hbm>>
        tpu.enqueue_indirect_dma source(%dma_start3A_425 : memref<100000x128xf32, #tpu.memory_space<hbm>>) target(%dma_start3A_419 : memref<40x128xf32, #tpu.memory_space<vmem>>) offsets(%dma_start3A_422 : memref<40xi32, #tpu.memory_space<vmem>>) semaphore(%arg11 : memref<!tpu.dma_semaphore, #tpu.memory_space<semaphore_mem>>)
      } else {
      }
      %mul3A_373 = arith.constant 80 : i32
      %mul3A_374 = arith.muli %add3A_344, %mul3A_373 : i32
      %rem3A_375 = arith.constant 200 : i32
      %rem3A_376 = arith.remsi %mul3A_374, %rem3A_375 : i32
      %scan3A_377 = arith.constant 0 : i32
      %scan3A_378 = arith.constant 4 : i32
      %scan3A_379 = arith.constant 0 : i32
      %scan3A_380 = arith.constant 80 : i32
      %scan3A_381 = arith.addi %scan3A_379, %scan3A_380 : i32
      %scan3A_382 = arith.constant 2 : i32
      scf.for %scan3A_400 = %scan3A_379 to %scan3A_381 step %scan3A_382  : i32 {
        %add3A_401 = arith.addi %rem3A_376, %scan3A_400 : i32
        %get3A = arith.index_cast %add3A_401 : i32 to index
        %get3A_402 = arith.constant 0 : index
        %get3A_403 = tpu.vector_load %arg7[%get3A, %get3A_402] {strides = array<i32>} : memref<240x128xf32, #tpu.memory_space<vmem>>, vector<1x16xf32>,
        %get3A_404 = vector.shape_cast %get3A_403 : vector<1x16xf32> to vector<16xf32>
        %add3A_405 = arith.addi %rem3A_376, %scan3A_400 : i32
        %get3A_406 = arith.index_cast %add3A_405 : i32 to index
        %get3A_407 = arith.constant 16 : index
        %get3A_408 = tpu.vector_load %arg7[%get3A_406, %get3A_407] {strides = array<i32>} : memref<240x128xf32, #tpu.memory_space<vmem>>, vector<1x16xf32>,
        %get3A_409 = vector.shape_cast %get3A_408 : vector<1x16xf32> to vector<16xf32>
        %add3A_410 = arith.addi %rem3A_376, %scan3A_400 : i32
        %get3A_411 = arith.index_cast %add3A_410 : i32 to index
        %get3A_412 = arith.constant 32 : index
        %get3A_413 = tpu.vector_load %arg7[%get3A_411, %get3A_412] {strides = array<i32>} : memref<240x128xf32, #tpu.memory_space<vmem>>, vector<1x16xf32>,
        %get3A_414 = vector.shape_cast %get3A_413 : vector<1x16xf32> to vector<16xf32>
        %add3A_415 = arith.addi %rem3A_376, %scan3A_400 : i32
        %get3A_416 = arith.index_cast %add3A_415 : i32 to index
        %get3A_417 = arith.constant 48 : index
        %get3A_418 = tpu.vector_load %arg7[%get3A_416, %get3A_417] {strides = array<i32>} : memref<240x128xf32, #tpu.memory_space<vmem>>, vector<1x16xf32>,
        %get3A_419 = vector.shape_cast %get3A_418 : vector<1x16xf32> to vector<16xf32>
        %add3A_420 = arith.addi %rem3A_376, %scan3A_400 : i32
        %get3A_421 = arith.index_cast %add3A_420 : i32 to index
        %get3A_422 = arith.constant 64 : index
        %get3A_423 = tpu.vector_load %arg7[%get3A_421, %get3A_422] {strides = array<i32>} : memref<240x128xf32, #tpu.memory_space<vmem>>, vector<1x16xf32>,
        %get3A_424 = vector.shape_cast %get3A_423 : vector<1x16xf32> to vector<16xf32>
        %add3A_425 = arith.addi %rem3A_376, %scan3A_400 : i32
        %get3A_426 = arith.index_cast %add3A_425 : i32 to index
        %get3A_427 = arith.constant 80 : index
        %get3A_428 = tpu.vector_load %arg7[%get3A_426, %get3A_427] {strides = array<i32>} : memref<240x128xf32, #tpu.memory_space<vmem>>, vector<1x16xf32>,
        %get3A_429 = vector.shape_cast %get3A_428 : vector<1x16xf32> to vector<16xf32>
        %add3A_430 = arith.addi %rem3A_376, %scan3A_400 : i32
        %get3A_431 = arith.index_cast %add3A_430 : i32 to index
        %get3A_432 = arith.constant 96 : index
        %get3A_433 = tpu.vector_load %arg7[%get3A_431, %get3A_432] {strides = array<i32>} : memref<240x128xf32, #tpu.memory_space<vmem>>, vector<1x16xf32>,
        %get3A_434 = vector.shape_cast %get3A_433 : vector<1x16xf32> to vector<16xf32>
        %add3A_435 = arith.addi %rem3A_376, %scan3A_400 : i32
        %get3A_436 = arith.index_cast %add3A_435 : i32 to index
        %get3A_437 = arith.constant 112 : index
        %get3A_438 = tpu.vector_load %arg7[%get3A_436, %get3A_437] {strides = array<i32>} : memref<240x128xf32, #tpu.memory_space<vmem>>, vector<1x16xf32>,
        %get3A_439 = vector.shape_cast %get3A_438 : vector<1x16xf32> to vector<16xf32>
        %swap3A = arith.constant 0 : i32
        %swap3A_440 = arith.constant 0 : i32
        %swap3A_441 = tpu.memref_slice %arg8[%scan3A_378, %swap3A, %swap3A_440] : memref<5x80x128xf32, #tpu.memory_space<vmem>> -> memref<1x80x128xf32, #tpu.memory_space<vmem>>
        %swap3A_442 = tpu.memref_squeeze %swap3A_441 : memref<1x80x128xf32, #tpu.memory_space<vmem>> -> memref<80x128xf32, #tpu.memory_space<vmem>>
        %swap3A_443 = arith.index_cast %scan3A_400 : i32 to index
        %swap3A_444 = arith.constant 0 : index
        %swap3A_445 = tpu.vector_load %swap3A_442[%swap3A_443, %swap3A_444] {strides = array<i32>} : memref<80x128xf32, #tpu.memory_space<vmem>>, vector<1x16xf32>,
        %swap3A_446 = vector.shape_cast %swap3A_445 : vector<1x16xf32> to vector<16xf32>
        %swap3A_447 = vector.shape_cast %get3A_404 : vector<16xf32> to vector<1x16xf32>
        tpu.vector_store %swap3A_442[%swap3A_443, %swap3A_444], %swap3A_447 {add = true, strides = array<i32>} : memref<80x128xf32, #tpu.memory_space<vmem>>, vector<1x16xf32>,
        %swap3A_448 = arith.constant 0 : i32
        %swap3A_449 = arith.constant 0 : i32
        %swap3A_450 = tpu.memref_slice %arg8[%scan3A_378, %swap3A_448, %swap3A_449] : memref<5x80x128xf32, #tpu.memory_space<vmem>> -> memref<1x80x128xf32, #tpu.memory_space<vmem>>
        %swap3A_451 = tpu.memref_squeeze %swap3A_450 : memref<1x80x128xf32, #tpu.memory_space<vmem>> -> memref<80x128xf32, #tpu.memory_space<vmem>>
        %swap3A_452 = arith.index_cast %scan3A_400 : i32 to index
        %swap3A_453 = arith.constant 16 : index
        %swap3A_454 = tpu.vector_load %swap3A_451[%swap3A_452, %swap3A_453] {strides = array<i32>} : memref<80x128xf32, #tpu.memory_space<vmem>>, vector<1x16xf32>,
        %swap3A_455 = vector.shape_cast %swap3A_454 : vector<1x16xf32> to vector<16xf32>
        %swap3A_456 = vector.shape_cast %get3A_409 : vector<16xf32> to vector<1x16xf32>
        tpu.vector_store %swap3A_451[%swap3A_452, %swap3A_453], %swap3A_456 {add = true, strides = array<i32>} : memref<80x128xf32, #tpu.memory_space<vmem>>, vector<1x16xf32>,
        %swap3A_457 = arith.constant 0 : i32
        %swap3A_458 = arith.constant 0 : i32
        %swap3A_459 = tpu.memref_slice %arg8[%scan3A_378, %swap3A_457, %swap3A_458] : memref<5x80x128xf32, #tpu.memory_space<vmem>> -> memref<1x80x128xf32, #tpu.memory_space<vmem>>
        %swap3A_460 = tpu.memref_squeeze %swap3A_459 : memref<1x80x128xf32, #tpu.memory_space<vmem>> -> memref<80x128xf32, #tpu.memory_space<vmem>>
        %swap3A_461 = arith.index_cast %scan3A_400 : i32 to index
        %swap3A_462 = arith.constant 32 : index
        %swap3A_463 = tpu.vector_load %swap3A_460[%swap3A_461, %swap3A_462] {strides = array<i32>} : memref<80x128xf32, #tpu.memory_space<vmem>>, vector<1x16xf32>,
        %swap3A_464 = vector.shape_cast %swap3A_463 : vector<1x16xf32> to vector<16xf32>
        %swap3A_465 = vector.shape_cast %get3A_414 : vector<16xf32> to vector<1x16xf32>
        tpu.vector_store %swap3A_460[%swap3A_461, %swap3A_462], %swap3A_465 {add = true, strides = array<i32>} : memref<80x128xf32, #tpu.memory_space<vmem>>, vector<1x16xf32>,
        %swap3A_466 = arith.constant 0 : i32
        %swap3A_467 = arith.constant 0 : i32
        %swap3A_468 = tpu.memref_slice %arg8[%scan3A_378, %swap3A_466, %swap3A_467] : memref<5x80x128xf32, #tpu.memory_space<vmem>> -> memref<1x80x128xf32, #tpu.memory_space<vmem>>
        %swap3A_469 = tpu.memref_squeeze %swap3A_468 : memref<1x80x128xf32, #tpu.memory_space<vmem>> -> memref<80x128xf32, #tpu.memory_space<vmem>>
        %swap3A_470 = arith.index_cast %scan3A_400 : i32 to index
        %swap3A_471 = arith.constant 48 : index
        %swap3A_472 = tpu.vector_load %swap3A_469[%swap3A_470, %swap3A_471] {strides = array<i32>} : memref<80x128xf32, #tpu.memory_space<vmem>>, vector<1x16xf32>,
        %swap3A_473 = vector.shape_cast %swap3A_472 : vector<1x16xf32> to vector<16xf32>
        %swap3A_474 = vector.shape_cast %get3A_419 : vector<16xf32> to vector<1x16xf32>
        tpu.vector_store %swap3A_469[%swap3A_470, %swap3A_471], %swap3A_474 {add = true, strides = array<i32>} : memref<80x128xf32, #tpu.memory_space<vmem>>, vector<1x16xf32>,
        %swap3A_475 = arith.constant 0 : i32
        %swap3A_476 = arith.constant 0 : i32
        %swap3A_477 = tpu.memref_slice %arg8[%scan3A_378, %swap3A_475, %swap3A_476] : memref<5x80x128xf32, #tpu.memory_space<vmem>> -> memref<1x80x128xf32, #tpu.memory_space<vmem>>
        %swap3A_478 = tpu.memref_squeeze %swap3A_477 : memref<1x80x128xf32, #tpu.memory_space<vmem>> -> memref<80x128xf32, #tpu.memory_space<vmem>>
        %swap3A_479 = arith.index_cast %scan3A_400 : i32 to index
        %swap3A_480 = arith.constant 64 : index
        %swap3A_481 = tpu.vector_load %swap3A_478[%swap3A_479, %swap3A_480] {strides = array<i32>} : memref<80x128xf32, #tpu.memory_space<vmem>>, vector<1x16xf32>,
        %swap3A_482 = vector.shape_cast %swap3A_481 : vector<1x16xf32> to vector<16xf32>
        %swap3A_483 = vector.shape_cast %get3A_424 : vector<16xf32> to vector<1x16xf32>
        tpu.vector_store %swap3A_478[%swap3A_479, %swap3A_480], %swap3A_483 {add = true, strides = array<i32>} : memref<80x128xf32, #tpu.memory_space<vmem>>, vector<1x16xf32>,
        %swap3A_484 = arith.constant 0 : i32
        %swap3A_485 = arith.constant 0 : i32
        %swap3A_486 = tpu.memref_slice %arg8[%scan3A_378, %swap3A_484, %swap3A_485] : memref<5x80x128xf32, #tpu.memory_space<vmem>> -> memref<1x80x128xf32, #tpu.memory_space<vmem>>
        %swap3A_487 = tpu.memref_squeeze %swap3A_486 : memref<1x80x128xf32, #tpu.memory_space<vmem>> -> memref<80x128xf32, #tpu.memory_space<vmem>>
        %swap3A_488 = arith.index_cast %scan3A_400 : i32 to index
        %swap3A_489 = arith.constant 80 : index
        %swap3A_490 = tpu.vector_load %swap3A_487[%swap3A_488, %swap3A_489] {strides = array<i32>} : memref<80x128xf32, #tpu.memory_space<vmem>>, vector<1x16xf32>,
        %swap3A_491 = vector.shape_cast %swap3A_490 : vector<1x16xf32> to vector<16xf32>
        %swap3A_492 = vector.shape_cast %get3A_429 : vector<16xf32> to vector<1x16xf32>
        tpu.vector_store %swap3A_487[%swap3A_488, %swap3A_489], %swap3A_492 {add = true, strides = array<i32>} : memref<80x128xf32, #tpu.memory_space<vmem>>, vector<1x16xf32>,
        %swap3A_493 = arith.constant 0 : i32
        %swap3A_494 = arith.constant 0 : i32
        %swap3A_495 = tpu.memref_slice %arg8[%scan3A_378, %swap3A_493, %swap3A_494] : memref<5x80x128xf32, #tpu.memory_space<vmem>> -> memref<1x80x128xf32, #tpu.memory_space<vmem>>
        %swap3A_496 = tpu.memref_squeeze %swap3A_495 : memref<1x80x128xf32, #tpu.memory_space<vmem>> -> memref<80x128xf32, #tpu.memory_space<vmem>>
        %swap3A_497 = arith.index_cast %scan3A_400 : i32 to index
        %swap3A_498 = arith.constant 96 : index
        %swap3A_499 = tpu.vector_load %swap3A_496[%swap3A_497, %swap3A_498] {strides = array<i32>} : memref<80x128xf32, #tpu.memory_space<vmem>>, vector<1x16xf32>,
        %swap3A_500 = vector.shape_cast %swap3A_499 : vector<1x16xf32> to vector<16xf32>
        %swap3A_501 = vector.shape_cast %get3A_434 : vector<16xf32> to vector<1x16xf32>
        tpu.vector_store %swap3A_496[%swap3A_497, %swap3A_498], %swap3A_501 {add = true, strides = array<i32>} : memref<80x128xf32, #tpu.memory_space<vmem>>, vector<1x16xf32>,
        %swap3A_502 = arith.constant 0 : i32
        %swap3A_503 = arith.constant 0 : i32
        %swap3A_504 = tpu.memref_slice %arg8[%scan3A_378, %swap3A_502, %swap3A_503] : memref<5x80x128xf32, #tpu.memory_space<vmem>> -> memref<1x80x128xf32, #tpu.memory_space<vmem>>
        %swap3A_505 = tpu.memref_squeeze %swap3A_504 : memref<1x80x128xf32, #tpu.memory_space<vmem>> -> memref<80x128xf32, #tpu.memory_space<vmem>>
        %swap3A_506 = arith.index_cast %scan3A_400 : i32 to index
        %swap3A_507 = arith.constant 112 : index
        %swap3A_508 = tpu.vector_load %swap3A_505[%swap3A_506, %swap3A_507] {strides = array<i32>} : memref<80x128xf32, #tpu.memory_space<vmem>>, vector<1x16xf32>,
        %swap3A_509 = vector.shape_cast %swap3A_508 : vector<1x16xf32> to vector<16xf32>
        %swap3A_510 = vector.shape_cast %get3A_439 : vector<16xf32> to vector<1x16xf32>
        tpu.vector_store %swap3A_505[%swap3A_506, %swap3A_507], %swap3A_510 {add = true, strides = array<i32>} : memref<80x128xf32, #tpu.memory_space<vmem>>, vector<1x16xf32>,
        %scan3A_511 = arith.constant 1 : i32
        %scan3A_512 = arith.addi %scan3A_400, %scan3A_511 : i32
        %add3A_513 = arith.addi %rem3A_376, %scan3A_512 : i32
        %get3A_514 = arith.index_cast %add3A_513 : i32 to index
        %get3A_515 = arith.constant 0 : index
        %get3A_516 = tpu.vector_load %arg7[%get3A_514, %get3A_515] {strides = array<i32>} : memref<240x128xf32, #tpu.memory_space<vmem>>, vector<1x16xf32>,
        %get3A_517 = vector.shape_cast %get3A_516 : vector<1x16xf32> to vector<16xf32>
        %add3A_518 = arith.addi %rem3A_376, %scan3A_512 : i32
        %get3A_519 = arith.index_cast %add3A_518 : i32 to index
        %get3A_520 = arith.constant 16 : index
        %get3A_521 = tpu.vector_load %arg7[%get3A_519, %get3A_520] {strides = array<i32>} : memref<240x128xf32, #tpu.memory_space<vmem>>, vector<1x16xf32>,
        %get3A_522 = vector.shape_cast %get3A_521 : vector<1x16xf32> to vector<16xf32>
        %add3A_523 = arith.addi %rem3A_376, %scan3A_512 : i32
        %get3A_524 = arith.index_cast %add3A_523 : i32 to index
        %get3A_525 = arith.constant 32 : index
        %get3A_526 = tpu.vector_load %arg7[%get3A_524, %get3A_525] {strides = array<i32>} : memref<240x128xf32, #tpu.memory_space<vmem>>, vector<1x16xf32>,
        %get3A_527 = vector.shape_cast %get3A_526 : vector<1x16xf32> to vector<16xf32>
        %add3A_528 = arith.addi %rem3A_376, %scan3A_512 : i32
        %get3A_529 = arith.index_cast %add3A_528 : i32 to index
        %get3A_530 = arith.constant 48 : index
        %get3A_531 = tpu.vector_load %arg7[%get3A_529, %get3A_530] {strides = array<i32>} : memref<240x128xf32, #tpu.memory_space<vmem>>, vector<1x16xf32>,
        %get3A_532 = vector.shape_cast %get3A_531 : vector<1x16xf32> to vector<16xf32>
        %add3A_533 = arith.addi %rem3A_376, %scan3A_512 : i32
        %get3A_534 = arith.index_cast %add3A_533 : i32 to index
        %get3A_535 = arith.constant 64 : index
        %get3A_536 = tpu.vector_load %arg7[%get3A_534, %get3A_535] {strides = array<i32>} : memref<240x128xf32, #tpu.memory_space<vmem>>, vector<1x16xf32>,
        %get3A_537 = vector.shape_cast %get3A_536 : vector<1x16xf32> to vector<16xf32>
        %add3A_538 = arith.addi %rem3A_376, %scan3A_512 : i32
        %get3A_539 = arith.index_cast %add3A_538 : i32 to index
        %get3A_540 = arith.constant 80 : index
        %get3A_541 = tpu.vector_load %arg7[%get3A_539, %get3A_540] {strides = array<i32>} : memref<240x128xf32, #tpu.memory_space<vmem>>, vector<1x16xf32>,
        %get3A_542 = vector.shape_cast %get3A_541 : vector<1x16xf32> to vector<16xf32>
        %add3A_543 = arith.addi %rem3A_376, %scan3A_512 : i32
        %get3A_544 = arith.index_cast %add3A_543 : i32 to index
        %get3A_545 = arith.constant 96 : index
        %get3A_546 = tpu.vector_load %arg7[%get3A_544, %get3A_545] {strides = array<i32>} : memref<240x128xf32, #tpu.memory_space<vmem>>, vector<1x16xf32>,
        %get3A_547 = vector.shape_cast %get3A_546 : vector<1x16xf32> to vector<16xf32>
        %add3A_548 = arith.addi %rem3A_376, %scan3A_512 : i32
        %get3A_549 = arith.index_cast %add3A_548 : i32 to index
        %get3A_550 = arith.constant 112 : index
        %get3A_551 = tpu.vector_load %arg7[%get3A_549, %get3A_550] {strides = array<i32>} : memref<240x128xf32, #tpu.memory_space<vmem>>, vector<1x16xf32>,
        %get3A_552 = vector.shape_cast %get3A_551 : vector<1x16xf32> to vector<16xf32>
        %swap3A_553 = arith.constant 0 : i32
        %swap3A_554 = arith.constant 0 : i32
        %swap3A_555 = tpu.memref_slice %arg8[%scan3A_378, %swap3A_553, %swap3A_554] : memref<5x80x128xf32, #tpu.memory_space<vmem>> -> memref<1x80x128xf32, #tpu.memory_space<vmem>>
        %swap3A_556 = tpu.memref_squeeze %swap3A_555 : memref<1x80x128xf32, #tpu.memory_space<vmem>> -> memref<80x128xf32, #tpu.memory_space<vmem>>
        %swap3A_557 = arith.index_cast %scan3A_512 : i32 to index
        %swap3A_558 = arith.constant 0 : index
        %swap3A_559 = tpu.vector_load %swap3A_556[%swap3A_557, %swap3A_558] {strides = array<i32>} : memref<80x128xf32, #tpu.memory_space<vmem>>, vector<1x16xf32>,
        %swap3A_560 = vector.shape_cast %swap3A_559 : vector<1x16xf32> to vector<16xf32>
        %swap3A_561 = vector.shape_cast %get3A_517 : vector<16xf32> to vector<1x16xf32>
        tpu.vector_store %swap3A_556[%swap3A_557, %swap3A_558], %swap3A_561 {add = true, strides = array<i32>} : memref<80x128xf32, #tpu.memory_space<vmem>>, vector<1x16xf32>,
        %swap3A_562 = arith.constant 0 : i32
        %swap3A_563 = arith.constant 0 : i32
        %swap3A_564 = tpu.memref_slice %arg8[%scan3A_378, %swap3A_562, %swap3A_563] : memref<5x80x128xf32, #tpu.memory_space<vmem>> -> memref<1x80x128xf32, #tpu.memory_space<vmem>>
        %swap3A_565 = tpu.memref_squeeze %swap3A_564 : memref<1x80x128xf32, #tpu.memory_space<vmem>> -> memref<80x128xf32, #tpu.memory_space<vmem>>
        %swap3A_566 = arith.index_cast %scan3A_512 : i32 to index
        %swap3A_567 = arith.constant 16 : index
        %swap3A_568 = tpu.vector_load %swap3A_565[%swap3A_566, %swap3A_567] {strides = array<i32>} : memref<80x128xf32, #tpu.memory_space<vmem>>, vector<1x16xf32>,
        %swap3A_569 = vector.shape_cast %swap3A_568 : vector<1x16xf32> to vector<16xf32>
        %swap3A_570 = vector.shape_cast %get3A_522 : vector<16xf32> to vector<1x16xf32>
        tpu.vector_store %swap3A_565[%swap3A_566, %swap3A_567], %swap3A_570 {add = true, strides = array<i32>} : memref<80x128xf32, #tpu.memory_space<vmem>>, vector<1x16xf32>,
        %swap3A_571 = arith.constant 0 : i32
        %swap3A_572 = arith.constant 0 : i32
        %swap3A_573 = tpu.memref_slice %arg8[%scan3A_378, %swap3A_571, %swap3A_572] : memref<5x80x128xf32, #tpu.memory_space<vmem>> -> memref<1x80x128xf32, #tpu.memory_space<vmem>>
        %swap3A_574 = tpu.memref_squeeze %swap3A_573 : memref<1x80x128xf32, #tpu.memory_space<vmem>> -> memref<80x128xf32, #tpu.memory_space<vmem>>
        %swap3A_575 = arith.index_cast %scan3A_512 : i32 to index
        %swap3A_576 = arith.constant 32 : index
        %swap3A_577 = tpu.vector_load %swap3A_574[%swap3A_575, %swap3A_576] {strides = array<i32>} : memref<80x128xf32, #tpu.memory_space<vmem>>, vector<1x16xf32>,
        %swap3A_578 = vector.shape_cast %swap3A_577 : vector<1x16xf32> to vector<16xf32>
        %swap3A_579 = vector.shape_cast %get3A_527 : vector<16xf32> to vector<1x16xf32>
        tpu.vector_store %swap3A_574[%swap3A_575, %swap3A_576], %swap3A_579 {add = true, strides = array<i32>} : memref<80x128xf32, #tpu.memory_space<vmem>>, vector<1x16xf32>,
        %swap3A_580 = arith.constant 0 : i32
        %swap3A_581 = arith.constant 0 : i32
        %swap3A_582 = tpu.memref_slice %arg8[%scan3A_378, %swap3A_580, %swap3A_581] : memref<5x80x128xf32, #tpu.memory_space<vmem>> -> memref<1x80x128xf32, #tpu.memory_space<vmem>>
        %swap3A_583 = tpu.memref_squeeze %swap3A_582 : memref<1x80x128xf32, #tpu.memory_space<vmem>> -> memref<80x128xf32, #tpu.memory_space<vmem>>
        %swap3A_584 = arith.index_cast %scan3A_512 : i32 to index
        %swap3A_585 = arith.constant 48 : index
        %swap3A_586 = tpu.vector_load %swap3A_583[%swap3A_584, %swap3A_585] {strides = array<i32>} : memref<80x128xf32, #tpu.memory_space<vmem>>, vector<1x16xf32>,
        %swap3A_587 = vector.shape_cast %swap3A_586 : vector<1x16xf32> to vector<16xf32>
        %swap3A_588 = vector.shape_cast %get3A_532 : vector<16xf32> to vector<1x16xf32>
        tpu.vector_store %swap3A_583[%swap3A_584, %swap3A_585], %swap3A_588 {add = true, strides = array<i32>} : memref<80x128xf32, #tpu.memory_space<vmem>>, vector<1x16xf32>,
        %swap3A_589 = arith.constant 0 : i32
        %swap3A_590 = arith.constant 0 : i32
        %swap3A_591 = tpu.memref_slice %arg8[%scan3A_378, %swap3A_589, %swap3A_590] : memref<5x80x128xf32, #tpu.memory_space<vmem>> -> memref<1x80x128xf32, #tpu.memory_space<vmem>>
        %swap3A_592 = tpu.memref_squeeze %swap3A_591 : memref<1x80x128xf32, #tpu.memory_space<vmem>> -> memref<80x128xf32, #tpu.memory_space<vmem>>
        %swap3A_593 = arith.index_cast %scan3A_512 : i32 to index
        %swap3A_594 = arith.constant 64 : index
        %swap3A_595 = tpu.vector_load %swap3A_592[%swap3A_593, %swap3A_594] {strides = array<i32>} : memref<80x128xf32, #tpu.memory_space<vmem>>, vector<1x16xf32>,
        %swap3A_596 = vector.shape_cast %swap3A_595 : vector<1x16xf32> to vector<16xf32>
        %swap3A_597 = vector.shape_cast %get3A_537 : vector<16xf32> to vector<1x16xf32>
        tpu.vector_store %swap3A_592[%swap3A_593, %swap3A_594], %swap3A_597 {add = true, strides = array<i32>} : memref<80x128xf32, #tpu.memory_space<vmem>>, vector<1x16xf32>,
        %swap3A_598 = arith.constant 0 : i32
        %swap3A_599 = arith.constant 0 : i32
        %swap3A_600 = tpu.memref_slice %arg8[%scan3A_378, %swap3A_598, %swap3A_599] : memref<5x80x128xf32, #tpu.memory_space<vmem>> -> memref<1x80x128xf32, #tpu.memory_space<vmem>>
        %swap3A_601 = tpu.memref_squeeze %swap3A_600 : memref<1x80x128xf32, #tpu.memory_space<vmem>> -> memref<80x128xf32, #tpu.memory_space<vmem>>
        %swap3A_602 = arith.index_cast %scan3A_512 : i32 to index
        %swap3A_603 = arith.constant 80 : index
        %swap3A_604 = tpu.vector_load %swap3A_601[%swap3A_602, %swap3A_603] {strides = array<i32>} : memref<80x128xf32, #tpu.memory_space<vmem>>, vector<1x16xf32>,
        %swap3A_605 = vector.shape_cast %swap3A_604 : vector<1x16xf32> to vector<16xf32>
        %swap3A_606 = vector.shape_cast %get3A_542 : vector<16xf32> to vector<1x16xf32>
        tpu.vector_store %swap3A_601[%swap3A_602, %swap3A_603], %swap3A_606 {add = true, strides = array<i32>} : memref<80x128xf32, #tpu.memory_space<vmem>>, vector<1x16xf32>,
        %swap3A_607 = arith.constant 0 : i32
        %swap3A_608 = arith.constant 0 : i32
        %swap3A_609 = tpu.memref_slice %arg8[%scan3A_378, %swap3A_607, %swap3A_608] : memref<5x80x128xf32, #tpu.memory_space<vmem>> -> memref<1x80x128xf32, #tpu.memory_space<vmem>>
        %swap3A_610 = tpu.memref_squeeze %swap3A_609 : memref<1x80x128xf32, #tpu.memory_space<vmem>> -> memref<80x128xf32, #tpu.memory_space<vmem>>
        %swap3A_611 = arith.index_cast %scan3A_512 : i32 to index
        %swap3A_612 = arith.constant 96 : index
        %swap3A_613 = tpu.vector_load %swap3A_610[%swap3A_611, %swap3A_612] {strides = array<i32>} : memref<80x128xf32, #tpu.memory_space<vmem>>, vector<1x16xf32>,
        %swap3A_614 = vector.shape_cast %swap3A_613 : vector<1x16xf32> to vector<16xf32>
        %swap3A_615 = vector.shape_cast %get3A_547 : vector<16xf32> to vector<1x16xf32>
        tpu.vector_store %swap3A_610[%swap3A_611, %swap3A_612], %swap3A_615 {add = true, strides = array<i32>} : memref<80x128xf32, #tpu.memory_space<vmem>>, vector<1x16xf32>,
        %swap3A_616 = arith.constant 0 : i32
        %swap3A_617 = arith.constant 0 : i32
        %swap3A_618 = tpu.memref_slice %arg8[%scan3A_378, %swap3A_616, %swap3A_617] : memref<5x80x128xf32, #tpu.memory_space<vmem>> -> memref<1x80x128xf32, #tpu.memory_space<vmem>>
        %swap3A_619 = tpu.memref_squeeze %swap3A_618 : memref<1x80x128xf32, #tpu.memory_space<vmem>> -> memref<80x128xf32, #tpu.memory_space<vmem>>
        %swap3A_620 = arith.index_cast %scan3A_512 : i32 to index
        %swap3A_621 = arith.constant 112 : index
        %swap3A_622 = tpu.vector_load %swap3A_619[%swap3A_620, %swap3A_621] {strides = array<i32>} : memref<80x128xf32, #tpu.memory_space<vmem>>, vector<1x16xf32>,
        %swap3A_623 = vector.shape_cast %swap3A_622 : vector<1x16xf32> to vector<16xf32>
        %swap3A_624 = vector.shape_cast %get3A_552 : vector<16xf32> to vector<1x16xf32>
        tpu.vector_store %swap3A_619[%swap3A_620, %swap3A_621], %swap3A_624 {add = true, strides = array<i32>} : memref<80x128xf32, #tpu.memory_space<vmem>>, vector<1x16xf32>,
      }
      %scan3A_383 = arith.constant 80 : i32
      %mul3A_384 = arith.constant 80 : i32
      %mul3A_385 = arith.muli %add3A_344, %mul3A_384 : i32
      %add3A_386 = arith.addi %mul3A_2, %mul3A_385 : i32
      %dma_start3A_387 = arith.constant 4 : i32
      %dma_start3A_388 = arith.constant 0 : i32
      %dma_start3A_389 = arith.constant 0 : i32
      %dma_start3A_390 = tpu.memref_slice %arg8[%dma_start3A_387, %dma_start3A_388, %dma_start3A_389] : memref<5x80x128xf32, #tpu.memory_space<vmem>> -> memref<1x80x128xf32, #tpu.memory_space<vmem>>
      %dma_start3A_391 = tpu.memref_squeeze %dma_start3A_390 : memref<1x80x128xf32, #tpu.memory_space<vmem>> -> memref<80x128xf32, #tpu.memory_space<vmem>>
      %dma_start3A_392 = arith.constant 0 : i32
      %dma_start3A_393 = tpu.memref_slice %arg5[%add3A_386, %dma_start3A_392] : memref<819200x128xf32, #tpu.memory_space<hbm>> -> memref<80x128xf32, #tpu.memory_space<hbm>>
      %dma_start3A_394 = arith.constant 0 : i32
      %dma_start3A_395 = tpu.memref_slice %arg5[%add3A_386, %dma_start3A_394] : memref<819200x128xf32, #tpu.memory_space<hbm>> -> memref<80x128xf32, #tpu.memory_space<hbm>>
      %dma_start3A_396 = arith.constant 0 : i32
      %dma_start3A_397 = arith.constant 0 : i32
      %dma_start3A_398 = tpu.memref_slice %arg8[%dma_start3A_387, %dma_start3A_396, %dma_start3A_397] : memref<5x80x128xf32, #tpu.memory_space<vmem>> -> memref<1x80x128xf32, #tpu.memory_space<vmem>>
      %dma_start3A_399 = tpu.memref_squeeze %dma_start3A_398 : memref<1x80x128xf32, #tpu.memory_space<vmem>> -> memref<80x128xf32, #tpu.memory_space<vmem>>
      tpu.enqueue_dma source(%dma_start3A_399 : memref<80x128xf32, #tpu.memory_space<vmem>>) target(%dma_start3A_395 : memref<80x128xf32, #tpu.memory_space<hbm>>) target_semaphore(%arg18 : memref<!tpu.dma_semaphore, #tpu.memory_space<semaphore_mem>>)
    }
    %scan3A_80 = arith.constant 64 : i32
    %add3A_81 = arith.constant 25440 : i32
    %add3A_82 = arith.addi %mul3A_2, %add3A_81 : i32
    %dma_wait3A = arith.constant 3 : i32
    %dma_wait3A_83 = arith.constant 0 : i32
    %dma_wait3A_84 = arith.constant 0 : i32
    %dma_wait3A_85 = tpu.memref_slice %arg8[%dma_wait3A, %dma_wait3A_83, %dma_wait3A_84] : memref<5x80x128xf32, #tpu.memory_space<vmem>> -> memref<1x80x128xf32, #tpu.memory_space<vmem>>
    %dma_wait3A_86 = tpu.memref_squeeze %dma_wait3A_85 : memref<1x80x128xf32, #tpu.memory_space<vmem>> -> memref<80x128xf32, #tpu.memory_space<vmem>>
    %dma_wait3A_87 = arith.constant 0 : i32
    %dma_wait3A_88 = tpu.memref_slice %arg5[%add3A_82, %dma_wait3A_87] : memref<819200x128xf32, #tpu.memory_space<hbm>> -> memref<80x128xf32, #tpu.memory_space<hbm>>
    %dma_wait3A_89 = arith.constant 0 : i32
    %dma_wait3A_90 = tpu.memref_slice %arg5[%add3A_82, %dma_wait3A_89] : memref<819200x128xf32, #tpu.memory_space<hbm>> -> memref<80x128xf32, #tpu.memory_space<hbm>>
    %dma_wait3A_91 = arith.constant 0 : i32
    %dma_wait3A_92 = arith.constant 0 : i32
    %dma_wait3A_93 = tpu.memref_slice %arg8[%dma_wait3A, %dma_wait3A_91, %dma_wait3A_92] : memref<5x80x128xf32, #tpu.memory_space<vmem>> -> memref<1x80x128xf32, #tpu.memory_space<vmem>>
    %dma_wait3A_94 = tpu.memref_squeeze %dma_wait3A_93 : memref<1x80x128xf32, #tpu.memory_space<vmem>> -> memref<80x128xf32, #tpu.memory_space<vmem>>
    tpu.wait_dma2 semaphore(%arg17 : memref<!tpu.dma_semaphore, #tpu.memory_space<semaphore_mem>>) src(%dma_wait3A_94 : memref<80x128xf32, #tpu.memory_space<vmem>>) dst(%dma_wait3A_90 : memref<80x128xf32, #tpu.memory_space<hbm>>)
    %add3A_95 = arith.constant 25520 : i32
    %add3A_96 = arith.addi %mul3A_2, %add3A_95 : i32
    %dma_wait3A_97 = arith.constant 4 : i32
    %dma_wait3A_98 = arith.constant 0 : i32
    %dma_wait3A_99 = arith.constant 0 : i32
    %dma_wait3A_100 = tpu.memref_slice %arg8[%dma_wait3A_97, %dma_wait3A_98, %dma_wait3A_99] : memref<5x80x128xf32, #tpu.memory_space<vmem>> -> memref<1x80x128xf32, #tpu.memory_space<vmem>>
    %dma_wait3A_101 = tpu.memref_squeeze %dma_wait3A_100 : memref<1x80x128xf32, #tpu.memory_space<vmem>> -> memref<80x128xf32, #tpu.memory_space<vmem>>
    %dma_wait3A_102 = arith.constant 0 : i32
    %dma_wait3A_103 = tpu.memref_slice %arg5[%add3A_96, %dma_wait3A_102] : memref<819200x128xf32, #tpu.memory_space<hbm>> -> memref<80x128xf32, #tpu.memory_space<hbm>>
    %dma_wait3A_104 = arith.constant 0 : i32
    %dma_wait3A_105 = tpu.memref_slice %arg5[%add3A_96, %dma_wait3A_104] : memref<819200x128xf32, #tpu.memory_space<hbm>> -> memref<80x128xf32, #tpu.memory_space<hbm>>
    %dma_wait3A_106 = arith.constant 0 : i32
    %dma_wait3A_107 = arith.constant 0 : i32
    %dma_wait3A_108 = tpu.memref_slice %arg8[%dma_wait3A_97, %dma_wait3A_106, %dma_wait3A_107] : memref<5x80x128xf32, #tpu.memory_space<vmem>> -> memref<1x80x128xf32, #tpu.memory_space<vmem>>
    %dma_wait3A_109 = tpu.memref_squeeze %dma_wait3A_108 : memref<1x80x128xf32, #tpu.memory_space<vmem>> -> memref<80x128xf32, #tpu.memory_space<vmem>>
    tpu.wait_dma2 semaphore(%arg18 : memref<!tpu.dma_semaphore, #tpu.memory_space<semaphore_mem>>) src(%dma_wait3A_109 : memref<80x128xf32, #tpu.memory_space<vmem>>) dst(%dma_wait3A_105 : memref<80x128xf32, #tpu.memory_space<hbm>>)
    return
  }
}

</mosaic_0001>

<sc_bundles>
// kernel: kernel.3.cloned.1.call-start
scs
__scs_entry_jumppad:
0x0: {  	(pc) =	sbr.rel $0x88, $3  }
0x1: {  	(tag) =	ssettag $0x0;
	lr =	simm.s32 $0x1  }
0x2: {  	[smem:$0x3F9E] =	sst lr;
	_ =	strace $0xD0000000  }
0x3: {  	_ = 	snop  }
0x4: {  	_ = 	snop  }
0x5: {  	_ = 	snop  }
0x6: {  	_ = 	snop  }
0x7: {  	_ = 	snop  }
__scs_overlays_trampoline_lowered:
0x8: {  	[smem:$0x3FAD] =	sst s0  }
0x9: {  	[smem:$0x3FAE] =	sst s1  }
0xa: {  	[smem:$0x3FAF] =	sst s2  }
0xb: {  	[smem:$0x3FB0] =	sst s3  }
0xc: {  	[smem:$0x3FB1] =	sst s4  }
0xd: {  	[smem:$0x3FB2] =	sst s5  }
0xe: {  	[smem:$0x3FB3] =	sst s6  }
0xf: {  	[smem:$0x3FB4] =	sst s7  }
0x10: {  	[smem:$0x3FB5] =	sst s8  }
0x11: {  	[smem:$0x3FB6] =	sst s9;
	s0 =	simm.s32 @!p0 $0x0  }
0x12: {  	s1 =	sld [smem:$0x3F9C];
	s0 =	simm.s32 @p0 $0x1  }
0x13: {  	[smem:$0x3FB7] =	sst s0;
	s0 =	simm.s32 @!p1 $0x0  }
0x14: {  	s2 =	sld [smem:$0x3F9B];
	s0 =	simm.s32 @p1 $0x1  }
0x15: {  	[smem:$0x3FB8] =	sst s0;
	s0 =	simm.s32 @!p2 $0x0  }
0x16: {  	s3 =	sld [smem:$0x3FDB];
	s0 =	simm.s32 @p2 $0x1  }
0x17: {  	s4 =	simm.s32 $0x1BF5;
	[smem:$0x3FBA] =	sst s0  }
0x18: {  	s0 =	sld [smem:$0x3F9D];
	_ =	swait.ge [sflag:s4], $0x0  }
0x19: {  	s7 =	sld [smem:$0x3F9E]  }
0x1a: {  	s8 =	sadd.s32 $0xFFFFE003, lr  }
0x1b: {  	s9 =	sadd.s32 $0xFFFFFEF7, lr;
	s5 =	simm.s32 $0xFFFFFFFF;
	p2 =	slt.u32 s8, $0xFFFFF086  }
0x1c: {  	p1 =	slt.u32 s9, $0xF7A;
	s5 =	simm.s32 @!p2 $0x0  }
0x1d: {  	s5 =	simm.s32 @p1 $0x1;
	p0 =	seq.s32 s7, s2  }
0x1e: {  	s7 =	smul.u32 @!p0 $0xF7A, s2;
	p2 =	seq.s32 @!p0 s5, $0x0  }
0x1f: {  	s9 =	smul.u32 $0xF7A, s1;
	s8 =	simm.s32 @!p0 $0x1BF5;
	p2 =	por !p2, p0  }
0x20: {  	[sflag:s8] =	ssyncset.s32 @!p0 $0xFFFFF086;
	s6 =	sadd.s32 @!p0 s3, s7;
	s7 =	simm.s32 @!p0 $0x108  }
0x21: {  	s3 =	sadd.s32 s3, s9;
	s6 =	sadd.s32 @!p0 $0x88, s6;
	s7 =	simm.s32 @p2 $0x1082  }
0x22: {  	[simem:s7], [sflag:s8] =	dma.local @!p0 [hbm:s6], $0xF7A  }
0x23: {  	s9 =	sor.u32 $0xD0000000, s2;
	s6 =	simm.s32 $0x108;
	_ =	swait.ge @!p0 [sflag:s8], $0x0  }
0x24: {  	s3 =	sadd.s32 $0x88, s3;
	s6 =	simm.s32 @!p1 $0x1082;
	[sflag:s4] =	ssyncset.s32 $0xFFFFF086  }
0x25: {  	[simem:s6], [sflag:s4] =	dma.local [hbm:s3], $0xF7A  }
0x26: {  	[smem:$0x3F9E] =	sst s1;
	(tag) =	ssettag s2;
	_ =	strace s9  }
0x27: {  	s1 =	sld [smem:$0x3FAE]  }
0x28: {  	s2 =	sld [smem:$0x3FAF]  }
0x29: {  	s4 =	sld [smem:$0x3FB1]  }
0x2a: {  	p0 =	seq.s32 s5, $0x0;
	s5 =	sld [smem:$0x3FB2]  }
0x2b: {  	s6 =	sld [smem:$0x3FB3]  }
0x2c: {  	s7 =	sld [smem:$0x3FB4]  }
0x2d: {  	s3 =	simm.s32 $0x108;
	s8 =	sld [smem:$0x3FB5]  }
0x2e: {  	s3 =	simm.s32 @!p0 $0x1082;
	s9 =	sld [smem:$0x3FB6]  }
0x2f: {  	lr =	sadd.s32 s0, s3;
	s0 =	sld [smem:$0x3FAD]  }
0x30: {  	s3 =	sld [smem:$0x3FB0]  }
0x31: {  	[smem:$0x3FB9] =	sst s10  }
0x32: {  	s10 =	sld [smem:$0x3FB7];
	_ =	sdelay $0x3  }
0x33: {  	p0 =	seq.s32 s10, $0x1;
	s10 =	sld [smem:$0x3FB9];
	_ =	sdelay $0x3  }
0x34: {  	[smem:$0x3FB9] =	sst s10  }
0x35: {  	s10 =	sld [smem:$0x3FB8];
	_ =	sdelay $0x3  }
0x36: {  	p1 =	seq.s32 s10, $0x1;
	s10 =	sld [smem:$0x3FB9];
	_ =	sdelay $0x3  }
0x37: {  	[smem:$0x3FB9] =	sst s10  }
0x38: {  	s10 =	sld [smem:$0x3FBA]  }
0x39: {  	_ = 	snop;
	(pc) =	sbr.ind lr, $3  }
0x3a: {  	_ = 	snop  }
0x3b: {  	_ = 	snop  }
0x3c: {  	p2 =	seq.s32 s10, $0x1;
	s10 =	sld [smem:$0x3FB9]  }
0x3d: {  	_ =	shalt  }
0x3e: {  	_ =	shalt  }
0x3f: {  	_ =	shalt  }
0x40: {  	_ =	shalt  }
0x41: {  	_ =	shalt  }
0x42: {  	_ =	shalt  }
0x43: {  	_ =	shalt  }
0x44: {  	_ =	shalt  }
0x45: {  	_ =	shalt  }
0x46: {  	_ =	shalt  }
0x47: {  	_ =	shalt  }
0x48: {  	_ =	shalt  }
0x49: {  	_ =	shalt  }
0x4a: {  	_ =	shalt  }
0x4b: {  	_ =	shalt  }
0x4c: {  	_ =	shalt  }
0x4d: {  	_ =	shalt  }
0x4e: {  	_ =	shalt  }
0x4f: {  	_ =	shalt  }
0x50: {  	_ =	shalt  }
0x51: {  	_ =	shalt  }
0x52: {  	_ =	shalt  }
0x53: {  	_ =	shalt  }
0x54: {  	_ =	shalt  }
0x55: {  	_ =	shalt  }
0x56: {  	_ =	shalt  }
0x57: {  	_ =	shalt  }
0x58: {  	_ =	shalt  }
0x59: {  	_ =	shalt  }
0x5a: {  	_ =	shalt  }
0x5b: {  	_ =	shalt  }
0x5c: {  	_ =	shalt  }
0x5d: {  	_ =	shalt  }
0x5e: {  	_ =	shalt  }
0x5f: {  	_ =	shalt  }
0x60: {  	_ =	shalt  }
0x61: {  	_ =	shalt  }
0x62: {  	_ =	shalt  }
0x63: {  	_ =	shalt  }
0x64: {  	_ =	shalt  }
0x65: {  	_ =	shalt  }
0x66: {  	_ =	shalt  }
0x67: {  	_ =	shalt  }
0x68: {  	_ =	shalt  }
0x69: {  	_ =	shalt  }
0x6a: {  	_ =	shalt  }
0x6b: {  	_ =	shalt  }
0x6c: {  	_ =	shalt  }
0x6d: {  	_ =	shalt  }
0x6e: {  	_ =	shalt  }
0x6f: {  	_ =	shalt  }
0x70: {  	_ =	shalt  }
0x71: {  	_ =	shalt  }
0x72: {  	_ =	shalt  }
0x73: {  	_ =	shalt  }
0x74: {  	_ =	shalt  }
0x75: {  	_ =	shalt  }
0x76: {  	_ =	shalt  }
0x77: {  	_ =	shalt  }
0x78: {  	_ =	shalt  }
0x79: {  	_ =	shalt  }
0x7a: {  	_ =	shalt  }
0x7b: {  	_ =	shalt  }
0x7c: {  	_ =	shalt  }
0x7d: {  	_ =	shalt  }
0x7e: {  	_ =	shalt  }
0x7f: {  	_ =	shalt  }
0x80: {  	_ =	shalt  }
0x81: {  	_ =	shalt  }
0x82: {  	_ =	shalt  }
0x83: {  	_ =	shalt  }
0x84: {  	_ =	shalt  }
0x85: {  	_ =	shalt  }
0x86: {  	_ =	shalt  }
0x87: {  	_ =	shalt  }
.Lfunc_end0:
.L_simem_size_0:
called_computation_lowered:
.L_overlay_start_0:
0x88: {  	s2 =	sld [smem:$0x3FD9]  }
0x89: {  	s3 =	sld [smem:$0x3FFE];
	_ =	sdelay $0x1  }
0x8a: {  	s1 =	srdreg.scid  }
0x8b: {  	s0 =	sand.u32 $0x1, s1  }
0x8c: {  	s17 =	sshll.u32 s0, $0xA;
	s2 =	sadd.s32 s3, s2  }
0x8d: {  	s2 =	sadd.s32 s2, s17  }
0x8e: {  	[smem:$0x3FC5] =	sst s2  }
0x8f: {  	_ = 	snop  }
0x90: {  	s2 =	sld [smem:$0x3FC8]  }
0x91: {  	s18 =	sld [smem:$0x3FC7]  }
0x92: {  	s4 =	sld [smem:$0x3FD0];
	(tm) =	ssettm $0x1  }
0x93: {  	s5 =	sld [smem:$0x3FFB];
	_ =	sdelay $0x3  }
0x94: {  	_ =	strace s5  }
0x95: {  	s5 =	sld [smem:$0x3FFC];
	_ =	sdelay $0x3  }
0x96: {  	_ =	strace s5  }
0x97: {  	s5 =	sld [smem:$0x3FFD];
	_ =	sdelay $0x3  }
0x98: {  	_ =	strace s5  }
0x99: {  	_ =	strace $0x8FFFFFFF  }
0x9a: {  	s19 =	sld [smem:$0x3FDB];
	_ =	sdelay $0x1  }
0x9b: {  	s6 =	simm.s32 $_scs_section_size  }
0x9c: {  	s7 =	simm.s32 $_size__tile_overlayer_lowered;
	s8 =	simm.s32 $_tile_overlayer_lowered  }
0x9d: {  	s22 =	simm.s32 $0x1BFF;
	s21 =	sshll.u32 s8, $0x1;
	s5 =	sadd.s32 s6, s19  }
0x9e: {  	s9 =	simm.s32 $0x0;
	s20 =	sshll.u32 s7, $0x1;
	s7 =	sadd.s32 s21, s5  }
0x9f: {  	[timem:s9], [sflag:s22] =	dma.local [hbm:s7], s20  }
0xa0: {  	_ =	swait.ge [sflag:s22], s20  }
0xa1: {  	s6 =	ssub.s32 $0x0, s20;
	[sflag:s22] =	ssyncset.done $0x0  }
0xa2: {  	[sflag:s22] =	ssyncadd.s32 s6;
	_ =	sdelay $0x1  }
0xa3: {  	s23 =	simm.s32 $0x1B8B  }
0xa4: {  	_ =	swait.ge [sflag:s23], $0x1  }
0xa5: {  	[sflag:s23] =	ssyncset.done $0x0  }
0xa6: {  	s25 =	simm.s32 $0x1B8E;
	s24 =	sld [smem:$0x3FFE];
	[sflag:s23] =	ssyncadd.s32 $0xFFFFFFFF  }
0xa7: {  	s26 =	simm.s32 $execute0_lowered;
	[smem:$0x3FD2] =	sst s25  }
0xa8: {  	s7 =	sshll.u32 s26, $0x1;
	_ =	strace $0x80000046;
	[dreg:$0x1] =	wrdreg $0xFFFFFFFF  }
0xa9: {  	s28 =	simm.s32 $_size_execute0_lowered;
	s5 =	sadd.s32 s5, s7;
	[dreg:$0x0] =	wrdreg $0x0  }
0xaa: {  	s7 =	sshll.u32 s28, $0x1;
	[dreg:$0x2] =	wrdreg s5  }
0xab: {  	[dreg:$0x3] =	wrdreg s7  }
0xac: {  	[dreg:$0x4] =	wrdreg $0xC0  }
0xad: {  	_ =	task [dreg:s9], $0x5FFFF  }
0xae: {  	[dreg:$0x1] =	wrdreg $0xFFFFFFFF  }
0xaf: {  	[dreg:$0x0] =	wrdreg $0x60  }
0xb0: {  	[dreg:$0x2] =	wrdreg s24  }
0xb1: {  	[dreg:$0x3] =	wrdreg s18  }
0xb2: {  	[dreg:$0x4] =	wrdreg s2  }
0xb3: {  	[dreg:$0x5] =	wrdreg s4  }
0xb4: {  	[dreg:$0x6] =	wrdreg $0x9  }
0xb5: {  	_ =	task.clear_ibuf [dreg:s9], $0x7FFFF;
	_ =	strace $0x90000046  }
0xb6: {  	s29 =	simm.s32 $0x9;
	_ =	strace $0x80000048  }
0xb7: {  	_ =	swait.ge [sflag:s29], $0x1  }
0xb8: {  	[sflag:s29] =	ssyncadd.s32 $0xFFFFFFFF  }
0xb9: {  	_ =	strace $0x90000048  }
0xba: {  	_ =	sfence  }
0xbb: {  	s30 =	sld [smem:$0x0];
	_ =	sdelay $0x2  }
0xbc: {  	s31 =	sshll.u32 s1, $0xD;
	s1 =	sshrl.u32 s1, $0x2  }
0xbd: {  	s3 =	sand.u32 $0x4000, s31;
	s1 =	sadd.s32 s1, s30  }
0xbe: {  	s0 =	sor.u32 s3, s0;
	s1 =	sshll.u32 s1, $0x11  }
0xbf: {  	s0 =	sor.u32 s1, s0  }
0xc0: {  	s0 =	sadd.s32 $0x8F2B, s0  }
0xc1: {  	[sflag:s0] =	ssyncadd.remote.s32 $0x1  }
0xc2: {  	_ =	sfence.sel $0xFFFF  }
0xc3: {  	[dreg:$0x0] =	wrdreg $0xFFFFFFFF;
	(pc) =	sbr.abs _section_cstart, $3  }
0xc4: {  	[dreg:$0x1] =	wrdreg $0xFFFFFFFF  }
0xc5: {  	_ =	task.clear_ibuf [dreg:s9], $0x2FFFF;
	_ =	strace $0x9FFFFFFF  }
0xc6: {  	(tm) =	ssettm $0x7FFFFFFF  }
0xc7: {  	_ =	shalt  }
tec
execute0_lowered:
.L_overlay_start_1:
0x0: {  	(tag) =	ssettag $0x1  }
0x1: {  	s0 =	rddreg [dreg:$0x0]  }
0x2: {  	s3 =	rddreg [dreg:$0x2]  }
0x3: {  	s1 =	srdreg.scid;
	s2 =	stileid.u32  }
0x4: {  	s4 =	rddreg [dreg:$0x3];
	s5 =	simm.s32 $0x0;
	s14 =	simm.s32 $0x28  }
0x5: {  	s15 =	simm.s32 $0x11800;
	s18 =	simm.s32 $0x14000;
	s22 =	simm.s32 $0x16800  }
0x6: {  	s25 =	simm.s32 $0x1;
	s28 =	simm.s32 $0x1A400;
	s29 =	simm.s32 $0x2  }
0x7: {  	s30 =	simm.s32 $0x1B800;
	s31 =	simm.s32 $0x1CC00;
	s12 =	simm.s32 $0x4  }
0x8: {  	s13 =	simm.s32 $0x7;
	s1 =	sand.u32 $0x1, s1;
	s2 =	sshll.u32 s2, $0x1  }
0x9: {  	s16 =	simm.s32 $0x5;
	s17 =	simm.s32 $0x8;
	s2 =	sor.u32 s1, s2  }
0xa: {  	s21 =	simm.s32 $0x0;
	s1 =	ssub.s32 $0x2, s1;
	s7 =	smul.u32 $0x1400, s2  }
0xb: {  	[smem:$0x7FF] =	sst s5;
	s8 =	sshrl.u32 s1, $0x1;
	s6 =	smul.u32 $0x6400, s2  }
0xc: {  	_ =	strace $0x80000047;
	s2 =	simm.s32 $0x3;
	s1 =	ssub.s32 s1, s8  }
0xd: {  	s0 =	sadd.s32 s7, s0;
	s26 =	smax.u32 s1, $0x1;
	s9 =	sor.u32 $0x50, s6  }
0xe: {  	s10 =	sor.u32 $0xA0, s6;
	s0 =	sadd.s32 $0x400, s0;
	[dreg:$0x6] =	wrdreg s26  }
0xf: {  	s26 =	simm.s32 $0x19000;
	[dreg:$0x5] =	wrdreg s0;
	s0 =	simm.s32 $0x6  }
.LBB2_1:
0x10: {  	s1 =	rddreg [dreg:$0x5];
	s7 =	simm.s32 $0xB  }
0x11: {  	[tilespmem:s5], [sflag:$0xB] =	stream.linear.gather [hbm4b:s1+s5], $0xA000, $0x38;
	[tilespmem:$0x1E000] =	vst v63  }
0x12: {  	_ =	swait.ge [sflag:s7], $0xA000  }
0x13: {  	[sflag:s7] =	ssyncset.done $0x0  }
0x14: {  	[sflag:s7] =	ssyncadd.s32 $0xFFFF6000  }
0x15: {  	s8 =	simm.s32 $0xA000;
	s23 =	rddreg [dreg:$0x1]  }
0x16: {  	[tilespmem:s8], [sflag:$0xB] =	stream.linear.gather [hbm4b:s23+s5], $0x6400, $0x38;
	[tilespmem:$0x1E000] =	vst v63  }
0x17: {  	_ =	swait.ge [sflag:s7], $0x6400  }
0x18: {  	[sflag:s7] =	ssyncset.done $0x0  }
0x19: {  	s24 =	simm.s32 $0x10400;
	[sflag:s7] =	ssyncadd.s32 $0xFFFF9C00  }
0x1a: {  	[tilespmem:s24], [sflag:$0xB] =	stream.linear.gather [hbm4b:s23+s5], $0x1400, $0x38;
	[tilespmem:$0x1E000] =	vst v63  }
0x1b: {  	_ =	swait.ge [sflag:s7], $0x1400  }
0x1c: {  	[sflag:s7] =	ssyncset.done $0x0  }
0x1d: {  	[sflag:s7] =	ssyncadd.s32 $0xFFFFEC00  }
0x1e: {  	[tilespmem:s15], [sflag:$0x1] =	stream.indirect.gather [hbm4b:s3+s14], $0x80, s5, s14, $0xb8;
	[tilespmem:$0x1E000] =	vst v63  }
0x1f: {  	s7 =	simm.s32 $0x12C00  }
0x20: {  	[tilespmem:s7], [sflag:$0x1] =	stream.indirect.gather [hbm4b:s3+s14], $0x80, s14, s14, $0xb8;
	[tilespmem:$0x1E000] =	vst v63  }
0x21: {  	s8 =	simm.s32 $0x80  }
0x22: {  	[tilespmem:s18], [sflag:$0x2] =	stream.indirect.gather [hbm4b:s3+s14], $0x80, s8, s14, $0xb8;
	[tilespmem:$0x1E000] =	vst v63  }
0x23: {  	s11 =	simm.s32 $0xA8;
	s19 =	simm.s32 $0x15400  }
0x24: {  	[tilespmem:s19], [sflag:$0x2] =	stream.indirect.gather [hbm4b:s3+s14], $0x80, s11, s14, $0xb8;
	[tilespmem:$0x1E000] =	vst v63  }
0x25: {  	s20 =	simm.s32 $0x100  }
0x26: {  	[tilespmem:s22], [sflag:$0x3] =	stream.indirect.gather [hbm4b:s3+s14], $0x80, s20, s14, $0xb8;
	[tilespmem:$0x1E000] =	vst v63  }
0x27: {  	s23 =	simm.s32 $0x128;
	s24 =	simm.s32 $0x17C00  }
0x28: {  	[tilespmem:s24], [sflag:$0x3] =	stream.indirect.gather [hbm4b:s3+s14], $0x80, s23, s14, $0xb8;
	[tilespmem:$0x1E000] =	vst v63  }
0x29: {  	s23 =	simm.s32 $0x0  }
.LBB2_2:
0x2a: {  	_ =	swait.ge [sflag:s25], $0x2800  }
0x2b: {  	s1 =	smul.u32 $0x5, s23;
	p0 =	seq.s32 s23, $0x0;
	[sflag:s25] =	ssyncset.done $0x0  }
0x2c: {  	s7 =	simm.s32 @!p0 $0x9;
	[sflag:s25] =	ssyncadd.s32 $0xFFFFD800  }
0x2d: {  	s24 =	sadd.s32 $0x3, s1;
	_ =	swait.ge @!p0 [sflag:s7], $0x2800  }
0x2e: {  	s8 =	sshll.u32 s24, $0x7;
	[sflag:s7] =	ssyncset.done @!p0 $0x0  }
0x2f: {  	s20 =	sand.u32 $0x3FFFFF80, s8;
	[sflag:s7] =	ssyncadd.s32 @!p0 $0xFFFFD800  }
0x30: {  	[tilespmem:s26], [sflag:$0x4] =	stream.indirect.gather [hbm4b:s3+s14], $0x80, s20, s14, $0xb8;
	[tilespmem:$0x1E000] =	vst v63  }
0x31: {  	s7 =	sor.u32 $0x28, s20  }
0x32: {  	[tilespmem:s28], [sflag:$0x4] =	stream.indirect.gather [hbm4b:s3+s14], $0x80, s7, s14, $0xb8;
	[tilespmem:$0x1E000] =	vst v63  }
0x33: {  	s7 =	simm.s32 $0x0  }
0x34: {  	v0 =	vld [tilespmem:s7+$0xA0F0]  }
0x35: {  	v1 =	vld [tilespmem:s7+$0xA000]  }
0x36: {  	v2 =	vld [tilespmem:s7+$0xA010]  }
0x37: {  	v3 =	vld [tilespmem:s7+$0xA020]  }
0x38: {  	v4 =	vld [tilespmem:s7+$0xA030]  }
0x39: {  	v5 =	vld [tilespmem:s7+$0xA040]  }
0x3a: {  	v6 =	vld [tilespmem:s7+$0xA050]  }
0x3b: {  	v7 =	vld [tilespmem:s7+$0xA060]  }
0x3c: {  	v8 =	vld [tilespmem:s7+$0xA070]  }
0x3d: {  	v9 =	vld [tilespmem:s7+$0xA080]  }
0x3e: {  	v10 =	vld [tilespmem:s7+$0xA090]  }
0x3f: {  	v11 =	vld [tilespmem:s7+$0xA0A0]  }
0x40: {  	v12 =	vld [tilespmem:s7+$0xA0B0]  }
0x41: {  	v13 =	vld [tilespmem:s7+$0xA0C0]  }
0x42: {  	v14 =	vld [tilespmem:s7+$0xA0D0]  }
0x43: {  	[tilespmem:s7+$0x118F0] =	vst.add.f32.msk $0xffff, v0  }
0x44: {  	v0 =	vld [tilespmem:s7+$0xA0E0]  }
0x45: {  	[tilespmem:s7+$0x11800] =	vst.add.f32.msk $0xffff, v1  }
0x46: {  	[tilespmem:s7+$0x11810] =	vst.add.f32.msk $0xffff, v2  }
0x47: {  	[tilespmem:s7+$0x11820] =	vst.add.f32.msk $0xffff, v3  }
0x48: {  	[tilespmem:s7+$0x11830] =	vst.add.f32.msk $0xffff, v4  }
0x49: {  	[tilespmem:s7+$0x11840] =	vst.add.f32.msk $0xffff, v5  }
0x4a: {  	[tilespmem:s7+$0x11850] =	vst.add.f32.msk $0xffff, v6  }
0x4b: {  	[tilespmem:s7+$0x11860] =	vst.add.f32.msk $0xffff, v7  }
0x4c: {  	[tilespmem:s7+$0x11870] =	vst.add.f32.msk $0xffff, v8  }
0x4d: {  	[tilespmem:s7+$0x11880] =	vst.add.f32.msk $0xffff, v9  }
0x4e: {  	[tilespmem:s7+$0x11890] =	vst.add.f32.msk $0xffff, v10  }
0x4f: {  	[tilespmem:s7+$0x118A0] =	vst.add.f32.msk $0xffff, v11  }
0x50: {  	[tilespmem:s7+$0x118B0] =	vst.add.f32.msk $0xffff, v12  }
0x51: {  	[tilespmem:s7+$0x118C0] =	vst.add.f32.msk $0xffff, v13  }
0x52: {  	s19 =	simm.s32 $0x400;
	s8 =	simm.s32 $0x0;
	[tilespmem:s7+$0x118D0] =	vst.add.f32.msk $0xffff, v14  }
.LBB2_3:
0x53: {  	s8 =	sadd.s32 $0x2, s8;
	[tilespmem:s7+$0x118E0] =	vst.add.f32.msk $0xffff, v0;
	s7 =	sshra.s32 s19, $0x2  }
0x54: {  	v0 =	vld [tilespmem:s7+$0xA0F0];
	p1 =	slt.u32 s8, $0x4E  }
0x55: {  	v1 =	vld [tilespmem:s7+$0xA000]  }
0x56: {  	v2 =	vld [tilespmem:s7+$0xA010]  }
0x57: {  	v3 =	vld [tilespmem:s7+$0xA020]  }
0x58: {  	v4 =	vld [tilespmem:s7+$0xA030]  }
0x59: {  	[tilespmem:s7+$0x118F0] =	vst.add.f32.msk $0xffff, v0  }
0x5a: {  	v5 =	vld [tilespmem:s7+$0xA040]  }
0x5b: {  	v6 =	vld [tilespmem:s7+$0xA050]  }
0x5c: {  	v7 =	vld [tilespmem:s7+$0xA060]  }
0x5d: {  	v8 =	vld [tilespmem:s7+$0xA070]  }
0x5e: {  	v9 =	vld [tilespmem:s7+$0xA080]  }
0x5f: {  	v10 =	vld [tilespmem:s7+$0xA090]  }
0x60: {  	v11 =	vld [tilespmem:s7+$0xA0A0]  }
0x61: {  	v12 =	vld [tilespmem:s7+$0xA0B0]  }
0x62: {  	v13 =	vld [tilespmem:s7+$0xA0C0]  }
0x63: {  	v14 =	vld [tilespmem:s7+$0xA0D0]  }
0x64: {  	v0 =	vld [tilespmem:s7+$0xA0E0]  }
0x65: {  	[tilespmem:s7+$0x11800] =	vst.add.f32.msk $0xffff, v1  }
0x66: {  	[tilespmem:s7+$0x11810] =	vst.add.f32.msk $0xffff, v2  }
0x67: {  	[tilespmem:s7+$0x11820] =	vst.add.f32.msk $0xffff, v3  }
0x68: {  	[tilespmem:s7+$0x11830] =	vst.add.f32.msk $0xffff, v4  }
0x69: {  	[tilespmem:s7+$0x11840] =	vst.add.f32.msk $0xffff, v5  }
0x6a: {  	[tilespmem:s7+$0x11850] =	vst.add.f32.msk $0xffff, v6  }
0x6b: {  	[tilespmem:s7+$0x11860] =	vst.add.f32.msk $0xffff, v7  }
0x6c: {  	[tilespmem:s7+$0x11870] =	vst.add.f32.msk $0xffff, v8  }
0x6d: {  	[tilespmem:s7+$0x11880] =	vst.add.f32.msk $0xffff, v9  }
.Ltmp0:
0x6e: {  	[tilespmem:s7+$0x11890] =	vst.add.f32.msk $0xffff, v10;
	(pc) =	sbr.rel @p1 .LBB2_3-.Ltmp0, $4  }
0x6f: {  	[tilespmem:s7+$0x118A0] =	vst.add.f32.msk $0xffff, v11  }
0x70: {  	[tilespmem:s7+$0x118B0] =	vst.add.f32.msk $0xffff, v12  }
0x71: {  	[tilespmem:s7+$0x118C0] =	vst.add.f32.msk $0xffff, v13  }
0x72: {  	s19 =	sadd.s32 $0x400, s19;
	[tilespmem:s7+$0x118D0] =	vst.add.f32.msk $0xffff, v14  }
0x73: {  	s8 =	smul.u32 $0x190, s23;
	_ =	sdelay $0x1  }
0x74: {  	s11 =	sadd.s32 s6, s8  }
0x75: {  	s11 =	sshll.u32 s11, $0x4  }
0x76: {  	[tilespmem:s7+$0x118E0] =	vst.add.f32.msk $0xffff, v0;
	s11 =	sadd.s32 s4, s11  }
0x77: {  	[hbm4b:s11+s5] =	stream.linear.scatter [tilespmem:s15], [sflag:$0x6], $0x2800, $0x38;
	[tilespmem:$0x1E000] =	vst v63  }
0x78: {  	_ =	swait.ge [sflag:s29], $0x2800  }
0x79: {  	[sflag:s29] =	ssyncset.done $0x0  }
0x7a: {  	s7 =	simm.s32 @!p0 $0xA;
	[sflag:s29] =	ssyncadd.s32 $0xFFFFD800  }
0x7b: {  	s1 =	sadd.s32 $0x4, s1;
	_ =	swait.ge @!p0 [sflag:s7], $0x2800  }
0x7c: {  	s19 =	sshll.u32 s1, $0x7;
	[sflag:s7] =	ssyncset.done @!p0 $0x0  }
0x7d: {  	s20 =	sand.u32 $0x3FFFFF80, s19;
	[sflag:s7] =	ssyncadd.s32 @!p0 $0xFFFFD800  }
0x7e: {  	[tilespmem:s30], [sflag:$0x5] =	stream.indirect.gather [hbm4b:s3+s14], $0x80, s20, s14, $0xb8;
	[tilespmem:$0x1E000] =	vst v63  }
0x7f: {  	s7 =	sor.u32 $0x28, s20  }
0x80: {  	[tilespmem:s31], [sflag:$0x5] =	stream.indirect.gather [hbm4b:s3+s14], $0x80, s7, s14, $0xb8;
	[tilespmem:$0x1E000] =	vst v63  }
0x81: {  	s7 =	simm.s32 $0x0  }
0x82: {  	v0 =	vld [tilespmem:s7+$0xC8F0]  }
0x83: {  	v1 =	vld [tilespmem:s7+$0xC800]  }
0x84: {  	v2 =	vld [tilespmem:s7+$0xC810]  }
0x85: {  	v3 =	vld [tilespmem:s7+$0xC820]  }
0x86: {  	v4 =	vld [tilespmem:s7+$0xC830]  }
0x87: {  	v5 =	vld [tilespmem:s7+$0xC840]  }
0x88: {  	v6 =	vld [tilespmem:s7+$0xC850]  }
0x89: {  	v7 =	vld [tilespmem:s7+$0xC860]  }
0x8a: {  	v8 =	vld [tilespmem:s7+$0xC870]  }
0x8b: {  	v9 =	vld [tilespmem:s7+$0xC880]  }
0x8c: {  	v10 =	vld [tilespmem:s7+$0xC890]  }
0x8d: {  	v11 =	vld [tilespmem:s7+$0xC8A0]  }
0x8e: {  	v12 =	vld [tilespmem:s7+$0xC8B0]  }
0x8f: {  	v13 =	vld [tilespmem:s7+$0xC8C0]  }
0x90: {  	v14 =	vld [tilespmem:s7+$0xC8D0]  }
0x91: {  	[tilespmem:s7+$0x140F0] =	vst.add.f32.msk $0xffff, v0  }
0x92: {  	v0 =	vld [tilespmem:s7+$0xC8E0]  }
0x93: {  	[tilespmem:s7+$0x14000] =	vst.add.f32.msk $0xffff, v1  }
0x94: {  	[tilespmem:s7+$0x14010] =	vst.add.f32.msk $0xffff, v2  }
0x95: {  	[tilespmem:s7+$0x14020] =	vst.add.f32.msk $0xffff, v3  }
0x96: {  	[tilespmem:s7+$0x14030] =	vst.add.f32.msk $0xffff, v4  }
0x97: {  	[tilespmem:s7+$0x14040] =	vst.add.f32.msk $0xffff, v5  }
0x98: {  	[tilespmem:s7+$0x14050] =	vst.add.f32.msk $0xffff, v6  }
0x99: {  	[tilespmem:s7+$0x14060] =	vst.add.f32.msk $0xffff, v7  }
0x9a: {  	[tilespmem:s7+$0x14070] =	vst.add.f32.msk $0xffff, v8  }
0x9b: {  	[tilespmem:s7+$0x14080] =	vst.add.f32.msk $0xffff, v9  }
0x9c: {  	[tilespmem:s7+$0x14090] =	vst.add.f32.msk $0xffff, v10  }
0x9d: {  	[tilespmem:s7+$0x140A0] =	vst.add.f32.msk $0xffff, v11  }
0x9e: {  	[tilespmem:s7+$0x140B0] =	vst.add.f32.msk $0xffff, v12  }
0x9f: {  	[tilespmem:s7+$0x140C0] =	vst.add.f32.msk $0xffff, v13  }
0xa0: {  	s19 =	simm.s32 $0x0;
	s20 =	simm.s32 $0x400;
	[tilespmem:s7+$0x140D0] =	vst.add.f32.msk $0xffff, v14  }
.LBB2_5:
0xa1: {  	s19 =	sadd.s32 $0x2, s19;
	[tilespmem:s7+$0x140E0] =	vst.add.f32.msk $0xffff, v0;
	s7 =	sshra.s32 s20, $0x2  }
0xa2: {  	v0 =	vld [tilespmem:s7+$0xC8F0];
	p0 =	slt.u32 s19, $0x4E  }
0xa3: {  	v1 =	vld [tilespmem:s7+$0xC800]  }
0xa4: {  	v2 =	vld [tilespmem:s7+$0xC810]  }
0xa5: {  	v3 =	vld [tilespmem:s7+$0xC820]  }
0xa6: {  	v4 =	vld [tilespmem:s7+$0xC830]  }
0xa7: {  	[tilespmem:s7+$0x140F0] =	vst.add.f32.msk $0xffff, v0  }
0xa8: {  	v5 =	vld [tilespmem:s7+$0xC840]  }
0xa9: {  	v6 =	vld [tilespmem:s7+$0xC850]  }
0xaa: {  	v7 =	vld [tilespmem:s7+$0xC860]  }
0xab: {  	v8 =	vld [tilespmem:s7+$0xC870]  }
0xac: {  	v9 =	vld [tilespmem:s7+$0xC880]  }
0xad: {  	v10 =	vld [tilespmem:s7+$0xC890]  }
0xae: {  	v11 =	vld [tilespmem:s7+$0xC8A0]  }
0xaf: {  	v12 =	vld [tilespmem:s7+$0xC8B0]  }
0xb0: {  	v13 =	vld [tilespmem:s7+$0xC8C0]  }
0xb1: {  	v14 =	vld [tilespmem:s7+$0xC8D0]  }
0xb2: {  	v0 =	vld [tilespmem:s7+$0xC8E0]  }
0xb3: {  	[tilespmem:s7+$0x14000] =	vst.add.f32.msk $0xffff, v1  }
0xb4: {  	[tilespmem:s7+$0x14010] =	vst.add.f32.msk $0xffff, v2  }
0xb5: {  	[tilespmem:s7+$0x14020] =	vst.add.f32.msk $0xffff, v3  }
0xb6: {  	[tilespmem:s7+$0x14030] =	vst.add.f32.msk $0xffff, v4  }
0xb7: {  	[tilespmem:s7+$0x14040] =	vst.add.f32.msk $0xffff, v5  }
0xb8: {  	[tilespmem:s7+$0x14050] =	vst.add.f32.msk $0xffff, v6  }
0xb9: {  	[tilespmem:s7+$0x14060] =	vst.add.f32.msk $0xffff, v7  }
0xba: {  	[tilespmem:s7+$0x14070] =	vst.add.f32.msk $0xffff, v8  }
0xbb: {  	[tilespmem:s7+$0x14080] =	vst.add.f32.msk $0xffff, v9  }
.Ltmp1:
0xbc: {  	[tilespmem:s7+$0x14090] =	vst.add.f32.msk $0xffff, v10;
	(pc) =	sbr.rel @p0 .LBB2_5-.Ltmp1, $4  }
0xbd: {  	[tilespmem:s7+$0x140A0] =	vst.add.f32.msk $0xffff, v11  }
0xbe: {  	[tilespmem:s7+$0x140B0] =	vst.add.f32.msk $0xffff, v12  }
0xbf: {  	[tilespmem:s7+$0x140C0] =	vst.add.f32.msk $0xffff, v13  }
0xc0: {  	s20 =	sadd.s32 $0x400, s20;
	[tilespmem:s7+$0x140D0] =	vst.add.f32.msk $0xffff, v14  }
0xc1: {  	s11 =	sadd.s32 s9, s8  }
0xc2: {  	s11 =	sshll.u32 s11, $0x4  }
0xc3: {  	[tilespmem:s7+$0x140E0] =	vst.add.f32.msk $0xffff, v0;
	s20 =	sadd.s32 s4, s11  }
0xc4: {  	[hbm4b:s20+s5] =	stream.linear.scatter [tilespmem:s18], [sflag:$0x7], $0x2800, $0x38;
	[tilespmem:$0x1E000] =	vst v63  }
0xc5: {  	_ =	swait.ge [sflag:s2], $0x2800  }
0xc6: {  	p0 =	seq.s32 s23, $0x3F;
	[sflag:s2] =	ssyncset.done $0x0  }
0xc7: {  	s7 =	smul.u32 @!p0 $0xA00, s23;
	[sflag:s2] =	ssyncadd.s32 $0xFFFFD800  }
0xc8: {  	_ =	swait.ge [sflag:s0], $0x2800  }
0xc9: {  	s19 =	simm.s32 @!p0 $0x28;
	s7 =	sshra.s32 @!p0 s7, $0x2;
	[sflag:s0] =	ssyncset.done $0x0  }
0xca: {  	s20 =	simm.s32 @!p0 $0x11800;
	s11 =	sadd.s32 @!p0 $0x280, s7;
	[sflag:s0] =	ssyncadd.s32 $0xFFFFD800  }
0xcb: {  	[tilespmem:s20], [sflag:$0x1] =	stream.indirect.gather @!p0 [hbm4b:s3+s19], $0x80, s11, s19, $0xb8;
	[tilespmem:$0x1E000] =	vst v63  }
0xcc: {  	s11 =	sadd.s32 @!p0 $0x2A8, s7;
	s20 =	simm.s32 @!p0 $0x12C00  }
0xcd: {  	[tilespmem:s20], [sflag:$0x1] =	stream.indirect.gather @!p0 [hbm4b:s3+s19], $0x80, s11, s19, $0xb8;
	[tilespmem:$0x1E000] =	vst v63  }
0xce: {  	s19 =	simm.s32 $0x0  }
0xcf: {  	v0 =	vld [tilespmem:s19+$0xF0F0]  }
0xd0: {  	v1 =	vld [tilespmem:s19+$0xF000]  }
0xd1: {  	v2 =	vld [tilespmem:s19+$0xF010]  }
0xd2: {  	v3 =	vld [tilespmem:s19+$0xF020]  }
0xd3: {  	v4 =	vld [tilespmem:s19+$0xF030]  }
0xd4: {  	v5 =	vld [tilespmem:s19+$0xF040]  }
0xd5: {  	v6 =	vld [tilespmem:s19+$0xF050]  }
0xd6: {  	v7 =	vld [tilespmem:s19+$0xF060]  }
0xd7: {  	v8 =	vld [tilespmem:s19+$0xF070]  }
0xd8: {  	v9 =	vld [tilespmem:s19+$0xF080]  }
0xd9: {  	v10 =	vld [tilespmem:s19+$0xF090]  }
0xda: {  	v11 =	vld [tilespmem:s19+$0xF0A0]  }
0xdb: {  	v12 =	vld [tilespmem:s19+$0xF0B0]  }
0xdc: {  	v13 =	vld [tilespmem:s19+$0xF0C0]  }
0xdd: {  	v14 =	vld [tilespmem:s19+$0xF0D0]  }
0xde: {  	[tilespmem:s19+$0x168F0] =	vst.add.f32.msk $0xffff, v0  }
0xdf: {  	v0 =	vld [tilespmem:s19+$0xF0E0]  }
0xe0: {  	[tilespmem:s19+$0x16800] =	vst.add.f32.msk $0xffff, v1  }
0xe1: {  	[tilespmem:s19+$0x16810] =	vst.add.f32.msk $0xffff, v2  }
0xe2: {  	[tilespmem:s19+$0x16820] =	vst.add.f32.msk $0xffff, v3  }
0xe3: {  	[tilespmem:s19+$0x16830] =	vst.add.f32.msk $0xffff, v4  }
0xe4: {  	[tilespmem:s19+$0x16840] =	vst.add.f32.msk $0xffff, v5  }
0xe5: {  	[tilespmem:s19+$0x16850] =	vst.add.f32.msk $0xffff, v6  }
0xe6: {  	[tilespmem:s19+$0x16860] =	vst.add.f32.msk $0xffff, v7  }
0xe7: {  	[tilespmem:s19+$0x16870] =	vst.add.f32.msk $0xffff, v8  }
0xe8: {  	[tilespmem:s19+$0x16880] =	vst.add.f32.msk $0xffff, v9  }
0xe9: {  	[tilespmem:s19+$0x16890] =	vst.add.f32.msk $0xffff, v10  }
0xea: {  	[tilespmem:s19+$0x168A0] =	vst.add.f32.msk $0xffff, v11  }
0xeb: {  	[tilespmem:s19+$0x168B0] =	vst.add.f32.msk $0xffff, v12  }
0xec: {  	[tilespmem:s19+$0x168C0] =	vst.add.f32.msk $0xffff, v13  }
0xed: {  	s20 =	simm.s32 $0x0;
	s11 =	simm.s32 $0x400;
	[tilespmem:s19+$0x168D0] =	vst.add.f32.msk $0xffff, v14  }
.LBB2_7:
0xee: {  	s20 =	sadd.s32 $0x2, s20;
	[tilespmem:s19+$0x168E0] =	vst.add.f32.msk $0xffff, v0;
	s19 =	sshra.s32 s11, $0x2  }
0xef: {  	v0 =	vld [tilespmem:s19+$0xF0F0];
	p1 =	slt.u32 s20, $0x4E  }
0xf0: {  	v1 =	vld [tilespmem:s19+$0xF000]  }
0xf1: {  	v2 =	vld [tilespmem:s19+$0xF010]  }
0xf2: {  	v3 =	vld [tilespmem:s19+$0xF020]  }
0xf3: {  	v4 =	vld [tilespmem:s19+$0xF030]  }
0xf4: {  	[tilespmem:s19+$0x168F0] =	vst.add.f32.msk $0xffff, v0  }
0xf5: {  	v5 =	vld [tilespmem:s19+$0xF040]  }
0xf6: {  	v6 =	vld [tilespmem:s19+$0xF050]  }
0xf7: {  	v7 =	vld [tilespmem:s19+$0xF060]  }
0xf8: {  	v8 =	vld [tilespmem:s19+$0xF070]  }
0xf9: {  	v9 =	vld [tilespmem:s19+$0xF080]  }
0xfa: {  	v10 =	vld [tilespmem:s19+$0xF090]  }
0xfb: {  	v11 =	vld [tilespmem:s19+$0xF0A0]  }
0xfc: {  	v12 =	vld [tilespmem:s19+$0xF0B0]  }
0xfd: {  	v13 =	vld [tilespmem:s19+$0xF0C0]  }
0xfe: {  	v14 =	vld [tilespmem:s19+$0xF0D0]  }
0xff: {  	v0 =	vld [tilespmem:s19+$0xF0E0]  }
0x100: {  	[tilespmem:s19+$0x16800] =	vst.add.f32.msk $0xffff, v1  }
0x101: {  	[tilespmem:s19+$0x16810] =	vst.add.f32.msk $0xffff, v2  }
0x102: {  	[tilespmem:s19+$0x16820] =	vst.add.f32.msk $0xffff, v3  }
0x103: {  	[tilespmem:s19+$0x16830] =	vst.add.f32.msk $0xffff, v4  }
0x104: {  	[tilespmem:s19+$0x16840] =	vst.add.f32.msk $0xffff, v5  }
0x105: {  	[tilespmem:s19+$0x16850] =	vst.add.f32.msk $0xffff, v6  }
0x106: {  	[tilespmem:s19+$0x16860] =	vst.add.f32.msk $0xffff, v7  }
0x107: {  	[tilespmem:s19+$0x16870] =	vst.add.f32.msk $0xffff, v8  }
0x108: {  	[tilespmem:s19+$0x16880] =	vst.add.f32.msk $0xffff, v9  }
.Ltmp2:
0x109: {  	[tilespmem:s19+$0x16890] =	vst.add.f32.msk $0xffff, v10;
	(pc) =	sbr.rel @p1 .LBB2_7-.Ltmp2, $4  }
0x10a: {  	[tilespmem:s19+$0x168A0] =	vst.add.f32.msk $0xffff, v11  }
0x10b: {  	[tilespmem:s19+$0x168B0] =	vst.add.f32.msk $0xffff, v12  }
0x10c: {  	[tilespmem:s19+$0x168C0] =	vst.add.f32.msk $0xffff, v13  }
0x10d: {  	s11 =	sadd.s32 $0x400, s11;
	[tilespmem:s19+$0x168D0] =	vst.add.f32.msk $0xffff, v14  }
0x10e: {  	s8 =	sadd.s32 s10, s8  }
0x10f: {  	s8 =	sshll.u32 s8, $0x4  }
0x110: {  	[tilespmem:s19+$0x168E0] =	vst.add.f32.msk $0xffff, v0;
	s8 =	sadd.s32 s4, s8  }
0x111: {  	[hbm4b:s8+s5] =	stream.linear.scatter [tilespmem:s22], [sflag:$0x8], $0x2800, $0x38;
	[tilespmem:$0x1E000] =	vst v63  }
0x112: {  	_ =	swait.ge [sflag:s12], $0x2800  }
0x113: {  	[sflag:s12] =	ssyncset.done $0x0  }
0x114: {  	[sflag:s12] =	ssyncadd.s32 $0xFFFFD800  }
0x115: {  	_ =	swait.ge [sflag:s13], $0x2800  }
0x116: {  	s11 =	simm.s32 @!p0 $0x28;
	[sflag:s13] =	ssyncset.done $0x0  }
0x117: {  	s19 =	simm.s32 @!p0 $0x14000;
	s8 =	sadd.s32 @!p0 $0x300, s7;
	[sflag:s13] =	ssyncadd.s32 $0xFFFFD800  }
0x118: {  	[tilespmem:s19], [sflag:$0x2] =	stream.indirect.gather @!p0 [hbm4b:s3+s11], $0x80, s8, s11, $0xb8;
	[tilespmem:$0x1E000] =	vst v63  }
0x119: {  	s8 =	sadd.s32 @!p0 $0x328, s7;
	s19 =	simm.s32 @!p0 $0x15400  }
0x11a: {  	[tilespmem:s19], [sflag:$0x2] =	stream.indirect.gather @!p0 [hbm4b:s3+s11], $0x80, s8, s11, $0xb8;
	[tilespmem:$0x1E000] =	vst v63  }
0x11b: {  	s8 =	simm.s32 $0x0  }
0x11c: {  	v0 =	vld [tilespmem:s8+$0xB4F0]  }
0x11d: {  	v1 =	vld [tilespmem:s8+$0xB400]  }
0x11e: {  	v2 =	vld [tilespmem:s8+$0xB410]  }
0x11f: {  	v3 =	vld [tilespmem:s8+$0xB420]  }
0x120: {  	v4 =	vld [tilespmem:s8+$0xB430]  }
0x121: {  	v5 =	vld [tilespmem:s8+$0xB440]  }
0x122: {  	v6 =	vld [tilespmem:s8+$0xB450]  }
0x123: {  	v7 =	vld [tilespmem:s8+$0xB460]  }
0x124: {  	v8 =	vld [tilespmem:s8+$0xB470]  }
0x125: {  	v9 =	vld [tilespmem:s8+$0xB480]  }
0x126: {  	v10 =	vld [tilespmem:s8+$0xB490]  }
0x127: {  	v11 =	vld [tilespmem:s8+$0xB4A0]  }
0x128: {  	v12 =	vld [tilespmem:s8+$0xB4B0]  }
0x129: {  	v13 =	vld [tilespmem:s8+$0xB4C0]  }
0x12a: {  	v14 =	vld [tilespmem:s8+$0xB4D0]  }
0x12b: {  	[tilespmem:s8+$0x190F0] =	vst.add.f32.msk $0xffff, v0  }
0x12c: {  	v0 =	vld [tilespmem:s8+$0xB4E0]  }
0x12d: {  	[tilespmem:s8+$0x19000] =	vst.add.f32.msk $0xffff, v1  }
0x12e: {  	[tilespmem:s8+$0x19010] =	vst.add.f32.msk $0xffff, v2  }
0x12f: {  	[tilespmem:s8+$0x19020] =	vst.add.f32.msk $0xffff, v3  }
0x130: {  	[tilespmem:s8+$0x19030] =	vst.add.f32.msk $0xffff, v4  }
0x131: {  	[tilespmem:s8+$0x19040] =	vst.add.f32.msk $0xffff, v5  }
0x132: {  	[tilespmem:s8+$0x19050] =	vst.add.f32.msk $0xffff, v6  }
0x133: {  	[tilespmem:s8+$0x19060] =	vst.add.f32.msk $0xffff, v7  }
0x134: {  	[tilespmem:s8+$0x19070] =	vst.add.f32.msk $0xffff, v8  }
0x135: {  	[tilespmem:s8+$0x19080] =	vst.add.f32.msk $0xffff, v9  }
0x136: {  	[tilespmem:s8+$0x19090] =	vst.add.f32.msk $0xffff, v10  }
0x137: {  	[tilespmem:s8+$0x190A0] =	vst.add.f32.msk $0xffff, v11  }
0x138: {  	[tilespmem:s8+$0x190B0] =	vst.add.f32.msk $0xffff, v12  }
0x139: {  	[tilespmem:s8+$0x190C0] =	vst.add.f32.msk $0xffff, v13  }
0x13a: {  	s20 =	simm.s32 $0x0;
	s19 =	smul.u32 $0x50, s24;
	s11 =	simm.s32 $0x400;
	[tilespmem:s8+$0x190D0] =	vst.add.f32.msk $0xffff, v14  }
.LBB2_9:
0x13b: {  	s20 =	sadd.s32 $0x2, s20;
	[tilespmem:s8+$0x190E0] =	vst.add.f32.msk $0xffff, v0;
	s8 =	sshra.s32 s11, $0x2  }
0x13c: {  	v0 =	vld [tilespmem:s8+$0xB4F0];
	p1 =	slt.u32 s20, $0x4E  }
0x13d: {  	v1 =	vld [tilespmem:s8+$0xB400]  }
0x13e: {  	v2 =	vld [tilespmem:s8+$0xB410]  }
0x13f: {  	v3 =	vld [tilespmem:s8+$0xB420]  }
0x140: {  	v4 =	vld [tilespmem:s8+$0xB430]  }
0x141: {  	[tilespmem:s8+$0x190F0] =	vst.add.f32.msk $0xffff, v0  }
0x142: {  	v5 =	vld [tilespmem:s8+$0xB440]  }
0x143: {  	v6 =	vld [tilespmem:s8+$0xB450]  }
0x144: {  	v7 =	vld [tilespmem:s8+$0xB460]  }
0x145: {  	v8 =	vld [tilespmem:s8+$0xB470]  }
0x146: {  	v9 =	vld [tilespmem:s8+$0xB480]  }
0x147: {  	v10 =	vld [tilespmem:s8+$0xB490]  }
0x148: {  	v11 =	vld [tilespmem:s8+$0xB4A0]  }
0x149: {  	v12 =	vld [tilespmem:s8+$0xB4B0]  }
0x14a: {  	v13 =	vld [tilespmem:s8+$0xB4C0]  }
0x14b: {  	v14 =	vld [tilespmem:s8+$0xB4D0]  }
0x14c: {  	v0 =	vld [tilespmem:s8+$0xB4E0]  }
0x14d: {  	[tilespmem:s8+$0x19000] =	vst.add.f32.msk $0xffff, v1  }
0x14e: {  	[tilespmem:s8+$0x19010] =	vst.add.f32.msk $0xffff, v2  }
0x14f: {  	[tilespmem:s8+$0x19020] =	vst.add.f32.msk $0xffff, v3  }
0x150: {  	[tilespmem:s8+$0x19030] =	vst.add.f32.msk $0xffff, v4  }
0x151: {  	[tilespmem:s8+$0x19040] =	vst.add.f32.msk $0xffff, v5  }
0x152: {  	[tilespmem:s8+$0x19050] =	vst.add.f32.msk $0xffff, v6  }
0x153: {  	[tilespmem:s8+$0x19060] =	vst.add.f32.msk $0xffff, v7  }
0x154: {  	[tilespmem:s8+$0x19070] =	vst.add.f32.msk $0xffff, v8  }
0x155: {  	[tilespmem:s8+$0x19080] =	vst.add.f32.msk $0xffff, v9  }
.Ltmp3:
0x156: {  	[tilespmem:s8+$0x19090] =	vst.add.f32.msk $0xffff, v10;
	(pc) =	sbr.rel @p1 .LBB2_9-.Ltmp3, $4  }
0x157: {  	[tilespmem:s8+$0x190A0] =	vst.add.f32.msk $0xffff, v11  }
0x158: {  	[tilespmem:s8+$0x190B0] =	vst.add.f32.msk $0xffff, v12  }
0x159: {  	[tilespmem:s8+$0x190C0] =	vst.add.f32.msk $0xffff, v13  }
0x15a: {  	s11 =	sadd.s32 $0x400, s11;
	[tilespmem:s8+$0x190D0] =	vst.add.f32.msk $0xffff, v14  }
0x15b: {  	s11 =	sadd.s32 s6, s19  }
0x15c: {  	s11 =	sshll.u32 s11, $0x4  }
0x15d: {  	[tilespmem:s8+$0x190E0] =	vst.add.f32.msk $0xffff, v0;
	s24 =	sadd.s32 s4, s11  }
0x15e: {  	[hbm4b:s24+s5] =	stream.linear.scatter [tilespmem:s26], [sflag:$0x9], $0x2800, $0x38;
	[tilespmem:$0x1E000] =	vst v63  }
0x15f: {  	_ =	swait.ge [sflag:s16], $0x2800  }
0x160: {  	[sflag:s16] =	ssyncset.done $0x0  }
0x161: {  	[sflag:s16] =	ssyncadd.s32 $0xFFFFD800  }
0x162: {  	_ =	swait.ge [sflag:s17], $0x2800  }
0x163: {  	s8 =	sadd.s32 @!p0 $0x380, s7;
	[sflag:s17] =	ssyncset.done $0x0  }
0x164: {  	s19 =	simm.s32 @!p0 $0x16800;
	s11 =	simm.s32 @!p0 $0x28;
	[sflag:s17] =	ssyncadd.s32 $0xFFFFD800  }
0x165: {  	[tilespmem:s19], [sflag:$0x3] =	stream.indirect.gather @!p0 [hbm4b:s3+s11], $0x80, s8, s11, $0xb8;
	[tilespmem:$0x1E000] =	vst v63  }
0x166: {  	s7 =	sadd.s32 @!p0 $0x3A8, s7;
	s8 =	simm.s32 @!p0 $0x17C00  }
0x167: {  	[tilespmem:s8], [sflag:$0x3] =	stream.indirect.gather @!p0 [hbm4b:s3+s11], $0x80, s7, s11, $0xb8;
	[tilespmem:$0x1E000] =	vst v63  }
0x168: {  	s7 =	simm.s32 $0x0  }
0x169: {  	v0 =	vld [tilespmem:s7+$0xDCF0]  }
0x16a: {  	v1 =	vld [tilespmem:s7+$0xDC00]  }
0x16b: {  	v2 =	vld [tilespmem:s7+$0xDC10]  }
0x16c: {  	v3 =	vld [tilespmem:s7+$0xDC20]  }
0x16d: {  	v4 =	vld [tilespmem:s7+$0xDC30]  }
0x16e: {  	v5 =	vld [tilespmem:s7+$0xDC40]  }
0x16f: {  	v6 =	vld [tilespmem:s7+$0xDC50]  }
0x170: {  	v7 =	vld [tilespmem:s7+$0xDC60]  }
0x171: {  	v8 =	vld [tilespmem:s7+$0xDC70]  }
0x172: {  	v9 =	vld [tilespmem:s7+$0xDC80]  }
0x173: {  	v10 =	vld [tilespmem:s7+$0xDC90]  }
0x174: {  	v11 =	vld [tilespmem:s7+$0xDCA0]  }
0x175: {  	v12 =	vld [tilespmem:s7+$0xDCB0]  }
0x176: {  	v13 =	vld [tilespmem:s7+$0xDCC0]  }
0x177: {  	v14 =	vld [tilespmem:s7+$0xDCD0]  }
0x178: {  	[tilespmem:s7+$0x1B8F0] =	vst.add.f32.msk $0xffff, v0  }
0x179: {  	v0 =	vld [tilespmem:s7+$0xDCE0]  }
0x17a: {  	[tilespmem:s7+$0x1B800] =	vst.add.f32.msk $0xffff, v1  }
0x17b: {  	[tilespmem:s7+$0x1B810] =	vst.add.f32.msk $0xffff, v2  }
0x17c: {  	[tilespmem:s7+$0x1B820] =	vst.add.f32.msk $0xffff, v3  }
0x17d: {  	[tilespmem:s7+$0x1B830] =	vst.add.f32.msk $0xffff, v4  }
0x17e: {  	[tilespmem:s7+$0x1B840] =	vst.add.f32.msk $0xffff, v5  }
0x17f: {  	[tilespmem:s7+$0x1B850] =	vst.add.f32.msk $0xffff, v6  }
0x180: {  	[tilespmem:s7+$0x1B860] =	vst.add.f32.msk $0xffff, v7  }
0x181: {  	[tilespmem:s7+$0x1B870] =	vst.add.f32.msk $0xffff, v8  }
0x182: {  	[tilespmem:s7+$0x1B880] =	vst.add.f32.msk $0xffff, v9  }
0x183: {  	[tilespmem:s7+$0x1B890] =	vst.add.f32.msk $0xffff, v10  }
0x184: {  	[tilespmem:s7+$0x1B8A0] =	vst.add.f32.msk $0xffff, v11  }
0x185: {  	[tilespmem:s7+$0x1B8B0] =	vst.add.f32.msk $0xffff, v12  }
0x186: {  	[tilespmem:s7+$0x1B8C0] =	vst.add.f32.msk $0xffff, v13  }
0x187: {  	s1 =	smul.u32 $0x50, s1;
	s8 =	simm.s32 $0x0;
	s11 =	simm.s32 $0x400;
	[tilespmem:s7+$0x1B8D0] =	vst.add.f32.msk $0xffff, v14  }
.LBB2_11:
0x188: {  	s8 =	sadd.s32 $0x2, s8;
	[tilespmem:s7+$0x1B8E0] =	vst.add.f32.msk $0xffff, v0;
	s7 =	sshra.s32 s11, $0x2  }
0x189: {  	v0 =	vld [tilespmem:s7+$0xDCF0];
	p0 =	slt.u32 s8, $0x4E  }
0x18a: {  	v1 =	vld [tilespmem:s7+$0xDC00]  }
0x18b: {  	v2 =	vld [tilespmem:s7+$0xDC10]  }
0x18c: {  	v3 =	vld [tilespmem:s7+$0xDC20]  }
0x18d: {  	v4 =	vld [tilespmem:s7+$0xDC30]  }
0x18e: {  	[tilespmem:s7+$0x1B8F0] =	vst.add.f32.msk $0xffff, v0  }
0x18f: {  	v5 =	vld [tilespmem:s7+$0xDC40]  }
0x190: {  	v6 =	vld [tilespmem:s7+$0xDC50]  }
0x191: {  	v7 =	vld [tilespmem:s7+$0xDC60]  }
0x192: {  	v8 =	vld [tilespmem:s7+$0xDC70]  }
0x193: {  	v9 =	vld [tilespmem:s7+$0xDC80]  }
0x194: {  	v10 =	vld [tilespmem:s7+$0xDC90]  }
0x195: {  	v11 =	vld [tilespmem:s7+$0xDCA0]  }
0x196: {  	v12 =	vld [tilespmem:s7+$0xDCB0]  }
0x197: {  	v13 =	vld [tilespmem:s7+$0xDCC0]  }
0x198: {  	v14 =	vld [tilespmem:s7+$0xDCD0]  }
0x199: {  	v0 =	vld [tilespmem:s7+$0xDCE0]  }
0x19a: {  	[tilespmem:s7+$0x1B800] =	vst.add.f32.msk $0xffff, v1  }
0x19b: {  	[tilespmem:s7+$0x1B810] =	vst.add.f32.msk $0xffff, v2  }
0x19c: {  	[tilespmem:s7+$0x1B820] =	vst.add.f32.msk $0xffff, v3  }
0x19d: {  	[tilespmem:s7+$0x1B830] =	vst.add.f32.msk $0xffff, v4  }
0x19e: {  	[tilespmem:s7+$0x1B840] =	vst.add.f32.msk $0xffff, v5  }
0x19f: {  	[tilespmem:s7+$0x1B850] =	vst.add.f32.msk $0xffff, v6  }
0x1a0: {  	[tilespmem:s7+$0x1B860] =	vst.add.f32.msk $0xffff, v7  }
0x1a1: {  	[tilespmem:s7+$0x1B870] =	vst.add.f32.msk $0xffff, v8  }
0x1a2: {  	[tilespmem:s7+$0x1B880] =	vst.add.f32.msk $0xffff, v9  }
.Ltmp4:
0x1a3: {  	[tilespmem:s7+$0x1B890] =	vst.add.f32.msk $0xffff, v10;
	(pc) =	sbr.rel @p0 .LBB2_11-.Ltmp4, $4  }
0x1a4: {  	[tilespmem:s7+$0x1B8A0] =	vst.add.f32.msk $0xffff, v11  }
0x1a5: {  	[tilespmem:s7+$0x1B8B0] =	vst.add.f32.msk $0xffff, v12  }
0x1a6: {  	[tilespmem:s7+$0x1B8C0] =	vst.add.f32.msk $0xffff, v13  }
0x1a7: {  	s11 =	sadd.s32 $0x400, s11;
	[tilespmem:s7+$0x1B8D0] =	vst.add.f32.msk $0xffff, v14  }
0x1a8: {  	s23 =	sadd.s32 $0x1, s23  }
0x1a9: {  	p0 =	sne.s32 s23, $0x40  }
.Ltmp5:
0x1aa: {  	_ = 	snop;
	(pc) =	sbr.rel @p0 .LBB2_2-.Ltmp5, $4  }
0x1ab: {  	s1 =	sadd.s32 s6, s1  }
0x1ac: {  	s1 =	sshll.u32 s1, $0x4  }
0x1ad: {  	[tilespmem:s7+$0x1B8E0] =	vst.add.f32.msk $0xffff, v0;
	s1 =	sadd.s32 s4, s1  }
0x1ae: {  	[hbm4b:s1+s5] =	stream.linear.scatter [tilespmem:s30], [sflag:$0xA], $0x2800, $0x38;
	[tilespmem:$0x1E000] =	vst v63  }
0x1af: {  	s1 =	simm.s32 $0x9  }
0x1b0: {  	_ =	swait.ge [sflag:s1], $0x2800  }
0x1b1: {  	[sflag:s1] =	ssyncset.done $0x0  }
0x1b2: {  	s7 =	simm.s32 $0xA;
	[sflag:s1] =	ssyncadd.s32 $0xFFFFD800  }
0x1b3: {  	_ =	swait.ge [sflag:s7], $0x2800  }
0x1b4: {  	s21 =	sadd.s32 $0x1, s21;
	s24 =	rddreg [dreg:$0x6]  }
0x1b5: {  	p0 =	sne.s32 s21, s24  }
.Ltmp6:
0x1b6: {  	_ = 	snop;
	(pc) =	sbr.rel @p0 .LBB2_1-.Ltmp6, $3  }
0x1b7: {  	_ =	sdelay $0x1  }
0x1b8: {  	[sflag:s7] =	ssyncset.done $0x0  }
0x1b9: {  	[sflag:s7] =	ssyncadd.s32 $0xFFFFD800  }
0x1ba: {  	_ =	sfence.sel $0x180000  }
0x1bb: {  	[bflag:$0x0] =	sbarrier.arrive $0xFFFF  }
0x1bc: {  	_ =	strace $0x90000047  }
0x1bd: {  	s0 =	stileid.u32;
	[bflag:$0x2] =	sbarrier.arrive $0xFFFF  }
0x1be: {  	p0 =	sne.s32 s0, $0x0;
	s0 =	rddreg [dreg:$0x4]  }
0x1bf: {  	s0 =	sadd.s32 @!p0 $0x100000, s0  }
0x1c0: {  	[sflag:s0] =	ssyncadd.tile.s32 @!p0 $0x1;
	_ =	shalt  }
.Lfunc_end2:
_tile_overlayer_lowered:
.L_overlay_start_2:
0x1c1: {  	(tag) =	ssettag $0x2  }
0x1c2: {  	s0 =	rddreg [dreg:$0x0];
	s2 =	stileid.u32  }
0x1c3: {  	s1 =	rddreg [dreg:$0x1];
	p0 =	sne.s32 s2, $0x0  }
0x1c4: {  	s3 =	rddreg [dreg:$0x2];
	[bflag:$0x3] =	sbarrier.arrive $0xFFFF;
	s2 =	simm.s32 @!p0 $0x1C0B  }
0x1c5: {  	[timem:s3], [sflag:s2] =	dma.local @!p0 [hbm:s0], s1  }
0x1c6: {  	s0 =	simm.s32 @!p0 $0xB  }
0x1c7: {  	_ =	swait.ge @!p0 [sflag:s0], s1  }
0x1c8: {  	s1 =	ssub.s32 @!p0 $0x0, s1;
	[sflag:s0] =	ssyncset.done @!p0 $0x0  }
0x1c9: {  	[sflag:s0] =	ssyncadd.s32 @!p0 s1  }
0x1ca: {  	[bflag:$0x3] =	sbarrier.arrive $0xFFFF  }
0x1cb: {  	_ =	shalt  }

</sc_bundles>
